<compile_context>
chip_gen: v7x
topology: tpu7x:2x2x1
jax: 0.10.2.dev20260603
libtpu: 0.0.44.dev20260713+nightly
codegen_flags: <defaults>
</compile_context>

<pallas_src>
import functools

import jax
import jax.numpy as jnp
from jax import lax
from jax.experimental import pallas as pl
from jax.experimental.pallas import tpu as pltpu
from jax.experimental.pallas import tpu_sc as plsc

N = 10000
E = 320000
D = 128

C = 32
BLOCK = 6
NBLK0 = 97
NBLK1 = 9
CPT0 = BLOCK * NBLK0
CPT1 = BLOCK * NBLK1
NCH = 16 * (CPT0 + CPT1)
EPAD = NCH * C
PADN = 10240
BC = BLOCK * C
RPT = PADN // 16


@functools.lru_cache(maxsize=1)
def _build_sc():
    mesh = plsc.VectorSubcoreMesh(core_axis_name="c", subcore_axis_name="s")

    @functools.partial(
        pl.kernel,
        mesh=mesh,
        out_type=[
            jax.ShapeDtypeStruct((2, PADN, D), jnp.float32),
            jax.ShapeDtypeStruct((2 * PADN,), jnp.float32),
        ],
        scratch_types=[
            pltpu.VMEM((2 * 3 * BLOCK * C,), jnp.int32),
            pltpu.VMEM((3, C, D), jnp.float32),
            pltpu.VMEM((3, C, D), jnp.float32),
            pltpu.VMEM((C,), jnp.float32),
            pltpu.VMEM((128,), jnp.float32),
            pltpu.VMEM_SHARED((PADN, D), jnp.float32),
            pltpu.VMEM_SHARED((PADN,), jnp.float32),
            pltpu.SemaphoreType.DMA((3,)),
            pltpu.SemaphoreType.DMA((3,)),
            pltpu.SemaphoreType.DMA,
        ],
    )
    def sc_agg(nodes_hbm, rel_hbm, edges_hbm, out_acc, out_cnt,
               eidx, nbuf, rbuf, ones_v, z1,
               acc, cnt, gsem, ssem, isem):
        c = lax.axis_index("c")
        s = lax.axis_index("s")
        is0 = c == 0
        tile_chunk0 = jnp.where(is0, s * CPT0, 16 * CPT0 + s * CPT1)
        nblk_c = jnp.where(is0, NBLK0, NBLK1)
        cpt_c = nblk_c * BLOCK

        zeros16 = jnp.zeros((16,), jnp.float32)
        ones16 = jnp.ones((16,), jnp.float32)
        for t in range(C // 16):
            ones_v[pl.ds(t * 16, 16)] = ones16
        for t in range(128 // 16):
            z1[pl.ds(t * 16, 16)] = zeros16

        def zrow(i, carry):
            for t2 in range(D // 16):
                nbuf[0, i, pl.ds(t2 * 16, 16)] = zeros16
            return carry
        lax.fori_loop(0, C, zrow, 0)

        row_base = s * RPT
        for i in range(RPT // C):
            pltpu.async_copy(nbuf.at[0], acc.at[pl.ds(row_base + i * C, C)],
                             gsem.at[0])
        for r in range(5):
            pltpu.async_copy(z1, cnt.at[pl.ds(row_base + r * 128, 128)],
                             gsem.at[1])
        for i in range(RPT // C):
            pltpu.make_async_copy(
                nbuf.at[0], acc.at[pl.ds(row_base + i * C, C)],
                gsem.at[0]).wait()
        for r in range(5):
            pltpu.make_async_copy(
                z1, cnt.at[pl.ds(row_base + r * 128, 128)], gsem.at[1]).wait()
        plsc.subcore_barrier()

        def issue_scatters(b, idx_ref):
            pltpu.async_copy(nbuf.at[b], acc.at[idx_ref], ssem.at[b],
                             add=True)
            pltpu.async_copy(rbuf.at[b], acc.at[idx_ref], ssem.at[b],
                             add=True)
            pltpu.async_copy(ones_v, cnt.at[idx_ref], ssem.at[b], add=True)

        def wait_scatters(b, idx_ref):
            pltpu.make_async_copy(
                nbuf.at[b], acc.at[idx_ref], ssem.at[b]).wait()
            pltpu.make_async_copy(
                rbuf.at[b], acc.at[idx_ref], ssem.at[b]).wait()
            pltpu.make_async_copy(ones_v, cnt.at[idx_ref], ssem.at[b]).wait()

        def issue_gathers(b, src_ref, rel_ref):
            pltpu.async_copy(nodes_hbm.at[src_ref], nbuf.at[b], gsem.at[b])
            pltpu.async_copy(rel_hbm.at[rel_ref], rbuf.at[b], gsem.at[b])

        def wait_gathers(b, src_ref, rel_ref):
            pltpu.make_async_copy(
                nodes_hbm.at[src_ref], nbuf.at[b], gsem.at[b]).wait()
            pltpu.make_async_copy(
                rel_hbm.at[rel_ref], rbuf.at[b], gsem.at[b]).wait()

        def load_idx_block(blk, slot, sem):
            base = (tile_chunk0 + blk * BLOCK) * C
            for t in range(3):
                pltpu.async_copy(
                    edges_hbm.at[pl.ds(t * EPAD + base, BC)],
                    eidx.at[pl.ds(slot * 3 * BC + t * BC, BC)], sem)

        def wait_idx_block(blk, slot, sem):
            base = (tile_chunk0 + blk * BLOCK) * C
            for t in range(3):
                pltpu.make_async_copy(
                    edges_hbm.at[pl.ds(t * EPAD + base, BC)],
                    eidx.at[pl.ds(slot * 3 * BC + t * BC, BC)], sem).wait()

        def idx_ref(eb, u, t):
            return eidx.at[pl.ds(eb * 3 * BC + t * BC + u * C, C)]

        load_idx_block(0, 0, isem)
        wait_idx_block(0, 0, isem)

        @pl.when(nblk_c > 1)
        def _():
            load_idx_block(1, 1, isem)
        issue_gathers(0, idx_ref(0, 0, 0), idx_ref(0, 0, 1))
        issue_gathers(1, idx_ref(0, 1, 0), idx_ref(0, 1, 1))

        def chunk_body(j, carry):
            b = j % 3
            bn = (j + 2) % 3
            blk = j // BLOCK
            u = j % BLOCK
            eb = blk % 2
            wait_gathers(b, idx_ref(eb, u, 0), idx_ref(eb, u, 1))
            issue_scatters(b, idx_ref(eb, u, 2))

            @pl.when((j >= 1) & (j + 2 < cpt_c))
            def _():
                wait_scatters(bn, idx_ref(eb, u, 2))

            @pl.when((u == 0) & (j >= 1) & (blk + 1 < nblk_c))
            def _():
                load_idx_block(blk + 1, 1 - eb, isem)

            @pl.when((u == BLOCK - 2) & (blk + 1 < nblk_c))
            def _():
                wait_idx_block(blk + 1, 1 - eb, isem)

            @pl.when(j + 2 < cpt_c)
            def _():
                j2 = j + 2
                e2 = (j2 // BLOCK) % 2
                u2 = j2 % BLOCK
                issue_gathers(bn, idx_ref(e2, u2, 0), idx_ref(e2, u2, 1))
            return carry

        lax.fori_loop(0, cpt_c, chunk_body, 0)
        for k in range(3):
            wait_scatters(k, idx_ref(0, 0, 2))
        plsc.subcore_barrier()

        pltpu.async_copy(acc.at[pl.ds(row_base, RPT)],
                         out_acc.at[c, pl.ds(row_base, RPT)], gsem.at[0])
        pltpu.async_copy(cnt.at[pl.ds(row_base, RPT)],
                         out_cnt.at[pl.ds(c * PADN + row_base, RPT)],
                         gsem.at[1])
        pltpu.make_async_copy(acc.at[pl.ds(row_base, RPT)],
                              out_acc.at[c, pl.ds(row_base, RPT)],
                              gsem.at[0]).wait()
        pltpu.make_async_copy(cnt.at[pl.ds(row_base, RPT)],
                              out_cnt.at[pl.ds(c * PADN + row_base, RPT)],
                              gsem.at[1]).wait()

    return sc_agg


def _combine_body(n_ref, a_ref, c_ref, wn_ref, ws_ref, we_ref, o_ref):
    nodes = n_ref[...]
    agg = a_ref[0] + a_ref[1]
    cnt = c_ref[0] + c_ref[1]
    is_dst = cnt > 0.0
    msg = jnp.dot(agg, wn_ref[...], preferred_element_type=jnp.float32)
    sl_s = jnp.dot(nodes, ws_ref[...], preferred_element_type=jnp.float32)
    sl_e = jnp.dot(nodes, we_ref[...], preferred_element_type=jnp.float32)
    o_ref[...] = nodes + msg + jnp.where(is_dst, sl_s, sl_e)


def _combine(nodes, acc2, cnt3, wn, ws, we):
    BLK = 400
    return pl.pallas_call(
        _combine_body,
        grid=(N // BLK,),
        in_specs=[
            pl.BlockSpec((BLK, D), lambda i: (i, 0)),
            pl.BlockSpec((2, BLK, D), lambda i: (0, i, 0)),
            pl.BlockSpec((2, BLK, 1), lambda i: (0, i, 0)),
            pl.BlockSpec((D, D), lambda i: (0, 0)),
            pl.BlockSpec((D, D), lambda i: (0, 0)),
            pl.BlockSpec((D, D), lambda i: (0, 0)),
        ],
        out_specs=pl.BlockSpec((BLK, D), lambda i: (i, 0)),
        out_shape=jax.ShapeDtypeStruct((N, D), jnp.float32),
    )(nodes, acc2, cnt3, wn, ws, we)


def kernel(nodes_embed, relation_embed, edges, w_neighbor, w_self,
           w_self_evolve):
    pad = EPAD - E
    zpad = jnp.zeros((pad,), jnp.int32)
    packed = jnp.concatenate([
        edges[:, 0], zpad,
        edges[:, 1], zpad,
        edges[:, 2], jnp.full((pad,), PADN - 1, jnp.int32),
    ])
    acc2, cnt2 = _build_sc()(nodes_embed, relation_embed, packed)
    cnt3 = cnt2.reshape(2, PADN, 1)
    return _combine(nodes_embed, acc2, cnt3,
                    w_neighbor, w_self, w_self_evolve)

# --- scband reference (transcript-rebuilt; emitter-appended) ---
"""Pipeline reference for scband-urgcnlayer-64854006169647 (READ-ONLY COPY).

The authoritative reference and input builder live on the scoring server;
editing this copy changes nothing except your own understanding.
"""

import jax, jax.numpy as jnp
import numpy as np

N = 10000
E = 320000
D = 128

def _xavier_uniform(key, shape, gain):
    fan_in, fan_out = shape[0], shape[1]
    limit = gain * np.sqrt(6.0 / (fan_in + fan_out))
    return jax.random.uniform(key, shape, dtype=jnp.float32, minval=-limit, maxval=limit)

def setup_inputs(seed: int = 0) -> dict:
    key = jax.random.key(seed)
    k1, k2, k3, k4, k5, k6 = jax.random.split(key, 6)
    gain = np.sqrt(2.0)  # calculate_gain('relu')
    nodes_embed = jax.random.normal(k1, (N, D), dtype=jnp.float32)
    relation_embed = jax.random.normal(k2, (N, D), dtype=jnp.float32)
    edges = jax.random.randint(k3, (E, 3), 0, N, dtype=jnp.int32)
    w_neighbor = _xavier_uniform(k4, (D, D), gain)
    w_self = _xavier_uniform(k5, (D, D), gain)
    w_self_evolve = _xavier_uniform(k6, (D, D), gain)
    return {
        "nodes_embed": nodes_embed,
        "relation_embed": relation_embed,
        "edges": edges,
        "w_neighbor": w_neighbor,
        "w_self": w_self,
        "w_self_evolve": w_self_evolve,
    }

def reference(nodes_embed, relation_embed, edges, w_neighbor, w_self, w_self_evolve):
    src = edges[:, 0]
    rel = edges[:, 1]
    dst = edges[:, 2]
    num_nodes = nodes_embed.shape[0]
    # self-loop messages: w_self_evolve everywhere, w_self for nodes that appear as a destination
    sl_evolve = jnp.dot(nodes_embed, w_self_evolve)
    sl_self = jnp.dot(nodes_embed, w_self)
    counts = jnp.zeros((num_nodes,), dtype=jnp.float32).at[dst].add(1.0)
    is_dst = counts > 0
    sl_msg = jnp.where(is_dst[:, None], sl_self, sl_evolve)
    # neighbor messages: gather src node + relation embeddings, project, scatter-add to dst
    msg = jnp.dot(nodes_embed[src] + relation_embed[rel], w_neighbor)
    msg_agg = jax.ops.segment_sum(msg, dst, num_segments=num_nodes)
    # new_nodes_embed = clone(nodes_embed); new[agg_index] += msg_agg  == nodes_embed + full scatter-add
    new_nodes_embed = nodes_embed + msg_agg + sl_msg
    # active=False -> no relu; dropout p=0 -> identity
    return new_nodes_embed

if __name__ == "__main__":
    import jax
    _d = setup_inputs()
    print(jax.jit(kernel)(*tuple(_d.values())))

</pallas_src>

<mosaic_0001>
#map = affine_map<(d0, d1) -> (0, 0)>
#map1 = affine_map<(d0, d1) -> (0)>
#map2 = affine_map<(d0, d1) -> (0, 0, 0)>
module attributes {stable_mosaic.version = 14 : i64} {
  func.func @sc_agg(%arg0: i32, %arg1: i32, %arg2: memref<10000x128xf32, #tpu.memory_space<hbm>>, %arg3: memref<10000x128xf32, #tpu.memory_space<hbm>>, %arg4: memref<976896xi32, #tpu.memory_space<hbm>>, %arg5: memref<2x10240x128xf32, #tpu.memory_space<hbm>>, %arg6: memref<20480xf32, #tpu.memory_space<hbm>>, %arg7: memref<1152xi32, #tpu.memory_space<vmem>>, %arg8: memref<3x32x128xf32, #tpu.memory_space<vmem>>, %arg9: memref<3x32x128xf32, #tpu.memory_space<vmem>>, %arg10: memref<32xf32, #tpu.memory_space<vmem>>, %arg11: memref<128xf32, #tpu.memory_space<vmem>>, %arg12: memref<10240x128xf32, #tpu.memory_space<vmem_shared>>, %arg13: memref<10240xf32, #tpu.memory_space<vmem_shared>>, %arg14: memref<3x!tpu.dma_semaphore, #tpu.memory_space<semaphore_mem>>, %arg15: memref<3x!tpu.dma_semaphore, #tpu.memory_space<semaphore_mem>>, %arg16: memref<!tpu.dma_semaphore, #tpu.memory_space<semaphore_mem>>) attributes {dimension_semantics = [#tpu.dimension_semantics<core_parallel>, #tpu.dimension_semantics<subcore_parallel>], iteration_bounds = array<i64: 2, 16>, scalar_prefetch = 0 : i64, scratch_operands = 10 : i64, tpu.core_type = #tpu.core_type<sc_vector_subcore>, window_params = [{transform_indices = #map}, {transform_indices = #map}, {transform_indices = #map1}, {transform_indices = #map2}, {transform_indices = #map1}]} {
    %eq3A = arith.constant 0 : i32
    %eq3A_0 = arith.cmpi eq, %arg0, %eq3A : i32
    %mul3A = arith.constant 582 : i32
    %mul3A_1 = arith.muli %arg1, %mul3A : i32
    %mul3A_2 = arith.constant 54 : i32
    %mul3A_3 = arith.muli %arg1, %mul3A_2 : i32
    %add3A = arith.constant 9312 : i32
    %add3A_4 = arith.addi %add3A, %mul3A_3 : i32
    %select_n3A = arith.select %eq3A_0, %mul3A_1, %add3A_4 : i32
    %jit3A = arith.constant 97 : i32
    %jit3A_5 = arith.constant 9 : i32
    %select_n3A_6 = arith.select %eq3A_0, %jit3A, %jit3A_5 : i32
    %mul3A_7 = arith.constant 6 : i32
    %mul3A_8 = arith.muli %select_n3A_6, %mul3A_7 : i32
    %broadcast_in_dim3A = arith.constant 0.000000e+00 : f32
    %broadcast_in_dim3A_9 = vector.broadcast %broadcast_in_dim3A : f32 to vector<16xf32>
    %broadcast_in_dim3A_10 = arith.constant 1.000000e+00 : f32
    %broadcast_in_dim3A_11 = vector.broadcast %broadcast_in_dim3A_10 : f32 to vector<16xf32>
    %swap3A = arith.constant 0 : index
    %swap3A_12 = tpu.vector_load %arg10[%swap3A] {strides = array<i32>} : memref<32xf32, #tpu.memory_space<vmem>>, vector<16xf32>,
    %swap3A_13 = vector.shape_cast %swap3A_12 : vector<16xf32> to vector<16xf32>
    %swap3A_14 = vector.shape_cast %broadcast_in_dim3A_11 : vector<16xf32> to vector<16xf32>
    tpu.vector_store %arg10[%swap3A], %swap3A_14 {strides = array<i32>} : memref<32xf32, #tpu.memory_space<vmem>>, vector<16xf32>,
    %swap3A_15 = arith.constant 16 : index
    %swap3A_16 = tpu.vector_load %arg10[%swap3A_15] {strides = array<i32>} : memref<32xf32, #tpu.memory_space<vmem>>, vector<16xf32>,
    %swap3A_17 = vector.shape_cast %swap3A_16 : vector<16xf32> to vector<16xf32>
    %swap3A_18 = vector.shape_cast %broadcast_in_dim3A_11 : vector<16xf32> to vector<16xf32>
    tpu.vector_store %arg10[%swap3A_15], %swap3A_18 {strides = array<i32>} : memref<32xf32, #tpu.memory_space<vmem>>, vector<16xf32>,
    %swap3A_19 = arith.constant 0 : index
    %swap3A_20 = tpu.vector_load %arg11[%swap3A_19] {strides = array<i32>} : memref<128xf32, #tpu.memory_space<vmem>>, vector<16xf32>,
    %swap3A_21 = vector.shape_cast %swap3A_20 : vector<16xf32> to vector<16xf32>
    %swap3A_22 = vector.shape_cast %broadcast_in_dim3A_9 : vector<16xf32> to vector<16xf32>
    tpu.vector_store %arg11[%swap3A_19], %swap3A_22 {strides = array<i32>} : memref<128xf32, #tpu.memory_space<vmem>>, vector<16xf32>,
    %swap3A_23 = arith.constant 16 : index
    %swap3A_24 = tpu.vector_load %arg11[%swap3A_23] {strides = array<i32>} : memref<128xf32, #tpu.memory_space<vmem>>, vector<16xf32>,
    %swap3A_25 = vector.shape_cast %swap3A_24 : vector<16xf32> to vector<16xf32>
    %swap3A_26 = vector.shape_cast %broadcast_in_dim3A_9 : vector<16xf32> to vector<16xf32>
    tpu.vector_store %arg11[%swap3A_23], %swap3A_26 {strides = array<i32>} : memref<128xf32, #tpu.memory_space<vmem>>, vector<16xf32>,
    %swap3A_27 = arith.constant 32 : index
    %swap3A_28 = tpu.vector_load %arg11[%swap3A_27] {strides = array<i32>} : memref<128xf32, #tpu.memory_space<vmem>>, vector<16xf32>,
    %swap3A_29 = vector.shape_cast %swap3A_28 : vector<16xf32> to vector<16xf32>
    %swap3A_30 = vector.shape_cast %broadcast_in_dim3A_9 : vector<16xf32> to vector<16xf32>
    tpu.vector_store %arg11[%swap3A_27], %swap3A_30 {strides = array<i32>} : memref<128xf32, #tpu.memory_space<vmem>>, vector<16xf32>,
    %swap3A_31 = arith.constant 48 : index
    %swap3A_32 = tpu.vector_load %arg11[%swap3A_31] {strides = array<i32>} : memref<128xf32, #tpu.memory_space<vmem>>, vector<16xf32>,
    %swap3A_33 = vector.shape_cast %swap3A_32 : vector<16xf32> to vector<16xf32>
    %swap3A_34 = vector.shape_cast %broadcast_in_dim3A_9 : vector<16xf32> to vector<16xf32>
    tpu.vector_store %arg11[%swap3A_31], %swap3A_34 {strides = array<i32>} : memref<128xf32, #tpu.memory_space<vmem>>, vector<16xf32>,
    %swap3A_35 = arith.constant 64 : index
    %swap3A_36 = tpu.vector_load %arg11[%swap3A_35] {strides = array<i32>} : memref<128xf32, #tpu.memory_space<vmem>>, vector<16xf32>,
    %swap3A_37 = vector.shape_cast %swap3A_36 : vector<16xf32> to vector<16xf32>
    %swap3A_38 = vector.shape_cast %broadcast_in_dim3A_9 : vector<16xf32> to vector<16xf32>
    tpu.vector_store %arg11[%swap3A_35], %swap3A_38 {strides = array<i32>} : memref<128xf32, #tpu.memory_space<vmem>>, vector<16xf32>,
    %swap3A_39 = arith.constant 80 : index
    %swap3A_40 = tpu.vector_load %arg11[%swap3A_39] {strides = array<i32>} : memref<128xf32, #tpu.memory_space<vmem>>, vector<16xf32>,
    %swap3A_41 = vector.shape_cast %swap3A_40 : vector<16xf32> to vector<16xf32>
    %swap3A_42 = vector.shape_cast %broadcast_in_dim3A_9 : vector<16xf32> to vector<16xf32>
    tpu.vector_store %arg11[%swap3A_39], %swap3A_42 {strides = array<i32>} : memref<128xf32, #tpu.memory_space<vmem>>, vector<16xf32>,
    %swap3A_43 = arith.constant 96 : index
    %swap3A_44 = tpu.vector_load %arg11[%swap3A_43] {strides = array<i32>} : memref<128xf32, #tpu.memory_space<vmem>>, vector<16xf32>,
    %swap3A_45 = vector.shape_cast %swap3A_44 : vector<16xf32> to vector<16xf32>
    %swap3A_46 = vector.shape_cast %broadcast_in_dim3A_9 : vector<16xf32> to vector<16xf32>
    tpu.vector_store %arg11[%swap3A_43], %swap3A_46 {strides = array<i32>} : memref<128xf32, #tpu.memory_space<vmem>>, vector<16xf32>,
    %swap3A_47 = arith.constant 112 : index
    %swap3A_48 = tpu.vector_load %arg11[%swap3A_47] {strides = array<i32>} : memref<128xf32, #tpu.memory_space<vmem>>, vector<16xf32>,
    %swap3A_49 = vector.shape_cast %swap3A_48 : vector<16xf32> to vector<16xf32>
    %swap3A_50 = vector.shape_cast %broadcast_in_dim3A_9 : vector<16xf32> to vector<16xf32>
    tpu.vector_store %arg11[%swap3A_47], %swap3A_50 {strides = array<i32>} : memref<128xf32, #tpu.memory_space<vmem>>, vector<16xf32>,
    %scan3A = arith.constant 0 : i32
    %scan3A_51 = arith.constant 0 : i32
    %scan3A_52 = arith.constant 32 : i32
    %scan3A_53 = arith.addi %scan3A_51, %scan3A_52 : i32
    %scan3A_54 = arith.constant 1 : i32
    scf.for %scan3A_1097 = %scan3A_51 to %scan3A_53 step %scan3A_54  : i32 {
      %swap3A_1098 = arith.constant 0 : i32
      %swap3A_1099 = arith.index_cast %swap3A_1098 : i32 to index
      %swap3A_1100 = arith.index_cast %scan3A_1097 : i32 to index
      %swap3A_1101 = arith.constant 0 : index
      %swap3A_1102 = tpu.vector_load %arg8[%swap3A_1099, %swap3A_1100, %swap3A_1101] {strides = array<i32>} : memref<3x32x128xf32, #tpu.memory_space<vmem>>, vector<1x1x16xf32>,
      %swap3A_1103 = vector.shape_cast %swap3A_1102 : vector<1x1x16xf32> to vector<16xf32>
      %swap3A_1104 = vector.shape_cast %broadcast_in_dim3A_9 : vector<16xf32> to vector<1x1x16xf32>
      tpu.vector_store %arg8[%swap3A_1099, %swap3A_1100, %swap3A_1101], %swap3A_1104 {strides = array<i32>} : memref<3x32x128xf32, #tpu.memory_space<vmem>>, vector<1x1x16xf32>,
      %swap3A_1105 = arith.constant 0 : i32
      %swap3A_1106 = arith.index_cast %swap3A_1105 : i32 to index
      %swap3A_1107 = arith.index_cast %scan3A_1097 : i32 to index
      %swap3A_1108 = arith.constant 16 : index
      %swap3A_1109 = tpu.vector_load %arg8[%swap3A_1106, %swap3A_1107, %swap3A_1108] {strides = array<i32>} : memref<3x32x128xf32, #tpu.memory_space<vmem>>, vector<1x1x16xf32>,
      %swap3A_1110 = vector.shape_cast %swap3A_1109 : vector<1x1x16xf32> to vector<16xf32>
      %swap3A_1111 = vector.shape_cast %broadcast_in_dim3A_9 : vector<16xf32> to vector<1x1x16xf32>
      tpu.vector_store %arg8[%swap3A_1106, %swap3A_1107, %swap3A_1108], %swap3A_1111 {strides = array<i32>} : memref<3x32x128xf32, #tpu.memory_space<vmem>>, vector<1x1x16xf32>,
      %swap3A_1112 = arith.constant 0 : i32
      %swap3A_1113 = arith.index_cast %swap3A_1112 : i32 to index
      %swap3A_1114 = arith.index_cast %scan3A_1097 : i32 to index
      %swap3A_1115 = arith.constant 32 : index
      %swap3A_1116 = tpu.vector_load %arg8[%swap3A_1113, %swap3A_1114, %swap3A_1115] {strides = array<i32>} : memref<3x32x128xf32, #tpu.memory_space<vmem>>, vector<1x1x16xf32>,
      %swap3A_1117 = vector.shape_cast %swap3A_1116 : vector<1x1x16xf32> to vector<16xf32>
      %swap3A_1118 = vector.shape_cast %broadcast_in_dim3A_9 : vector<16xf32> to vector<1x1x16xf32>
      tpu.vector_store %arg8[%swap3A_1113, %swap3A_1114, %swap3A_1115], %swap3A_1118 {strides = array<i32>} : memref<3x32x128xf32, #tpu.memory_space<vmem>>, vector<1x1x16xf32>,
      %swap3A_1119 = arith.constant 0 : i32
      %swap3A_1120 = arith.index_cast %swap3A_1119 : i32 to index
      %swap3A_1121 = arith.index_cast %scan3A_1097 : i32 to index
      %swap3A_1122 = arith.constant 48 : index
      %swap3A_1123 = tpu.vector_load %arg8[%swap3A_1120, %swap3A_1121, %swap3A_1122] {strides = array<i32>} : memref<3x32x128xf32, #tpu.memory_space<vmem>>, vector<1x1x16xf32>,
      %swap3A_1124 = vector.shape_cast %swap3A_1123 : vector<1x1x16xf32> to vector<16xf32>
      %swap3A_1125 = vector.shape_cast %broadcast_in_dim3A_9 : vector<16xf32> to vector<1x1x16xf32>
      tpu.vector_store %arg8[%swap3A_1120, %swap3A_1121, %swap3A_1122], %swap3A_1125 {strides = array<i32>} : memref<3x32x128xf32, #tpu.memory_space<vmem>>, vector<1x1x16xf32>,
      %swap3A_1126 = arith.constant 0 : i32
      %swap3A_1127 = arith.index_cast %swap3A_1126 : i32 to index
      %swap3A_1128 = arith.index_cast %scan3A_1097 : i32 to index
      %swap3A_1129 = arith.constant 64 : index
      %swap3A_1130 = tpu.vector_load %arg8[%swap3A_1127, %swap3A_1128, %swap3A_1129] {strides = array<i32>} : memref<3x32x128xf32, #tpu.memory_space<vmem>>, vector<1x1x16xf32>,
      %swap3A_1131 = vector.shape_cast %swap3A_1130 : vector<1x1x16xf32> to vector<16xf32>
      %swap3A_1132 = vector.shape_cast %broadcast_in_dim3A_9 : vector<16xf32> to vector<1x1x16xf32>
      tpu.vector_store %arg8[%swap3A_1127, %swap3A_1128, %swap3A_1129], %swap3A_1132 {strides = array<i32>} : memref<3x32x128xf32, #tpu.memory_space<vmem>>, vector<1x1x16xf32>,
      %swap3A_1133 = arith.constant 0 : i32
      %swap3A_1134 = arith.index_cast %swap3A_1133 : i32 to index
      %swap3A_1135 = arith.index_cast %scan3A_1097 : i32 to index
      %swap3A_1136 = arith.constant 80 : index
      %swap3A_1137 = tpu.vector_load %arg8[%swap3A_1134, %swap3A_1135, %swap3A_1136] {strides = array<i32>} : memref<3x32x128xf32, #tpu.memory_space<vmem>>, vector<1x1x16xf32>,
      %swap3A_1138 = vector.shape_cast %swap3A_1137 : vector<1x1x16xf32> to vector<16xf32>
      %swap3A_1139 = vector.shape_cast %broadcast_in_dim3A_9 : vector<16xf32> to vector<1x1x16xf32>
      tpu.vector_store %arg8[%swap3A_1134, %swap3A_1135, %swap3A_1136], %swap3A_1139 {strides = array<i32>} : memref<3x32x128xf32, #tpu.memory_space<vmem>>, vector<1x1x16xf32>,
      %swap3A_1140 = arith.constant 0 : i32
      %swap3A_1141 = arith.index_cast %swap3A_1140 : i32 to index
      %swap3A_1142 = arith.index_cast %scan3A_1097 : i32 to index
      %swap3A_1143 = arith.constant 96 : index
      %swap3A_1144 = tpu.vector_load %arg8[%swap3A_1141, %swap3A_1142, %swap3A_1143] {strides = array<i32>} : memref<3x32x128xf32, #tpu.memory_space<vmem>>, vector<1x1x16xf32>,
      %swap3A_1145 = vector.shape_cast %swap3A_1144 : vector<1x1x16xf32> to vector<16xf32>
      %swap3A_1146 = vector.shape_cast %broadcast_in_dim3A_9 : vector<16xf32> to vector<1x1x16xf32>
      tpu.vector_store %arg8[%swap3A_1141, %swap3A_1142, %swap3A_1143], %swap3A_1146 {strides = array<i32>} : memref<3x32x128xf32, #tpu.memory_space<vmem>>, vector<1x1x16xf32>,
      %swap3A_1147 = arith.constant 0 : i32
      %swap3A_1148 = arith.index_cast %swap3A_1147 : i32 to index
      %swap3A_1149 = arith.index_cast %scan3A_1097 : i32 to index
      %swap3A_1150 = arith.constant 112 : index
      %swap3A_1151 = tpu.vector_load %arg8[%swap3A_1148, %swap3A_1149, %swap3A_1150] {strides = array<i32>} : memref<3x32x128xf32, #tpu.memory_space<vmem>>, vector<1x1x16xf32>,
      %swap3A_1152 = vector.shape_cast %swap3A_1151 : vector<1x1x16xf32> to vector<16xf32>
      %swap3A_1153 = vector.shape_cast %broadcast_in_dim3A_9 : vector<16xf32> to vector<1x1x16xf32>
      tpu.vector_store %arg8[%swap3A_1148, %swap3A_1149, %swap3A_1150], %swap3A_1153 {strides = array<i32>} : memref<3x32x128xf32, #tpu.memory_space<vmem>>, vector<1x1x16xf32>,
    }
    %scan3A_55 = arith.constant 32 : i32
    %mul3A_56 = arith.constant 640 : i32
    %mul3A_57 = arith.muli %arg1, %mul3A_56 : i32
    %add3A_58 = arith.constant 0 : i32
    %add3A_59 = arith.addi %mul3A_57, %add3A_58 : i32
    %dma_start3A = arith.constant 0 : i32
    %dma_start3A_60 = arith.constant 0 : i32
    %dma_start3A_61 = arith.constant 0 : i32
    %dma_start3A_62 = arith.constant 0 : i32
    %dma_start3A_63 = tpu.memref_slice %arg8[%dma_start3A, %dma_start3A_61, %dma_start3A_62] : memref<3x32x128xf32, #tpu.memory_space<vmem>> -> memref<1x32x128xf32, #tpu.memory_space<vmem>>
    %dma_start3A_64 = tpu.memref_squeeze %dma_start3A_63 : memref<1x32x128xf32, #tpu.memory_space<vmem>> -> memref<32x128xf32, #tpu.memory_space<vmem>>
    %dma_start3A_65 = arith.constant 0 : i32
    %dma_start3A_66 = tpu.memref_slice %arg12[%add3A_59, %dma_start3A_65] : memref<10240x128xf32, #tpu.memory_space<vmem_shared>> -> memref<32x128xf32, #tpu.memory_space<vmem_shared>>
    %dma_start3A_67 = tpu.memref_slice %arg14[%dma_start3A_60] : memref<3x!tpu.dma_semaphore, #tpu.memory_space<semaphore_mem>> -> memref<1x!tpu.dma_semaphore, #tpu.memory_space<semaphore_mem>>
    %dma_start3A_68 = tpu.memref_squeeze %dma_start3A_67 : memref<1x!tpu.dma_semaphore, #tpu.memory_space<semaphore_mem>> -> memref<!tpu.dma_semaphore, #tpu.memory_space<semaphore_mem>>
    %dma_start3A_69 = arith.constant 0 : i32
    %dma_start3A_70 = tpu.memref_slice %arg12[%add3A_59, %dma_start3A_69] : memref<10240x128xf32, #tpu.memory_space<vmem_shared>> -> memref<32x128xf32, #tpu.memory_space<vmem_shared>>
    %dma_start3A_71 = arith.constant 0 : i32
    %dma_start3A_72 = arith.constant 0 : i32
    %dma_start3A_73 = tpu.memref_slice %arg8[%dma_start3A, %dma_start3A_71, %dma_start3A_72] : memref<3x32x128xf32, #tpu.memory_space<vmem>> -> memref<1x32x128xf32, #tpu.memory_space<vmem>>
    %dma_start3A_74 = tpu.memref_squeeze %dma_start3A_73 : memref<1x32x128xf32, #tpu.memory_space<vmem>> -> memref<32x128xf32, #tpu.memory_space<vmem>>
    tpu.enqueue_dma source(%dma_start3A_74 : memref<32x128xf32, #tpu.memory_space<vmem>>) target(%dma_start3A_70 : memref<32x128xf32, #tpu.memory_space<vmem_shared>>) target_semaphore(%dma_start3A_68 : memref<!tpu.dma_semaphore, #tpu.memory_space<semaphore_mem>>)
    %add3A_75 = arith.constant 32 : i32
    %add3A_76 = arith.addi %mul3A_57, %add3A_75 : i32
    %dma_start3A_77 = arith.constant 0 : i32
    %dma_start3A_78 = arith.constant 0 : i32
    %dma_start3A_79 = arith.constant 0 : i32
    %dma_start3A_80 = arith.constant 0 : i32
    %dma_start3A_81 = tpu.memref_slice %arg8[%dma_start3A_77, %dma_start3A_79, %dma_start3A_80] : memref<3x32x128xf32, #tpu.memory_space<vmem>> -> memref<1x32x128xf32, #tpu.memory_space<vmem>>
    %dma_start3A_82 = tpu.memref_squeeze %dma_start3A_81 : memref<1x32x128xf32, #tpu.memory_space<vmem>> -> memref<32x128xf32, #tpu.memory_space<vmem>>
    %dma_start3A_83 = arith.constant 0 : i32
    %dma_start3A_84 = tpu.memref_slice %arg12[%add3A_76, %dma_start3A_83] : memref<10240x128xf32, #tpu.memory_space<vmem_shared>> -> memref<32x128xf32, #tpu.memory_space<vmem_shared>>
    %dma_start3A_85 = tpu.memref_slice %arg14[%dma_start3A_78] : memref<3x!tpu.dma_semaphore, #tpu.memory_space<semaphore_mem>> -> memref<1x!tpu.dma_semaphore, #tpu.memory_space<semaphore_mem>>
    %dma_start3A_86 = tpu.memref_squeeze %dma_start3A_85 : memref<1x!tpu.dma_semaphore, #tpu.memory_space<semaphore_mem>> -> memref<!tpu.dma_semaphore, #tpu.memory_space<semaphore_mem>>
    %dma_start3A_87 = arith.constant 0 : i32
    %dma_start3A_88 = tpu.memref_slice %arg12[%add3A_76, %dma_start3A_87] : memref<10240x128xf32, #tpu.memory_space<vmem_shared>> -> memref<32x128xf32, #tpu.memory_space<vmem_shared>>
    %dma_start3A_89 = arith.constant 0 : i32
    %dma_start3A_90 = arith.constant 0 : i32
    %dma_start3A_91 = tpu.memref_slice %arg8[%dma_start3A_77, %dma_start3A_89, %dma_start3A_90] : memref<3x32x128xf32, #tpu.memory_space<vmem>> -> memref<1x32x128xf32, #tpu.memory_space<vmem>>
    %dma_start3A_92 = tpu.memref_squeeze %dma_start3A_91 : memref<1x32x128xf32, #tpu.memory_space<vmem>> -> memref<32x128xf32, #tpu.memory_space<vmem>>
    tpu.enqueue_dma source(%dma_start3A_92 : memref<32x128xf32, #tpu.memory_space<vmem>>) target(%dma_start3A_88 : memref<32x128xf32, #tpu.memory_space<vmem_shared>>) target_semaphore(%dma_start3A_86 : memref<!tpu.dma_semaphore, #tpu.memory_space<semaphore_mem>>)
    %add3A_93 = arith.constant 64 : i32
    %add3A_94 = arith.addi %mul3A_57, %add3A_93 : i32
    %dma_start3A_95 = arith.constant 0 : i32
    %dma_start3A_96 = arith.constant 0 : i32
    %dma_start3A_97 = arith.constant 0 : i32
    %dma_start3A_98 = arith.constant 0 : i32
    %dma_start3A_99 = tpu.memref_slice %arg8[%dma_start3A_95, %dma_start3A_97, %dma_start3A_98] : memref<3x32x128xf32, #tpu.memory_space<vmem>> -> memref<1x32x128xf32, #tpu.memory_space<vmem>>
    %dma_start3A_100 = tpu.memref_squeeze %dma_start3A_99 : memref<1x32x128xf32, #tpu.memory_space<vmem>> -> memref<32x128xf32, #tpu.memory_space<vmem>>
    %dma_start3A_101 = arith.constant 0 : i32
    %dma_start3A_102 = tpu.memref_slice %arg12[%add3A_94, %dma_start3A_101] : memref<10240x128xf32, #tpu.memory_space<vmem_shared>> -> memref<32x128xf32, #tpu.memory_space<vmem_shared>>
    %dma_start3A_103 = tpu.memref_slice %arg14[%dma_start3A_96] : memref<3x!tpu.dma_semaphore, #tpu.memory_space<semaphore_mem>> -> memref<1x!tpu.dma_semaphore, #tpu.memory_space<semaphore_mem>>
    %dma_start3A_104 = tpu.memref_squeeze %dma_start3A_103 : memref<1x!tpu.dma_semaphore, #tpu.memory_space<semaphore_mem>> -> memref<!tpu.dma_semaphore, #tpu.memory_space<semaphore_mem>>
    %dma_start3A_105 = arith.constant 0 : i32
    %dma_start3A_106 = tpu.memref_slice %arg12[%add3A_94, %dma_start3A_105] : memref<10240x128xf32, #tpu.memory_space<vmem_shared>> -> memref<32x128xf32, #tpu.memory_space<vmem_shared>>
    %dma_start3A_107 = arith.constant 0 : i32
    %dma_start3A_108 = arith.constant 0 : i32
    %dma_start3A_109 = tpu.memref_slice %arg8[%dma_start3A_95, %dma_start3A_107, %dma_start3A_108] : memref<3x32x128xf32, #tpu.memory_space<vmem>> -> memref<1x32x128xf32, #tpu.memory_space<vmem>>
    %dma_start3A_110 = tpu.memref_squeeze %dma_start3A_109 : memref<1x32x128xf32, #tpu.memory_space<vmem>> -> memref<32x128xf32, #tpu.memory_space<vmem>>
    tpu.enqueue_dma source(%dma_start3A_110 : memref<32x128xf32, #tpu.memory_space<vmem>>) target(%dma_start3A_106 : memref<32x128xf32, #tpu.memory_space<vmem_shared>>) target_semaphore(%dma_start3A_104 : memref<!tpu.dma_semaphore, #tpu.memory_space<semaphore_mem>>)
    %add3A_111 = arith.constant 96 : i32
    %add3A_112 = arith.addi %mul3A_57, %add3A_111 : i32
    %dma_start3A_113 = arith.constant 0 : i32
    %dma_start3A_114 = arith.constant 0 : i32
    %dma_start3A_115 = arith.constant 0 : i32
    %dma_start3A_116 = arith.constant 0 : i32
    %dma_start3A_117 = tpu.memref_slice %arg8[%dma_start3A_113, %dma_start3A_115, %dma_start3A_116] : memref<3x32x128xf32, #tpu.memory_space<vmem>> -> memref<1x32x128xf32, #tpu.memory_space<vmem>>
    %dma_start3A_118 = tpu.memref_squeeze %dma_start3A_117 : memref<1x32x128xf32, #tpu.memory_space<vmem>> -> memref<32x128xf32, #tpu.memory_space<vmem>>
    %dma_start3A_119 = arith.constant 0 : i32
    %dma_start3A_120 = tpu.memref_slice %arg12[%add3A_112, %dma_start3A_119] : memref<10240x128xf32, #tpu.memory_space<vmem_shared>> -> memref<32x128xf32, #tpu.memory_space<vmem_shared>>
    %dma_start3A_121 = tpu.memref_slice %arg14[%dma_start3A_114] : memref<3x!tpu.dma_semaphore, #tpu.memory_space<semaphore_mem>> -> memref<1x!tpu.dma_semaphore, #tpu.memory_space<semaphore_mem>>
    %dma_start3A_122 = tpu.memref_squeeze %dma_start3A_121 : memref<1x!tpu.dma_semaphore, #tpu.memory_space<semaphore_mem>> -> memref<!tpu.dma_semaphore, #tpu.memory_space<semaphore_mem>>
    %dma_start3A_123 = arith.constant 0 : i32
    %dma_start3A_124 = tpu.memref_slice %arg12[%add3A_112, %dma_start3A_123] : memref<10240x128xf32, #tpu.memory_space<vmem_shared>> -> memref<32x128xf32, #tpu.memory_space<vmem_shared>>
    %dma_start3A_125 = arith.constant 0 : i32
    %dma_start3A_126 = arith.constant 0 : i32
    %dma_start3A_127 = tpu.memref_slice %arg8[%dma_start3A_113, %dma_start3A_125, %dma_start3A_126] : memref<3x32x128xf32, #tpu.memory_space<vmem>> -> memref<1x32x128xf32, #tpu.memory_space<vmem>>
    %dma_start3A_128 = tpu.memref_squeeze %dma_start3A_127 : memref<1x32x128xf32, #tpu.memory_space<vmem>> -> memref<32x128xf32, #tpu.memory_space<vmem>>
    tpu.enqueue_dma source(%dma_start3A_128 : memref<32x128xf32, #tpu.memory_space<vmem>>) target(%dma_start3A_124 : memref<32x128xf32, #tpu.memory_space<vmem_shared>>) target_semaphore(%dma_start3A_122 : memref<!tpu.dma_semaphore, #tpu.memory_space<semaphore_mem>>)
    %add3A_129 = arith.constant 128 : i32
    %add3A_130 = arith.addi %mul3A_57, %add3A_129 : i32
    %dma_start3A_131 = arith.constant 0 : i32
    %dma_start3A_132 = arith.constant 0 : i32
    %dma_start3A_133 = arith.constant 0 : i32
    %dma_start3A_134 = arith.constant 0 : i32
    %dma_start3A_135 = tpu.memref_slice %arg8[%dma_start3A_131, %dma_start3A_133, %dma_start3A_134] : memref<3x32x128xf32, #tpu.memory_space<vmem>> -> memref<1x32x128xf32, #tpu.memory_space<vmem>>
    %dma_start3A_136 = tpu.memref_squeeze %dma_start3A_135 : memref<1x32x128xf32, #tpu.memory_space<vmem>> -> memref<32x128xf32, #tpu.memory_space<vmem>>
    %dma_start3A_137 = arith.constant 0 : i32
    %dma_start3A_138 = tpu.memref_slice %arg12[%add3A_130, %dma_start3A_137] : memref<10240x128xf32, #tpu.memory_space<vmem_shared>> -> memref<32x128xf32, #tpu.memory_space<vmem_shared>>
    %dma_start3A_139 = tpu.memref_slice %arg14[%dma_start3A_132] : memref<3x!tpu.dma_semaphore, #tpu.memory_space<semaphore_mem>> -> memref<1x!tpu.dma_semaphore, #tpu.memory_space<semaphore_mem>>
    %dma_start3A_140 = tpu.memref_squeeze %dma_start3A_139 : memref<1x!tpu.dma_semaphore, #tpu.memory_space<semaphore_mem>> -> memref<!tpu.dma_semaphore, #tpu.memory_space<semaphore_mem>>
    %dma_start3A_141 = arith.constant 0 : i32
    %dma_start3A_142 = tpu.memref_slice %arg12[%add3A_130, %dma_start3A_141] : memref<10240x128xf32, #tpu.memory_space<vmem_shared>> -> memref<32x128xf32, #tpu.memory_space<vmem_shared>>
    %dma_start3A_143 = arith.constant 0 : i32
    %dma_start3A_144 = arith.constant 0 : i32
    %dma_start3A_145 = tpu.memref_slice %arg8[%dma_start3A_131, %dma_start3A_143, %dma_start3A_144] : memref<3x32x128xf32, #tpu.memory_space<vmem>> -> memref<1x32x128xf32, #tpu.memory_space<vmem>>
    %dma_start3A_146 = tpu.memref_squeeze %dma_start3A_145 : memref<1x32x128xf32, #tpu.memory_space<vmem>> -> memref<32x128xf32, #tpu.memory_space<vmem>>
    tpu.enqueue_dma source(%dma_start3A_146 : memref<32x128xf32, #tpu.memory_space<vmem>>) target(%dma_start3A_142 : memref<32x128xf32, #tpu.memory_space<vmem_shared>>) target_semaphore(%dma_start3A_140 : memref<!tpu.dma_semaphore, #tpu.memory_space<semaphore_mem>>)
    %add3A_147 = arith.constant 160 : i32
    %add3A_148 = arith.addi %mul3A_57, %add3A_147 : i32
    %dma_start3A_149 = arith.constant 0 : i32
    %dma_start3A_150 = arith.constant 0 : i32
    %dma_start3A_151 = arith.constant 0 : i32
    %dma_start3A_152 = arith.constant 0 : i32
    %dma_start3A_153 = tpu.memref_slice %arg8[%dma_start3A_149, %dma_start3A_151, %dma_start3A_152] : memref<3x32x128xf32, #tpu.memory_space<vmem>> -> memref<1x32x128xf32, #tpu.memory_space<vmem>>
    %dma_start3A_154 = tpu.memref_squeeze %dma_start3A_153 : memref<1x32x128xf32, #tpu.memory_space<vmem>> -> memref<32x128xf32, #tpu.memory_space<vmem>>
    %dma_start3A_155 = arith.constant 0 : i32
    %dma_start3A_156 = tpu.memref_slice %arg12[%add3A_148, %dma_start3A_155] : memref<10240x128xf32, #tpu.memory_space<vmem_shared>> -> memref<32x128xf32, #tpu.memory_space<vmem_shared>>
    %dma_start3A_157 = tpu.memref_slice %arg14[%dma_start3A_150] : memref<3x!tpu.dma_semaphore, #tpu.memory_space<semaphore_mem>> -> memref<1x!tpu.dma_semaphore, #tpu.memory_space<semaphore_mem>>
    %dma_start3A_158 = tpu.memref_squeeze %dma_start3A_157 : memref<1x!tpu.dma_semaphore, #tpu.memory_space<semaphore_mem>> -> memref<!tpu.dma_semaphore, #tpu.memory_space<semaphore_mem>>
    %dma_start3A_159 = arith.constant 0 : i32
    %dma_start3A_160 = tpu.memref_slice %arg12[%add3A_148, %dma_start3A_159] : memref<10240x128xf32, #tpu.memory_space<vmem_shared>> -> memref<32x128xf32, #tpu.memory_space<vmem_shared>>
    %dma_start3A_161 = arith.constant 0 : i32
    %dma_start3A_162 = arith.constant 0 : i32
    %dma_start3A_163 = tpu.memref_slice %arg8[%dma_start3A_149, %dma_start3A_161, %dma_start3A_162] : memref<3x32x128xf32, #tpu.memory_space<vmem>> -> memref<1x32x128xf32, #tpu.memory_space<vmem>>
    %dma_start3A_164 = tpu.memref_squeeze %dma_start3A_163 : memref<1x32x128xf32, #tpu.memory_space<vmem>> -> memref<32x128xf32, #tpu.memory_space<vmem>>
    tpu.enqueue_dma source(%dma_start3A_164 : memref<32x128xf32, #tpu.memory_space<vmem>>) target(%dma_start3A_160 : memref<32x128xf32, #tpu.memory_space<vmem_shared>>) target_semaphore(%dma_start3A_158 : memref<!tpu.dma_semaphore, #tpu.memory_space<semaphore_mem>>)
    %add3A_165 = arith.constant 192 : i32
    %add3A_166 = arith.addi %mul3A_57, %add3A_165 : i32
    %dma_start3A_167 = arith.constant 0 : i32
    %dma_start3A_168 = arith.constant 0 : i32
    %dma_start3A_169 = arith.constant 0 : i32
    %dma_start3A_170 = arith.constant 0 : i32
    %dma_start3A_171 = tpu.memref_slice %arg8[%dma_start3A_167, %dma_start3A_169, %dma_start3A_170] : memref<3x32x128xf32, #tpu.memory_space<vmem>> -> memref<1x32x128xf32, #tpu.memory_space<vmem>>
    %dma_start3A_172 = tpu.memref_squeeze %dma_start3A_171 : memref<1x32x128xf32, #tpu.memory_space<vmem>> -> memref<32x128xf32, #tpu.memory_space<vmem>>
    %dma_start3A_173 = arith.constant 0 : i32
    %dma_start3A_174 = tpu.memref_slice %arg12[%add3A_166, %dma_start3A_173] : memref<10240x128xf32, #tpu.memory_space<vmem_shared>> -> memref<32x128xf32, #tpu.memory_space<vmem_shared>>
    %dma_start3A_175 = tpu.memref_slice %arg14[%dma_start3A_168] : memref<3x!tpu.dma_semaphore, #tpu.memory_space<semaphore_mem>> -> memref<1x!tpu.dma_semaphore, #tpu.memory_space<semaphore_mem>>
    %dma_start3A_176 = tpu.memref_squeeze %dma_start3A_175 : memref<1x!tpu.dma_semaphore, #tpu.memory_space<semaphore_mem>> -> memref<!tpu.dma_semaphore, #tpu.memory_space<semaphore_mem>>
    %dma_start3A_177 = arith.constant 0 : i32
    %dma_start3A_178 = tpu.memref_slice %arg12[%add3A_166, %dma_start3A_177] : memref<10240x128xf32, #tpu.memory_space<vmem_shared>> -> memref<32x128xf32, #tpu.memory_space<vmem_shared>>
    %dma_start3A_179 = arith.constant 0 : i32
    %dma_start3A_180 = arith.constant 0 : i32
    %dma_start3A_181 = tpu.memref_slice %arg8[%dma_start3A_167, %dma_start3A_179, %dma_start3A_180] : memref<3x32x128xf32, #tpu.memory_space<vmem>> -> memref<1x32x128xf32, #tpu.memory_space<vmem>>
    %dma_start3A_182 = tpu.memref_squeeze %dma_start3A_181 : memref<1x32x128xf32, #tpu.memory_space<vmem>> -> memref<32x128xf32, #tpu.memory_space<vmem>>
    tpu.enqueue_dma source(%dma_start3A_182 : memref<32x128xf32, #tpu.memory_space<vmem>>) target(%dma_start3A_178 : memref<32x128xf32, #tpu.memory_space<vmem_shared>>) target_semaphore(%dma_start3A_176 : memref<!tpu.dma_semaphore, #tpu.memory_space<semaphore_mem>>)
    %add3A_183 = arith.constant 224 : i32
    %add3A_184 = arith.addi %mul3A_57, %add3A_183 : i32
    %dma_start3A_185 = arith.constant 0 : i32
    %dma_start3A_186 = arith.constant 0 : i32
    %dma_start3A_187 = arith.constant 0 : i32
    %dma_start3A_188 = arith.constant 0 : i32
    %dma_start3A_189 = tpu.memref_slice %arg8[%dma_start3A_185, %dma_start3A_187, %dma_start3A_188] : memref<3x32x128xf32, #tpu.memory_space<vmem>> -> memref<1x32x128xf32, #tpu.memory_space<vmem>>
    %dma_start3A_190 = tpu.memref_squeeze %dma_start3A_189 : memref<1x32x128xf32, #tpu.memory_space<vmem>> -> memref<32x128xf32, #tpu.memory_space<vmem>>
    %dma_start3A_191 = arith.constant 0 : i32
    %dma_start3A_192 = tpu.memref_slice %arg12[%add3A_184, %dma_start3A_191] : memref<10240x128xf32, #tpu.memory_space<vmem_shared>> -> memref<32x128xf32, #tpu.memory_space<vmem_shared>>
    %dma_start3A_193 = tpu.memref_slice %arg14[%dma_start3A_186] : memref<3x!tpu.dma_semaphore, #tpu.memory_space<semaphore_mem>> -> memref<1x!tpu.dma_semaphore, #tpu.memory_space<semaphore_mem>>
    %dma_start3A_194 = tpu.memref_squeeze %dma_start3A_193 : memref<1x!tpu.dma_semaphore, #tpu.memory_space<semaphore_mem>> -> memref<!tpu.dma_semaphore, #tpu.memory_space<semaphore_mem>>
    %dma_start3A_195 = arith.constant 0 : i32
    %dma_start3A_196 = tpu.memref_slice %arg12[%add3A_184, %dma_start3A_195] : memref<10240x128xf32, #tpu.memory_space<vmem_shared>> -> memref<32x128xf32, #tpu.memory_space<vmem_shared>>
    %dma_start3A_197 = arith.constant 0 : i32
    %dma_start3A_198 = arith.constant 0 : i32
    %dma_start3A_199 = tpu.memref_slice %arg8[%dma_start3A_185, %dma_start3A_197, %dma_start3A_198] : memref<3x32x128xf32, #tpu.memory_space<vmem>> -> memref<1x32x128xf32, #tpu.memory_space<vmem>>
    %dma_start3A_200 = tpu.memref_squeeze %dma_start3A_199 : memref<1x32x128xf32, #tpu.memory_space<vmem>> -> memref<32x128xf32, #tpu.memory_space<vmem>>
    tpu.enqueue_dma source(%dma_start3A_200 : memref<32x128xf32, #tpu.memory_space<vmem>>) target(%dma_start3A_196 : memref<32x128xf32, #tpu.memory_space<vmem_shared>>) target_semaphore(%dma_start3A_194 : memref<!tpu.dma_semaphore, #tpu.memory_space<semaphore_mem>>)
    %add3A_201 = arith.constant 256 : i32
    %add3A_202 = arith.addi %mul3A_57, %add3A_201 : i32
    %dma_start3A_203 = arith.constant 0 : i32
    %dma_start3A_204 = arith.constant 0 : i32
    %dma_start3A_205 = arith.constant 0 : i32
    %dma_start3A_206 = arith.constant 0 : i32
    %dma_start3A_207 = tpu.memref_slice %arg8[%dma_start3A_203, %dma_start3A_205, %dma_start3A_206] : memref<3x32x128xf32, #tpu.memory_space<vmem>> -> memref<1x32x128xf32, #tpu.memory_space<vmem>>
    %dma_start3A_208 = tpu.memref_squeeze %dma_start3A_207 : memref<1x32x128xf32, #tpu.memory_space<vmem>> -> memref<32x128xf32, #tpu.memory_space<vmem>>
    %dma_start3A_209 = arith.constant 0 : i32
    %dma_start3A_210 = tpu.memref_slice %arg12[%add3A_202, %dma_start3A_209] : memref<10240x128xf32, #tpu.memory_space<vmem_shared>> -> memref<32x128xf32, #tpu.memory_space<vmem_shared>>
    %dma_start3A_211 = tpu.memref_slice %arg14[%dma_start3A_204] : memref<3x!tpu.dma_semaphore, #tpu.memory_space<semaphore_mem>> -> memref<1x!tpu.dma_semaphore, #tpu.memory_space<semaphore_mem>>
    %dma_start3A_212 = tpu.memref_squeeze %dma_start3A_211 : memref<1x!tpu.dma_semaphore, #tpu.memory_space<semaphore_mem>> -> memref<!tpu.dma_semaphore, #tpu.memory_space<semaphore_mem>>
    %dma_start3A_213 = arith.constant 0 : i32
    %dma_start3A_214 = tpu.memref_slice %arg12[%add3A_202, %dma_start3A_213] : memref<10240x128xf32, #tpu.memory_space<vmem_shared>> -> memref<32x128xf32, #tpu.memory_space<vmem_shared>>
    %dma_start3A_215 = arith.constant 0 : i32
    %dma_start3A_216 = arith.constant 0 : i32
    %dma_start3A_217 = tpu.memref_slice %arg8[%dma_start3A_203, %dma_start3A_215, %dma_start3A_216] : memref<3x32x128xf32, #tpu.memory_space<vmem>> -> memref<1x32x128xf32, #tpu.memory_space<vmem>>
    %dma_start3A_218 = tpu.memref_squeeze %dma_start3A_217 : memref<1x32x128xf32, #tpu.memory_space<vmem>> -> memref<32x128xf32, #tpu.memory_space<vmem>>
    tpu.enqueue_dma source(%dma_start3A_218 : memref<32x128xf32, #tpu.memory_space<vmem>>) target(%dma_start3A_214 : memref<32x128xf32, #tpu.memory_space<vmem_shared>>) target_semaphore(%dma_start3A_212 : memref<!tpu.dma_semaphore, #tpu.memory_space<semaphore_mem>>)
    %add3A_219 = arith.constant 288 : i32
    %add3A_220 = arith.addi %mul3A_57, %add3A_219 : i32
    %dma_start3A_221 = arith.constant 0 : i32
    %dma_start3A_222 = arith.constant 0 : i32
    %dma_start3A_223 = arith.constant 0 : i32
    %dma_start3A_224 = arith.constant 0 : i32
    %dma_start3A_225 = tpu.memref_slice %arg8[%dma_start3A_221, %dma_start3A_223, %dma_start3A_224] : memref<3x32x128xf32, #tpu.memory_space<vmem>> -> memref<1x32x128xf32, #tpu.memory_space<vmem>>
    %dma_start3A_226 = tpu.memref_squeeze %dma_start3A_225 : memref<1x32x128xf32, #tpu.memory_space<vmem>> -> memref<32x128xf32, #tpu.memory_space<vmem>>
    %dma_start3A_227 = arith.constant 0 : i32
    %dma_start3A_228 = tpu.memref_slice %arg12[%add3A_220, %dma_start3A_227] : memref<10240x128xf32, #tpu.memory_space<vmem_shared>> -> memref<32x128xf32, #tpu.memory_space<vmem_shared>>
    %dma_start3A_229 = tpu.memref_slice %arg14[%dma_start3A_222] : memref<3x!tpu.dma_semaphore, #tpu.memory_space<semaphore_mem>> -> memref<1x!tpu.dma_semaphore, #tpu.memory_space<semaphore_mem>>
    %dma_start3A_230 = tpu.memref_squeeze %dma_start3A_229 : memref<1x!tpu.dma_semaphore, #tpu.memory_space<semaphore_mem>> -> memref<!tpu.dma_semaphore, #tpu.memory_space<semaphore_mem>>
    %dma_start3A_231 = arith.constant 0 : i32
    %dma_start3A_232 = tpu.memref_slice %arg12[%add3A_220, %dma_start3A_231] : memref<10240x128xf32, #tpu.memory_space<vmem_shared>> -> memref<32x128xf32, #tpu.memory_space<vmem_shared>>
    %dma_start3A_233 = arith.constant 0 : i32
    %dma_start3A_234 = arith.constant 0 : i32
    %dma_start3A_235 = tpu.memref_slice %arg8[%dma_start3A_221, %dma_start3A_233, %dma_start3A_234] : memref<3x32x128xf32, #tpu.memory_space<vmem>> -> memref<1x32x128xf32, #tpu.memory_space<vmem>>
    %dma_start3A_236 = tpu.memref_squeeze %dma_start3A_235 : memref<1x32x128xf32, #tpu.memory_space<vmem>> -> memref<32x128xf32, #tpu.memory_space<vmem>>
    tpu.enqueue_dma source(%dma_start3A_236 : memref<32x128xf32, #tpu.memory_space<vmem>>) target(%dma_start3A_232 : memref<32x128xf32, #tpu.memory_space<vmem_shared>>) target_semaphore(%dma_start3A_230 : memref<!tpu.dma_semaphore, #tpu.memory_space<semaphore_mem>>)
    %add3A_237 = arith.constant 320 : i32
    %add3A_238 = arith.addi %mul3A_57, %add3A_237 : i32
    %dma_start3A_239 = arith.constant 0 : i32
    %dma_start3A_240 = arith.constant 0 : i32
    %dma_start3A_241 = arith.constant 0 : i32
    %dma_start3A_242 = arith.constant 0 : i32
    %dma_start3A_243 = tpu.memref_slice %arg8[%dma_start3A_239, %dma_start3A_241, %dma_start3A_242] : memref<3x32x128xf32, #tpu.memory_space<vmem>> -> memref<1x32x128xf32, #tpu.memory_space<vmem>>
    %dma_start3A_244 = tpu.memref_squeeze %dma_start3A_243 : memref<1x32x128xf32, #tpu.memory_space<vmem>> -> memref<32x128xf32, #tpu.memory_space<vmem>>
    %dma_start3A_245 = arith.constant 0 : i32
    %dma_start3A_246 = tpu.memref_slice %arg12[%add3A_238, %dma_start3A_245] : memref<10240x128xf32, #tpu.memory_space<vmem_shared>> -> memref<32x128xf32, #tpu.memory_space<vmem_shared>>
    %dma_start3A_247 = tpu.memref_slice %arg14[%dma_start3A_240] : memref<3x!tpu.dma_semaphore, #tpu.memory_space<semaphore_mem>> -> memref<1x!tpu.dma_semaphore, #tpu.memory_space<semaphore_mem>>
    %dma_start3A_248 = tpu.memref_squeeze %dma_start3A_247 : memref<1x!tpu.dma_semaphore, #tpu.memory_space<semaphore_mem>> -> memref<!tpu.dma_semaphore, #tpu.memory_space<semaphore_mem>>
    %dma_start3A_249 = arith.constant 0 : i32
    %dma_start3A_250 = tpu.memref_slice %arg12[%add3A_238, %dma_start3A_249] : memref<10240x128xf32, #tpu.memory_space<vmem_shared>> -> memref<32x128xf32, #tpu.memory_space<vmem_shared>>
    %dma_start3A_251 = arith.constant 0 : i32
    %dma_start3A_252 = arith.constant 0 : i32
    %dma_start3A_253 = tpu.memref_slice %arg8[%dma_start3A_239, %dma_start3A_251, %dma_start3A_252] : memref<3x32x128xf32, #tpu.memory_space<vmem>> -> memref<1x32x128xf32, #tpu.memory_space<vmem>>
    %dma_start3A_254 = tpu.memref_squeeze %dma_start3A_253 : memref<1x32x128xf32, #tpu.memory_space<vmem>> -> memref<32x128xf32, #tpu.memory_space<vmem>>
    tpu.enqueue_dma source(%dma_start3A_254 : memref<32x128xf32, #tpu.memory_space<vmem>>) target(%dma_start3A_250 : memref<32x128xf32, #tpu.memory_space<vmem_shared>>) target_semaphore(%dma_start3A_248 : memref<!tpu.dma_semaphore, #tpu.memory_space<semaphore_mem>>)
    %add3A_255 = arith.constant 352 : i32
    %add3A_256 = arith.addi %mul3A_57, %add3A_255 : i32
    %dma_start3A_257 = arith.constant 0 : i32
    %dma_start3A_258 = arith.constant 0 : i32
    %dma_start3A_259 = arith.constant 0 : i32
    %dma_start3A_260 = arith.constant 0 : i32
    %dma_start3A_261 = tpu.memref_slice %arg8[%dma_start3A_257, %dma_start3A_259, %dma_start3A_260] : memref<3x32x128xf32, #tpu.memory_space<vmem>> -> memref<1x32x128xf32, #tpu.memory_space<vmem>>
    %dma_start3A_262 = tpu.memref_squeeze %dma_start3A_261 : memref<1x32x128xf32, #tpu.memory_space<vmem>> -> memref<32x128xf32, #tpu.memory_space<vmem>>
    %dma_start3A_263 = arith.constant 0 : i32
    %dma_start3A_264 = tpu.memref_slice %arg12[%add3A_256, %dma_start3A_263] : memref<10240x128xf32, #tpu.memory_space<vmem_shared>> -> memref<32x128xf32, #tpu.memory_space<vmem_shared>>
    %dma_start3A_265 = tpu.memref_slice %arg14[%dma_start3A_258] : memref<3x!tpu.dma_semaphore, #tpu.memory_space<semaphore_mem>> -> memref<1x!tpu.dma_semaphore, #tpu.memory_space<semaphore_mem>>
    %dma_start3A_266 = tpu.memref_squeeze %dma_start3A_265 : memref<1x!tpu.dma_semaphore, #tpu.memory_space<semaphore_mem>> -> memref<!tpu.dma_semaphore, #tpu.memory_space<semaphore_mem>>
    %dma_start3A_267 = arith.constant 0 : i32
    %dma_start3A_268 = tpu.memref_slice %arg12[%add3A_256, %dma_start3A_267] : memref<10240x128xf32, #tpu.memory_space<vmem_shared>> -> memref<32x128xf32, #tpu.memory_space<vmem_shared>>
    %dma_start3A_269 = arith.constant 0 : i32
    %dma_start3A_270 = arith.constant 0 : i32
    %dma_start3A_271 = tpu.memref_slice %arg8[%dma_start3A_257, %dma_start3A_269, %dma_start3A_270] : memref<3x32x128xf32, #tpu.memory_space<vmem>> -> memref<1x32x128xf32, #tpu.memory_space<vmem>>
    %dma_start3A_272 = tpu.memref_squeeze %dma_start3A_271 : memref<1x32x128xf32, #tpu.memory_space<vmem>> -> memref<32x128xf32, #tpu.memory_space<vmem>>
    tpu.enqueue_dma source(%dma_start3A_272 : memref<32x128xf32, #tpu.memory_space<vmem>>) target(%dma_start3A_268 : memref<32x128xf32, #tpu.memory_space<vmem_shared>>) target_semaphore(%dma_start3A_266 : memref<!tpu.dma_semaphore, #tpu.memory_space<semaphore_mem>>)
    %add3A_273 = arith.constant 384 : i32
    %add3A_274 = arith.addi %mul3A_57, %add3A_273 : i32
    %dma_start3A_275 = arith.constant 0 : i32
    %dma_start3A_276 = arith.constant 0 : i32
    %dma_start3A_277 = arith.constant 0 : i32
    %dma_start3A_278 = arith.constant 0 : i32
    %dma_start3A_279 = tpu.memref_slice %arg8[%dma_start3A_275, %dma_start3A_277, %dma_start3A_278] : memref<3x32x128xf32, #tpu.memory_space<vmem>> -> memref<1x32x128xf32, #tpu.memory_space<vmem>>
    %dma_start3A_280 = tpu.memref_squeeze %dma_start3A_279 : memref<1x32x128xf32, #tpu.memory_space<vmem>> -> memref<32x128xf32, #tpu.memory_space<vmem>>
    %dma_start3A_281 = arith.constant 0 : i32
    %dma_start3A_282 = tpu.memref_slice %arg12[%add3A_274, %dma_start3A_281] : memref<10240x128xf32, #tpu.memory_space<vmem_shared>> -> memref<32x128xf32, #tpu.memory_space<vmem_shared>>
    %dma_start3A_283 = tpu.memref_slice %arg14[%dma_start3A_276] : memref<3x!tpu.dma_semaphore, #tpu.memory_space<semaphore_mem>> -> memref<1x!tpu.dma_semaphore, #tpu.memory_space<semaphore_mem>>
    %dma_start3A_284 = tpu.memref_squeeze %dma_start3A_283 : memref<1x!tpu.dma_semaphore, #tpu.memory_space<semaphore_mem>> -> memref<!tpu.dma_semaphore, #tpu.memory_space<semaphore_mem>>
    %dma_start3A_285 = arith.constant 0 : i32
    %dma_start3A_286 = tpu.memref_slice %arg12[%add3A_274, %dma_start3A_285] : memref<10240x128xf32, #tpu.memory_space<vmem_shared>> -> memref<32x128xf32, #tpu.memory_space<vmem_shared>>
    %dma_start3A_287 = arith.constant 0 : i32
    %dma_start3A_288 = arith.constant 0 : i32
    %dma_start3A_289 = tpu.memref_slice %arg8[%dma_start3A_275, %dma_start3A_287, %dma_start3A_288] : memref<3x32x128xf32, #tpu.memory_space<vmem>> -> memref<1x32x128xf32, #tpu.memory_space<vmem>>
    %dma_start3A_290 = tpu.memref_squeeze %dma_start3A_289 : memref<1x32x128xf32, #tpu.memory_space<vmem>> -> memref<32x128xf32, #tpu.memory_space<vmem>>
    tpu.enqueue_dma source(%dma_start3A_290 : memref<32x128xf32, #tpu.memory_space<vmem>>) target(%dma_start3A_286 : memref<32x128xf32, #tpu.memory_space<vmem_shared>>) target_semaphore(%dma_start3A_284 : memref<!tpu.dma_semaphore, #tpu.memory_space<semaphore_mem>>)
    %add3A_291 = arith.constant 416 : i32
    %add3A_292 = arith.addi %mul3A_57, %add3A_291 : i32
    %dma_start3A_293 = arith.constant 0 : i32
    %dma_start3A_294 = arith.constant 0 : i32
    %dma_start3A_295 = arith.constant 0 : i32
    %dma_start3A_296 = arith.constant 0 : i32
    %dma_start3A_297 = tpu.memref_slice %arg8[%dma_start3A_293, %dma_start3A_295, %dma_start3A_296] : memref<3x32x128xf32, #tpu.memory_space<vmem>> -> memref<1x32x128xf32, #tpu.memory_space<vmem>>
    %dma_start3A_298 = tpu.memref_squeeze %dma_start3A_297 : memref<1x32x128xf32, #tpu.memory_space<vmem>> -> memref<32x128xf32, #tpu.memory_space<vmem>>
    %dma_start3A_299 = arith.constant 0 : i32
    %dma_start3A_300 = tpu.memref_slice %arg12[%add3A_292, %dma_start3A_299] : memref<10240x128xf32, #tpu.memory_space<vmem_shared>> -> memref<32x128xf32, #tpu.memory_space<vmem_shared>>
    %dma_start3A_301 = tpu.memref_slice %arg14[%dma_start3A_294] : memref<3x!tpu.dma_semaphore, #tpu.memory_space<semaphore_mem>> -> memref<1x!tpu.dma_semaphore, #tpu.memory_space<semaphore_mem>>
    %dma_start3A_302 = tpu.memref_squeeze %dma_start3A_301 : memref<1x!tpu.dma_semaphore, #tpu.memory_space<semaphore_mem>> -> memref<!tpu.dma_semaphore, #tpu.memory_space<semaphore_mem>>
    %dma_start3A_303 = arith.constant 0 : i32
    %dma_start3A_304 = tpu.memref_slice %arg12[%add3A_292, %dma_start3A_303] : memref<10240x128xf32, #tpu.memory_space<vmem_shared>> -> memref<32x128xf32, #tpu.memory_space<vmem_shared>>
    %dma_start3A_305 = arith.constant 0 : i32
    %dma_start3A_306 = arith.constant 0 : i32
    %dma_start3A_307 = tpu.memref_slice %arg8[%dma_start3A_293, %dma_start3A_305, %dma_start3A_306] : memref<3x32x128xf32, #tpu.memory_space<vmem>> -> memref<1x32x128xf32, #tpu.memory_space<vmem>>
    %dma_start3A_308 = tpu.memref_squeeze %dma_start3A_307 : memref<1x32x128xf32, #tpu.memory_space<vmem>> -> memref<32x128xf32, #tpu.memory_space<vmem>>
    tpu.enqueue_dma source(%dma_start3A_308 : memref<32x128xf32, #tpu.memory_space<vmem>>) target(%dma_start3A_304 : memref<32x128xf32, #tpu.memory_space<vmem_shared>>) target_semaphore(%dma_start3A_302 : memref<!tpu.dma_semaphore, #tpu.memory_space<semaphore_mem>>)
    %add3A_309 = arith.constant 448 : i32
    %add3A_310 = arith.addi %mul3A_57, %add3A_309 : i32
    %dma_start3A_311 = arith.constant 0 : i32
    %dma_start3A_312 = arith.constant 0 : i32
    %dma_start3A_313 = arith.constant 0 : i32
    %dma_start3A_314 = arith.constant 0 : i32
    %dma_start3A_315 = tpu.memref_slice %arg8[%dma_start3A_311, %dma_start3A_313, %dma_start3A_314] : memref<3x32x128xf32, #tpu.memory_space<vmem>> -> memref<1x32x128xf32, #tpu.memory_space<vmem>>
    %dma_start3A_316 = tpu.memref_squeeze %dma_start3A_315 : memref<1x32x128xf32, #tpu.memory_space<vmem>> -> memref<32x128xf32, #tpu.memory_space<vmem>>
    %dma_start3A_317 = arith.constant 0 : i32
    %dma_start3A_318 = tpu.memref_slice %arg12[%add3A_310, %dma_start3A_317] : memref<10240x128xf32, #tpu.memory_space<vmem_shared>> -> memref<32x128xf32, #tpu.memory_space<vmem_shared>>
    %dma_start3A_319 = tpu.memref_slice %arg14[%dma_start3A_312] : memref<3x!tpu.dma_semaphore, #tpu.memory_space<semaphore_mem>> -> memref<1x!tpu.dma_semaphore, #tpu.memory_space<semaphore_mem>>
    %dma_start3A_320 = tpu.memref_squeeze %dma_start3A_319 : memref<1x!tpu.dma_semaphore, #tpu.memory_space<semaphore_mem>> -> memref<!tpu.dma_semaphore, #tpu.memory_space<semaphore_mem>>
    %dma_start3A_321 = arith.constant 0 : i32
    %dma_start3A_322 = tpu.memref_slice %arg12[%add3A_310, %dma_start3A_321] : memref<10240x128xf32, #tpu.memory_space<vmem_shared>> -> memref<32x128xf32, #tpu.memory_space<vmem_shared>>
    %dma_start3A_323 = arith.constant 0 : i32
    %dma_start3A_324 = arith.constant 0 : i32
    %dma_start3A_325 = tpu.memref_slice %arg8[%dma_start3A_311, %dma_start3A_323, %dma_start3A_324] : memref<3x32x128xf32, #tpu.memory_space<vmem>> -> memref<1x32x128xf32, #tpu.memory_space<vmem>>
    %dma_start3A_326 = tpu.memref_squeeze %dma_start3A_325 : memref<1x32x128xf32, #tpu.memory_space<vmem>> -> memref<32x128xf32, #tpu.memory_space<vmem>>
    tpu.enqueue_dma source(%dma_start3A_326 : memref<32x128xf32, #tpu.memory_space<vmem>>) target(%dma_start3A_322 : memref<32x128xf32, #tpu.memory_space<vmem_shared>>) target_semaphore(%dma_start3A_320 : memref<!tpu.dma_semaphore, #tpu.memory_space<semaphore_mem>>)
    %add3A_327 = arith.constant 480 : i32
    %add3A_328 = arith.addi %mul3A_57, %add3A_327 : i32
    %dma_start3A_329 = arith.constant 0 : i32
    %dma_start3A_330 = arith.constant 0 : i32
    %dma_start3A_331 = arith.constant 0 : i32
    %dma_start3A_332 = arith.constant 0 : i32
    %dma_start3A_333 = tpu.memref_slice %arg8[%dma_start3A_329, %dma_start3A_331, %dma_start3A_332] : memref<3x32x128xf32, #tpu.memory_space<vmem>> -> memref<1x32x128xf32, #tpu.memory_space<vmem>>
    %dma_start3A_334 = tpu.memref_squeeze %dma_start3A_333 : memref<1x32x128xf32, #tpu.memory_space<vmem>> -> memref<32x128xf32, #tpu.memory_space<vmem>>
    %dma_start3A_335 = arith.constant 0 : i32
    %dma_start3A_336 = tpu.memref_slice %arg12[%add3A_328, %dma_start3A_335] : memref<10240x128xf32, #tpu.memory_space<vmem_shared>> -> memref<32x128xf32, #tpu.memory_space<vmem_shared>>
    %dma_start3A_337 = tpu.memref_slice %arg14[%dma_start3A_330] : memref<3x!tpu.dma_semaphore, #tpu.memory_space<semaphore_mem>> -> memref<1x!tpu.dma_semaphore, #tpu.memory_space<semaphore_mem>>
    %dma_start3A_338 = tpu.memref_squeeze %dma_start3A_337 : memref<1x!tpu.dma_semaphore, #tpu.memory_space<semaphore_mem>> -> memref<!tpu.dma_semaphore, #tpu.memory_space<semaphore_mem>>
    %dma_start3A_339 = arith.constant 0 : i32
    %dma_start3A_340 = tpu.memref_slice %arg12[%add3A_328, %dma_start3A_339] : memref<10240x128xf32, #tpu.memory_space<vmem_shared>> -> memref<32x128xf32, #tpu.memory_space<vmem_shared>>
    %dma_start3A_341 = arith.constant 0 : i32
    %dma_start3A_342 = arith.constant 0 : i32
    %dma_start3A_343 = tpu.memref_slice %arg8[%dma_start3A_329, %dma_start3A_341, %dma_start3A_342] : memref<3x32x128xf32, #tpu.memory_space<vmem>> -> memref<1x32x128xf32, #tpu.memory_space<vmem>>
    %dma_start3A_344 = tpu.memref_squeeze %dma_start3A_343 : memref<1x32x128xf32, #tpu.memory_space<vmem>> -> memref<32x128xf32, #tpu.memory_space<vmem>>
    tpu.enqueue_dma source(%dma_start3A_344 : memref<32x128xf32, #tpu.memory_space<vmem>>) target(%dma_start3A_340 : memref<32x128xf32, #tpu.memory_space<vmem_shared>>) target_semaphore(%dma_start3A_338 : memref<!tpu.dma_semaphore, #tpu.memory_space<semaphore_mem>>)
    %add3A_345 = arith.constant 512 : i32
    %add3A_346 = arith.addi %mul3A_57, %add3A_345 : i32
    %dma_start3A_347 = arith.constant 0 : i32
    %dma_start3A_348 = arith.constant 0 : i32
    %dma_start3A_349 = arith.constant 0 : i32
    %dma_start3A_350 = arith.constant 0 : i32
    %dma_start3A_351 = tpu.memref_slice %arg8[%dma_start3A_347, %dma_start3A_349, %dma_start3A_350] : memref<3x32x128xf32, #tpu.memory_space<vmem>> -> memref<1x32x128xf32, #tpu.memory_space<vmem>>
    %dma_start3A_352 = tpu.memref_squeeze %dma_start3A_351 : memref<1x32x128xf32, #tpu.memory_space<vmem>> -> memref<32x128xf32, #tpu.memory_space<vmem>>
    %dma_start3A_353 = arith.constant 0 : i32
    %dma_start3A_354 = tpu.memref_slice %arg12[%add3A_346, %dma_start3A_353] : memref<10240x128xf32, #tpu.memory_space<vmem_shared>> -> memref<32x128xf32, #tpu.memory_space<vmem_shared>>
    %dma_start3A_355 = tpu.memref_slice %arg14[%dma_start3A_348] : memref<3x!tpu.dma_semaphore, #tpu.memory_space<semaphore_mem>> -> memref<1x!tpu.dma_semaphore, #tpu.memory_space<semaphore_mem>>
    %dma_start3A_356 = tpu.memref_squeeze %dma_start3A_355 : memref<1x!tpu.dma_semaphore, #tpu.memory_space<semaphore_mem>> -> memref<!tpu.dma_semaphore, #tpu.memory_space<semaphore_mem>>
    %dma_start3A_357 = arith.constant 0 : i32
    %dma_start3A_358 = tpu.memref_slice %arg12[%add3A_346, %dma_start3A_357] : memref<10240x128xf32, #tpu.memory_space<vmem_shared>> -> memref<32x128xf32, #tpu.memory_space<vmem_shared>>
    %dma_start3A_359 = arith.constant 0 : i32
    %dma_start3A_360 = arith.constant 0 : i32
    %dma_start3A_361 = tpu.memref_slice %arg8[%dma_start3A_347, %dma_start3A_359, %dma_start3A_360] : memref<3x32x128xf32, #tpu.memory_space<vmem>> -> memref<1x32x128xf32, #tpu.memory_space<vmem>>
    %dma_start3A_362 = tpu.memref_squeeze %dma_start3A_361 : memref<1x32x128xf32, #tpu.memory_space<vmem>> -> memref<32x128xf32, #tpu.memory_space<vmem>>
    tpu.enqueue_dma source(%dma_start3A_362 : memref<32x128xf32, #tpu.memory_space<vmem>>) target(%dma_start3A_358 : memref<32x128xf32, #tpu.memory_space<vmem_shared>>) target_semaphore(%dma_start3A_356 : memref<!tpu.dma_semaphore, #tpu.memory_space<semaphore_mem>>)
    %add3A_363 = arith.constant 544 : i32
    %add3A_364 = arith.addi %mul3A_57, %add3A_363 : i32
    %dma_start3A_365 = arith.constant 0 : i32
    %dma_start3A_366 = arith.constant 0 : i32
    %dma_start3A_367 = arith.constant 0 : i32
    %dma_start3A_368 = arith.constant 0 : i32
    %dma_start3A_369 = tpu.memref_slice %arg8[%dma_start3A_365, %dma_start3A_367, %dma_start3A_368] : memref<3x32x128xf32, #tpu.memory_space<vmem>> -> memref<1x32x128xf32, #tpu.memory_space<vmem>>
    %dma_start3A_370 = tpu.memref_squeeze %dma_start3A_369 : memref<1x32x128xf32, #tpu.memory_space<vmem>> -> memref<32x128xf32, #tpu.memory_space<vmem>>
    %dma_start3A_371 = arith.constant 0 : i32
    %dma_start3A_372 = tpu.memref_slice %arg12[%add3A_364, %dma_start3A_371] : memref<10240x128xf32, #tpu.memory_space<vmem_shared>> -> memref<32x128xf32, #tpu.memory_space<vmem_shared>>
    %dma_start3A_373 = tpu.memref_slice %arg14[%dma_start3A_366] : memref<3x!tpu.dma_semaphore, #tpu.memory_space<semaphore_mem>> -> memref<1x!tpu.dma_semaphore, #tpu.memory_space<semaphore_mem>>
    %dma_start3A_374 = tpu.memref_squeeze %dma_start3A_373 : memref<1x!tpu.dma_semaphore, #tpu.memory_space<semaphore_mem>> -> memref<!tpu.dma_semaphore, #tpu.memory_space<semaphore_mem>>
    %dma_start3A_375 = arith.constant 0 : i32
    %dma_start3A_376 = tpu.memref_slice %arg12[%add3A_364, %dma_start3A_375] : memref<10240x128xf32, #tpu.memory_space<vmem_shared>> -> memref<32x128xf32, #tpu.memory_space<vmem_shared>>
    %dma_start3A_377 = arith.constant 0 : i32
    %dma_start3A_378 = arith.constant 0 : i32
    %dma_start3A_379 = tpu.memref_slice %arg8[%dma_start3A_365, %dma_start3A_377, %dma_start3A_378] : memref<3x32x128xf32, #tpu.memory_space<vmem>> -> memref<1x32x128xf32, #tpu.memory_space<vmem>>
    %dma_start3A_380 = tpu.memref_squeeze %dma_start3A_379 : memref<1x32x128xf32, #tpu.memory_space<vmem>> -> memref<32x128xf32, #tpu.memory_space<vmem>>
    tpu.enqueue_dma source(%dma_start3A_380 : memref<32x128xf32, #tpu.memory_space<vmem>>) target(%dma_start3A_376 : memref<32x128xf32, #tpu.memory_space<vmem_shared>>) target_semaphore(%dma_start3A_374 : memref<!tpu.dma_semaphore, #tpu.memory_space<semaphore_mem>>)
    %add3A_381 = arith.constant 576 : i32
    %add3A_382 = arith.addi %mul3A_57, %add3A_381 : i32
    %dma_start3A_383 = arith.constant 0 : i32
    %dma_start3A_384 = arith.constant 0 : i32
    %dma_start3A_385 = arith.constant 0 : i32
    %dma_start3A_386 = arith.constant 0 : i32
    %dma_start3A_387 = tpu.memref_slice %arg8[%dma_start3A_383, %dma_start3A_385, %dma_start3A_386] : memref<3x32x128xf32, #tpu.memory_space<vmem>> -> memref<1x32x128xf32, #tpu.memory_space<vmem>>
    %dma_start3A_388 = tpu.memref_squeeze %dma_start3A_387 : memref<1x32x128xf32, #tpu.memory_space<vmem>> -> memref<32x128xf32, #tpu.memory_space<vmem>>
    %dma_start3A_389 = arith.constant 0 : i32
    %dma_start3A_390 = tpu.memref_slice %arg12[%add3A_382, %dma_start3A_389] : memref<10240x128xf32, #tpu.memory_space<vmem_shared>> -> memref<32x128xf32, #tpu.memory_space<vmem_shared>>
    %dma_start3A_391 = tpu.memref_slice %arg14[%dma_start3A_384] : memref<3x!tpu.dma_semaphore, #tpu.memory_space<semaphore_mem>> -> memref<1x!tpu.dma_semaphore, #tpu.memory_space<semaphore_mem>>
    %dma_start3A_392 = tpu.memref_squeeze %dma_start3A_391 : memref<1x!tpu.dma_semaphore, #tpu.memory_space<semaphore_mem>> -> memref<!tpu.dma_semaphore, #tpu.memory_space<semaphore_mem>>
    %dma_start3A_393 = arith.constant 0 : i32
    %dma_start3A_394 = tpu.memref_slice %arg12[%add3A_382, %dma_start3A_393] : memref<10240x128xf32, #tpu.memory_space<vmem_shared>> -> memref<32x128xf32, #tpu.memory_space<vmem_shared>>
    %dma_start3A_395 = arith.constant 0 : i32
    %dma_start3A_396 = arith.constant 0 : i32
    %dma_start3A_397 = tpu.memref_slice %arg8[%dma_start3A_383, %dma_start3A_395, %dma_start3A_396] : memref<3x32x128xf32, #tpu.memory_space<vmem>> -> memref<1x32x128xf32, #tpu.memory_space<vmem>>
    %dma_start3A_398 = tpu.memref_squeeze %dma_start3A_397 : memref<1x32x128xf32, #tpu.memory_space<vmem>> -> memref<32x128xf32, #tpu.memory_space<vmem>>
    tpu.enqueue_dma source(%dma_start3A_398 : memref<32x128xf32, #tpu.memory_space<vmem>>) target(%dma_start3A_394 : memref<32x128xf32, #tpu.memory_space<vmem_shared>>) target_semaphore(%dma_start3A_392 : memref<!tpu.dma_semaphore, #tpu.memory_space<semaphore_mem>>)
    %add3A_399 = arith.constant 608 : i32
    %add3A_400 = arith.addi %mul3A_57, %add3A_399 : i32
    %dma_start3A_401 = arith.constant 0 : i32
    %dma_start3A_402 = arith.constant 0 : i32
    %dma_start3A_403 = arith.constant 0 : i32
    %dma_start3A_404 = arith.constant 0 : i32
    %dma_start3A_405 = tpu.memref_slice %arg8[%dma_start3A_401, %dma_start3A_403, %dma_start3A_404] : memref<3x32x128xf32, #tpu.memory_space<vmem>> -> memref<1x32x128xf32, #tpu.memory_space<vmem>>
    %dma_start3A_406 = tpu.memref_squeeze %dma_start3A_405 : memref<1x32x128xf32, #tpu.memory_space<vmem>> -> memref<32x128xf32, #tpu.memory_space<vmem>>
    %dma_start3A_407 = arith.constant 0 : i32
    %dma_start3A_408 = tpu.memref_slice %arg12[%add3A_400, %dma_start3A_407] : memref<10240x128xf32, #tpu.memory_space<vmem_shared>> -> memref<32x128xf32, #tpu.memory_space<vmem_shared>>
    %dma_start3A_409 = tpu.memref_slice %arg14[%dma_start3A_402] : memref<3x!tpu.dma_semaphore, #tpu.memory_space<semaphore_mem>> -> memref<1x!tpu.dma_semaphore, #tpu.memory_space<semaphore_mem>>
    %dma_start3A_410 = tpu.memref_squeeze %dma_start3A_409 : memref<1x!tpu.dma_semaphore, #tpu.memory_space<semaphore_mem>> -> memref<!tpu.dma_semaphore, #tpu.memory_space<semaphore_mem>>
    %dma_start3A_411 = arith.constant 0 : i32
    %dma_start3A_412 = tpu.memref_slice %arg12[%add3A_400, %dma_start3A_411] : memref<10240x128xf32, #tpu.memory_space<vmem_shared>> -> memref<32x128xf32, #tpu.memory_space<vmem_shared>>
    %dma_start3A_413 = arith.constant 0 : i32
    %dma_start3A_414 = arith.constant 0 : i32
    %dma_start3A_415 = tpu.memref_slice %arg8[%dma_start3A_401, %dma_start3A_413, %dma_start3A_414] : memref<3x32x128xf32, #tpu.memory_space<vmem>> -> memref<1x32x128xf32, #tpu.memory_space<vmem>>
    %dma_start3A_416 = tpu.memref_squeeze %dma_start3A_415 : memref<1x32x128xf32, #tpu.memory_space<vmem>> -> memref<32x128xf32, #tpu.memory_space<vmem>>
    tpu.enqueue_dma source(%dma_start3A_416 : memref<32x128xf32, #tpu.memory_space<vmem>>) target(%dma_start3A_412 : memref<32x128xf32, #tpu.memory_space<vmem_shared>>) target_semaphore(%dma_start3A_410 : memref<!tpu.dma_semaphore, #tpu.memory_space<semaphore_mem>>)
    %add3A_417 = arith.constant 0 : i32
    %add3A_418 = arith.addi %mul3A_57, %add3A_417 : i32
    %dma_start3A_419 = arith.constant 1 : i32
    %dma_start3A_420 = tpu.memref_slice %arg13[%add3A_418] : memref<10240xf32, #tpu.memory_space<vmem_shared>> -> memref<128xf32, #tpu.memory_space<vmem_shared>>
    %dma_start3A_421 = tpu.memref_slice %arg14[%dma_start3A_419] : memref<3x!tpu.dma_semaphore, #tpu.memory_space<semaphore_mem>> -> memref<1x!tpu.dma_semaphore, #tpu.memory_space<semaphore_mem>>
    %dma_start3A_422 = tpu.memref_squeeze %dma_start3A_421 : memref<1x!tpu.dma_semaphore, #tpu.memory_space<semaphore_mem>> -> memref<!tpu.dma_semaphore, #tpu.memory_space<semaphore_mem>>
    %dma_start3A_423 = tpu.memref_slice %arg13[%add3A_418] : memref<10240xf32, #tpu.memory_space<vmem_shared>> -> memref<128xf32, #tpu.memory_space<vmem_shared>>
    tpu.enqueue_dma source(%arg11 : memref<128xf32, #tpu.memory_space<vmem>>) target(%dma_start3A_423 : memref<128xf32, #tpu.memory_space<vmem_shared>>) target_semaphore(%dma_start3A_422 : memref<!tpu.dma_semaphore, #tpu.memory_space<semaphore_mem>>)
    %add3A_424 = arith.constant 128 : i32
    %add3A_425 = arith.addi %mul3A_57, %add3A_424 : i32
    %dma_start3A_426 = arith.constant 1 : i32
    %dma_start3A_427 = tpu.memref_slice %arg13[%add3A_425] : memref<10240xf32, #tpu.memory_space<vmem_shared>> -> memref<128xf32, #tpu.memory_space<vmem_shared>>
    %dma_start3A_428 = tpu.memref_slice %arg14[%dma_start3A_426] : memref<3x!tpu.dma_semaphore, #tpu.memory_space<semaphore_mem>> -> memref<1x!tpu.dma_semaphore, #tpu.memory_space<semaphore_mem>>
    %dma_start3A_429 = tpu.memref_squeeze %dma_start3A_428 : memref<1x!tpu.dma_semaphore, #tpu.memory_space<semaphore_mem>> -> memref<!tpu.dma_semaphore, #tpu.memory_space<semaphore_mem>>
    %dma_start3A_430 = tpu.memref_slice %arg13[%add3A_425] : memref<10240xf32, #tpu.memory_space<vmem_shared>> -> memref<128xf32, #tpu.memory_space<vmem_shared>>
    tpu.enqueue_dma source(%arg11 : memref<128xf32, #tpu.memory_space<vmem>>) target(%dma_start3A_430 : memref<128xf32, #tpu.memory_space<vmem_shared>>) target_semaphore(%dma_start3A_429 : memref<!tpu.dma_semaphore, #tpu.memory_space<semaphore_mem>>)
    %add3A_431 = arith.constant 256 : i32
    %add3A_432 = arith.addi %mul3A_57, %add3A_431 : i32
    %dma_start3A_433 = arith.constant 1 : i32
    %dma_start3A_434 = tpu.memref_slice %arg13[%add3A_432] : memref<10240xf32, #tpu.memory_space<vmem_shared>> -> memref<128xf32, #tpu.memory_space<vmem_shared>>
    %dma_start3A_435 = tpu.memref_slice %arg14[%dma_start3A_433] : memref<3x!tpu.dma_semaphore, #tpu.memory_space<semaphore_mem>> -> memref<1x!tpu.dma_semaphore, #tpu.memory_space<semaphore_mem>>
    %dma_start3A_436 = tpu.memref_squeeze %dma_start3A_435 : memref<1x!tpu.dma_semaphore, #tpu.memory_space<semaphore_mem>> -> memref<!tpu.dma_semaphore, #tpu.memory_space<semaphore_mem>>
    %dma_start3A_437 = tpu.memref_slice %arg13[%add3A_432] : memref<10240xf32, #tpu.memory_space<vmem_shared>> -> memref<128xf32, #tpu.memory_space<vmem_shared>>
    tpu.enqueue_dma source(%arg11 : memref<128xf32, #tpu.memory_space<vmem>>) target(%dma_start3A_437 : memref<128xf32, #tpu.memory_space<vmem_shared>>) target_semaphore(%dma_start3A_436 : memref<!tpu.dma_semaphore, #tpu.memory_space<semaphore_mem>>)
    %add3A_438 = arith.constant 384 : i32
    %add3A_439 = arith.addi %mul3A_57, %add3A_438 : i32
    %dma_start3A_440 = arith.constant 1 : i32
    %dma_start3A_441 = tpu.memref_slice %arg13[%add3A_439] : memref<10240xf32, #tpu.memory_space<vmem_shared>> -> memref<128xf32, #tpu.memory_space<vmem_shared>>
    %dma_start3A_442 = tpu.memref_slice %arg14[%dma_start3A_440] : memref<3x!tpu.dma_semaphore, #tpu.memory_space<semaphore_mem>> -> memref<1x!tpu.dma_semaphore, #tpu.memory_space<semaphore_mem>>
    %dma_start3A_443 = tpu.memref_squeeze %dma_start3A_442 : memref<1x!tpu.dma_semaphore, #tpu.memory_space<semaphore_mem>> -> memref<!tpu.dma_semaphore, #tpu.memory_space<semaphore_mem>>
    %dma_start3A_444 = tpu.memref_slice %arg13[%add3A_439] : memref<10240xf32, #tpu.memory_space<vmem_shared>> -> memref<128xf32, #tpu.memory_space<vmem_shared>>
    tpu.enqueue_dma source(%arg11 : memref<128xf32, #tpu.memory_space<vmem>>) target(%dma_start3A_444 : memref<128xf32, #tpu.memory_space<vmem_shared>>) target_semaphore(%dma_start3A_443 : memref<!tpu.dma_semaphore, #tpu.memory_space<semaphore_mem>>)
    %add3A_445 = arith.constant 512 : i32
    %add3A_446 = arith.addi %mul3A_57, %add3A_445 : i32
    %dma_start3A_447 = arith.constant 1 : i32
    %dma_start3A_448 = tpu.memref_slice %arg13[%add3A_446] : memref<10240xf32, #tpu.memory_space<vmem_shared>> -> memref<128xf32, #tpu.memory_space<vmem_shared>>
    %dma_start3A_449 = tpu.memref_slice %arg14[%dma_start3A_447] : memref<3x!tpu.dma_semaphore, #tpu.memory_space<semaphore_mem>> -> memref<1x!tpu.dma_semaphore, #tpu.memory_space<semaphore_mem>>
    %dma_start3A_450 = tpu.memref_squeeze %dma_start3A_449 : memref<1x!tpu.dma_semaphore, #tpu.memory_space<semaphore_mem>> -> memref<!tpu.dma_semaphore, #tpu.memory_space<semaphore_mem>>
    %dma_start3A_451 = tpu.memref_slice %arg13[%add3A_446] : memref<10240xf32, #tpu.memory_space<vmem_shared>> -> memref<128xf32, #tpu.memory_space<vmem_shared>>
    tpu.enqueue_dma source(%arg11 : memref<128xf32, #tpu.memory_space<vmem>>) target(%dma_start3A_451 : memref<128xf32, #tpu.memory_space<vmem_shared>>) target_semaphore(%dma_start3A_450 : memref<!tpu.dma_semaphore, #tpu.memory_space<semaphore_mem>>)
    %add3A_452 = arith.constant 0 : i32
    %add3A_453 = arith.addi %mul3A_57, %add3A_452 : i32
    %dma_wait3A = arith.constant 0 : i32
    %dma_wait3A_454 = arith.constant 0 : i32
    %dma_wait3A_455 = arith.constant 0 : i32
    %dma_wait3A_456 = arith.constant 0 : i32
    %dma_wait3A_457 = tpu.memref_slice %arg8[%dma_wait3A, %dma_wait3A_455, %dma_wait3A_456] : memref<3x32x128xf32, #tpu.memory_space<vmem>> -> memref<1x32x128xf32, #tpu.memory_space<vmem>>
    %dma_wait3A_458 = tpu.memref_squeeze %dma_wait3A_457 : memref<1x32x128xf32, #tpu.memory_space<vmem>> -> memref<32x128xf32, #tpu.memory_space<vmem>>
    %dma_wait3A_459 = arith.constant 0 : i32
    %dma_wait3A_460 = tpu.memref_slice %arg12[%add3A_453, %dma_wait3A_459] : memref<10240x128xf32, #tpu.memory_space<vmem_shared>> -> memref<32x128xf32, #tpu.memory_space<vmem_shared>>
    %dma_wait3A_461 = tpu.memref_slice %arg14[%dma_wait3A_454] : memref<3x!tpu.dma_semaphore, #tpu.memory_space<semaphore_mem>> -> memref<1x!tpu.dma_semaphore, #tpu.memory_space<semaphore_mem>>
    %dma_wait3A_462 = tpu.memref_squeeze %dma_wait3A_461 : memref<1x!tpu.dma_semaphore, #tpu.memory_space<semaphore_mem>> -> memref<!tpu.dma_semaphore, #tpu.memory_space<semaphore_mem>>
    %dma_wait3A_463 = arith.constant 0 : i32
    %dma_wait3A_464 = tpu.memref_slice %arg12[%add3A_453, %dma_wait3A_463] : memref<10240x128xf32, #tpu.memory_space<vmem_shared>> -> memref<32x128xf32, #tpu.memory_space<vmem_shared>>
    %dma_wait3A_465 = arith.constant 0 : i32
    %dma_wait3A_466 = arith.constant 0 : i32
    %dma_wait3A_467 = tpu.memref_slice %arg8[%dma_wait3A, %dma_wait3A_465, %dma_wait3A_466] : memref<3x32x128xf32, #tpu.memory_space<vmem>> -> memref<1x32x128xf32, #tpu.memory_space<vmem>>
    %dma_wait3A_468 = tpu.memref_squeeze %dma_wait3A_467 : memref<1x32x128xf32, #tpu.memory_space<vmem>> -> memref<32x128xf32, #tpu.memory_space<vmem>>
    tpu.wait_dma2 semaphore(%dma_wait3A_462 : memref<!tpu.dma_semaphore, #tpu.memory_space<semaphore_mem>>) src(%dma_wait3A_468 : memref<32x128xf32, #tpu.memory_space<vmem>>) dst(%dma_wait3A_464 : memref<32x128xf32, #tpu.memory_space<vmem_shared>>)
    %add3A_469 = arith.constant 32 : i32
    %add3A_470 = arith.addi %mul3A_57, %add3A_469 : i32
    %dma_wait3A_471 = arith.constant 0 : i32
    %dma_wait3A_472 = arith.constant 0 : i32
    %dma_wait3A_473 = arith.constant 0 : i32
    %dma_wait3A_474 = arith.constant 0 : i32
    %dma_wait3A_475 = tpu.memref_slice %arg8[%dma_wait3A_471, %dma_wait3A_473, %dma_wait3A_474] : memref<3x32x128xf32, #tpu.memory_space<vmem>> -> memref<1x32x128xf32, #tpu.memory_space<vmem>>
    %dma_wait3A_476 = tpu.memref_squeeze %dma_wait3A_475 : memref<1x32x128xf32, #tpu.memory_space<vmem>> -> memref<32x128xf32, #tpu.memory_space<vmem>>
    %dma_wait3A_477 = arith.constant 0 : i32
    %dma_wait3A_478 = tpu.memref_slice %arg12[%add3A_470, %dma_wait3A_477] : memref<10240x128xf32, #tpu.memory_space<vmem_shared>> -> memref<32x128xf32, #tpu.memory_space<vmem_shared>>
    %dma_wait3A_479 = tpu.memref_slice %arg14[%dma_wait3A_472] : memref<3x!tpu.dma_semaphore, #tpu.memory_space<semaphore_mem>> -> memref<1x!tpu.dma_semaphore, #tpu.memory_space<semaphore_mem>>
    %dma_wait3A_480 = tpu.memref_squeeze %dma_wait3A_479 : memref<1x!tpu.dma_semaphore, #tpu.memory_space<semaphore_mem>> -> memref<!tpu.dma_semaphore, #tpu.memory_space<semaphore_mem>>
    %dma_wait3A_481 = arith.constant 0 : i32
    %dma_wait3A_482 = tpu.memref_slice %arg12[%add3A_470, %dma_wait3A_481] : memref<10240x128xf32, #tpu.memory_space<vmem_shared>> -> memref<32x128xf32, #tpu.memory_space<vmem_shared>>
    %dma_wait3A_483 = arith.constant 0 : i32
    %dma_wait3A_484 = arith.constant 0 : i32
    %dma_wait3A_485 = tpu.memref_slice %arg8[%dma_wait3A_471, %dma_wait3A_483, %dma_wait3A_484] : memref<3x32x128xf32, #tpu.memory_space<vmem>> -> memref<1x32x128xf32, #tpu.memory_space<vmem>>
    %dma_wait3A_486 = tpu.memref_squeeze %dma_wait3A_485 : memref<1x32x128xf32, #tpu.memory_space<vmem>> -> memref<32x128xf32, #tpu.memory_space<vmem>>
    tpu.wait_dma2 semaphore(%dma_wait3A_480 : memref<!tpu.dma_semaphore, #tpu.memory_space<semaphore_mem>>) src(%dma_wait3A_486 : memref<32x128xf32, #tpu.memory_space<vmem>>) dst(%dma_wait3A_482 : memref<32x128xf32, #tpu.memory_space<vmem_shared>>)
    %add3A_487 = arith.constant 64 : i32
    %add3A_488 = arith.addi %mul3A_57, %add3A_487 : i32
    %dma_wait3A_489 = arith.constant 0 : i32
    %dma_wait3A_490 = arith.constant 0 : i32
    %dma_wait3A_491 = arith.constant 0 : i32
    %dma_wait3A_492 = arith.constant 0 : i32
    %dma_wait3A_493 = tpu.memref_slice %arg8[%dma_wait3A_489, %dma_wait3A_491, %dma_wait3A_492] : memref<3x32x128xf32, #tpu.memory_space<vmem>> -> memref<1x32x128xf32, #tpu.memory_space<vmem>>
    %dma_wait3A_494 = tpu.memref_squeeze %dma_wait3A_493 : memref<1x32x128xf32, #tpu.memory_space<vmem>> -> memref<32x128xf32, #tpu.memory_space<vmem>>
    %dma_wait3A_495 = arith.constant 0 : i32
    %dma_wait3A_496 = tpu.memref_slice %arg12[%add3A_488, %dma_wait3A_495] : memref<10240x128xf32, #tpu.memory_space<vmem_shared>> -> memref<32x128xf32, #tpu.memory_space<vmem_shared>>
    %dma_wait3A_497 = tpu.memref_slice %arg14[%dma_wait3A_490] : memref<3x!tpu.dma_semaphore, #tpu.memory_space<semaphore_mem>> -> memref<1x!tpu.dma_semaphore, #tpu.memory_space<semaphore_mem>>
    %dma_wait3A_498 = tpu.memref_squeeze %dma_wait3A_497 : memref<1x!tpu.dma_semaphore, #tpu.memory_space<semaphore_mem>> -> memref<!tpu.dma_semaphore, #tpu.memory_space<semaphore_mem>>
    %dma_wait3A_499 = arith.constant 0 : i32
    %dma_wait3A_500 = tpu.memref_slice %arg12[%add3A_488, %dma_wait3A_499] : memref<10240x128xf32, #tpu.memory_space<vmem_shared>> -> memref<32x128xf32, #tpu.memory_space<vmem_shared>>
    %dma_wait3A_501 = arith.constant 0 : i32
    %dma_wait3A_502 = arith.constant 0 : i32
    %dma_wait3A_503 = tpu.memref_slice %arg8[%dma_wait3A_489, %dma_wait3A_501, %dma_wait3A_502] : memref<3x32x128xf32, #tpu.memory_space<vmem>> -> memref<1x32x128xf32, #tpu.memory_space<vmem>>
    %dma_wait3A_504 = tpu.memref_squeeze %dma_wait3A_503 : memref<1x32x128xf32, #tpu.memory_space<vmem>> -> memref<32x128xf32, #tpu.memory_space<vmem>>
    tpu.wait_dma2 semaphore(%dma_wait3A_498 : memref<!tpu.dma_semaphore, #tpu.memory_space<semaphore_mem>>) src(%dma_wait3A_504 : memref<32x128xf32, #tpu.memory_space<vmem>>) dst(%dma_wait3A_500 : memref<32x128xf32, #tpu.memory_space<vmem_shared>>)
    %add3A_505 = arith.constant 96 : i32
    %add3A_506 = arith.addi %mul3A_57, %add3A_505 : i32
    %dma_wait3A_507 = arith.constant 0 : i32
    %dma_wait3A_508 = arith.constant 0 : i32
    %dma_wait3A_509 = arith.constant 0 : i32
    %dma_wait3A_510 = arith.constant 0 : i32
    %dma_wait3A_511 = tpu.memref_slice %arg8[%dma_wait3A_507, %dma_wait3A_509, %dma_wait3A_510] : memref<3x32x128xf32, #tpu.memory_space<vmem>> -> memref<1x32x128xf32, #tpu.memory_space<vmem>>
    %dma_wait3A_512 = tpu.memref_squeeze %dma_wait3A_511 : memref<1x32x128xf32, #tpu.memory_space<vmem>> -> memref<32x128xf32, #tpu.memory_space<vmem>>
    %dma_wait3A_513 = arith.constant 0 : i32
    %dma_wait3A_514 = tpu.memref_slice %arg12[%add3A_506, %dma_wait3A_513] : memref<10240x128xf32, #tpu.memory_space<vmem_shared>> -> memref<32x128xf32, #tpu.memory_space<vmem_shared>>
    %dma_wait3A_515 = tpu.memref_slice %arg14[%dma_wait3A_508] : memref<3x!tpu.dma_semaphore, #tpu.memory_space<semaphore_mem>> -> memref<1x!tpu.dma_semaphore, #tpu.memory_space<semaphore_mem>>
    %dma_wait3A_516 = tpu.memref_squeeze %dma_wait3A_515 : memref<1x!tpu.dma_semaphore, #tpu.memory_space<semaphore_mem>> -> memref<!tpu.dma_semaphore, #tpu.memory_space<semaphore_mem>>
    %dma_wait3A_517 = arith.constant 0 : i32
    %dma_wait3A_518 = tpu.memref_slice %arg12[%add3A_506, %dma_wait3A_517] : memref<10240x128xf32, #tpu.memory_space<vmem_shared>> -> memref<32x128xf32, #tpu.memory_space<vmem_shared>>
    %dma_wait3A_519 = arith.constant 0 : i32
    %dma_wait3A_520 = arith.constant 0 : i32
    %dma_wait3A_521 = tpu.memref_slice %arg8[%dma_wait3A_507, %dma_wait3A_519, %dma_wait3A_520] : memref<3x32x128xf32, #tpu.memory_space<vmem>> -> memref<1x32x128xf32, #tpu.memory_space<vmem>>
    %dma_wait3A_522 = tpu.memref_squeeze %dma_wait3A_521 : memref<1x32x128xf32, #tpu.memory_space<vmem>> -> memref<32x128xf32, #tpu.memory_space<vmem>>
    tpu.wait_dma2 semaphore(%dma_wait3A_516 : memref<!tpu.dma_semaphore, #tpu.memory_space<semaphore_mem>>) src(%dma_wait3A_522 : memref<32x128xf32, #tpu.memory_space<vmem>>) dst(%dma_wait3A_518 : memref<32x128xf32, #tpu.memory_space<vmem_shared>>)
    %add3A_523 = arith.constant 128 : i32
    %add3A_524 = arith.addi %mul3A_57, %add3A_523 : i32
    %dma_wait3A_525 = arith.constant 0 : i32
    %dma_wait3A_526 = arith.constant 0 : i32
    %dma_wait3A_527 = arith.constant 0 : i32
    %dma_wait3A_528 = arith.constant 0 : i32
    %dma_wait3A_529 = tpu.memref_slice %arg8[%dma_wait3A_525, %dma_wait3A_527, %dma_wait3A_528] : memref<3x32x128xf32, #tpu.memory_space<vmem>> -> memref<1x32x128xf32, #tpu.memory_space<vmem>>
    %dma_wait3A_530 = tpu.memref_squeeze %dma_wait3A_529 : memref<1x32x128xf32, #tpu.memory_space<vmem>> -> memref<32x128xf32, #tpu.memory_space<vmem>>
    %dma_wait3A_531 = arith.constant 0 : i32
    %dma_wait3A_532 = tpu.memref_slice %arg12[%add3A_524, %dma_wait3A_531] : memref<10240x128xf32, #tpu.memory_space<vmem_shared>> -> memref<32x128xf32, #tpu.memory_space<vmem_shared>>
    %dma_wait3A_533 = tpu.memref_slice %arg14[%dma_wait3A_526] : memref<3x!tpu.dma_semaphore, #tpu.memory_space<semaphore_mem>> -> memref<1x!tpu.dma_semaphore, #tpu.memory_space<semaphore_mem>>
    %dma_wait3A_534 = tpu.memref_squeeze %dma_wait3A_533 : memref<1x!tpu.dma_semaphore, #tpu.memory_space<semaphore_mem>> -> memref<!tpu.dma_semaphore, #tpu.memory_space<semaphore_mem>>
    %dma_wait3A_535 = arith.constant 0 : i32
    %dma_wait3A_536 = tpu.memref_slice %arg12[%add3A_524, %dma_wait3A_535] : memref<10240x128xf32, #tpu.memory_space<vmem_shared>> -> memref<32x128xf32, #tpu.memory_space<vmem_shared>>
    %dma_wait3A_537 = arith.constant 0 : i32
    %dma_wait3A_538 = arith.constant 0 : i32
    %dma_wait3A_539 = tpu.memref_slice %arg8[%dma_wait3A_525, %dma_wait3A_537, %dma_wait3A_538] : memref<3x32x128xf32, #tpu.memory_space<vmem>> -> memref<1x32x128xf32, #tpu.memory_space<vmem>>
    %dma_wait3A_540 = tpu.memref_squeeze %dma_wait3A_539 : memref<1x32x128xf32, #tpu.memory_space<vmem>> -> memref<32x128xf32, #tpu.memory_space<vmem>>
    tpu.wait_dma2 semaphore(%dma_wait3A_534 : memref<!tpu.dma_semaphore, #tpu.memory_space<semaphore_mem>>) src(%dma_wait3A_540 : memref<32x128xf32, #tpu.memory_space<vmem>>) dst(%dma_wait3A_536 : memref<32x128xf32, #tpu.memory_space<vmem_shared>>)
    %add3A_541 = arith.constant 160 : i32
    %add3A_542 = arith.addi %mul3A_57, %add3A_541 : i32
    %dma_wait3A_543 = arith.constant 0 : i32
    %dma_wait3A_544 = arith.constant 0 : i32
    %dma_wait3A_545 = arith.constant 0 : i32
    %dma_wait3A_546 = arith.constant 0 : i32
    %dma_wait3A_547 = tpu.memref_slice %arg8[%dma_wait3A_543, %dma_wait3A_545, %dma_wait3A_546] : memref<3x32x128xf32, #tpu.memory_space<vmem>> -> memref<1x32x128xf32, #tpu.memory_space<vmem>>
    %dma_wait3A_548 = tpu.memref_squeeze %dma_wait3A_547 : memref<1x32x128xf32, #tpu.memory_space<vmem>> -> memref<32x128xf32, #tpu.memory_space<vmem>>
    %dma_wait3A_549 = arith.constant 0 : i32
    %dma_wait3A_550 = tpu.memref_slice %arg12[%add3A_542, %dma_wait3A_549] : memref<10240x128xf32, #tpu.memory_space<vmem_shared>> -> memref<32x128xf32, #tpu.memory_space<vmem_shared>>
    %dma_wait3A_551 = tpu.memref_slice %arg14[%dma_wait3A_544] : memref<3x!tpu.dma_semaphore, #tpu.memory_space<semaphore_mem>> -> memref<1x!tpu.dma_semaphore, #tpu.memory_space<semaphore_mem>>
    %dma_wait3A_552 = tpu.memref_squeeze %dma_wait3A_551 : memref<1x!tpu.dma_semaphore, #tpu.memory_space<semaphore_mem>> -> memref<!tpu.dma_semaphore, #tpu.memory_space<semaphore_mem>>
    %dma_wait3A_553 = arith.constant 0 : i32
    %dma_wait3A_554 = tpu.memref_slice %arg12[%add3A_542, %dma_wait3A_553] : memref<10240x128xf32, #tpu.memory_space<vmem_shared>> -> memref<32x128xf32, #tpu.memory_space<vmem_shared>>
    %dma_wait3A_555 = arith.constant 0 : i32
    %dma_wait3A_556 = arith.constant 0 : i32
    %dma_wait3A_557 = tpu.memref_slice %arg8[%dma_wait3A_543, %dma_wait3A_555, %dma_wait3A_556] : memref<3x32x128xf32, #tpu.memory_space<vmem>> -> memref<1x32x128xf32, #tpu.memory_space<vmem>>
    %dma_wait3A_558 = tpu.memref_squeeze %dma_wait3A_557 : memref<1x32x128xf32, #tpu.memory_space<vmem>> -> memref<32x128xf32, #tpu.memory_space<vmem>>
    tpu.wait_dma2 semaphore(%dma_wait3A_552 : memref<!tpu.dma_semaphore, #tpu.memory_space<semaphore_mem>>) src(%dma_wait3A_558 : memref<32x128xf32, #tpu.memory_space<vmem>>) dst(%dma_wait3A_554 : memref<32x128xf32, #tpu.memory_space<vmem_shared>>)
    %add3A_559 = arith.constant 192 : i32
    %add3A_560 = arith.addi %mul3A_57, %add3A_559 : i32
    %dma_wait3A_561 = arith.constant 0 : i32
    %dma_wait3A_562 = arith.constant 0 : i32
    %dma_wait3A_563 = arith.constant 0 : i32
    %dma_wait3A_564 = arith.constant 0 : i32
    %dma_wait3A_565 = tpu.memref_slice %arg8[%dma_wait3A_561, %dma_wait3A_563, %dma_wait3A_564] : memref<3x32x128xf32, #tpu.memory_space<vmem>> -> memref<1x32x128xf32, #tpu.memory_space<vmem>>
    %dma_wait3A_566 = tpu.memref_squeeze %dma_wait3A_565 : memref<1x32x128xf32, #tpu.memory_space<vmem>> -> memref<32x128xf32, #tpu.memory_space<vmem>>
    %dma_wait3A_567 = arith.constant 0 : i32
    %dma_wait3A_568 = tpu.memref_slice %arg12[%add3A_560, %dma_wait3A_567] : memref<10240x128xf32, #tpu.memory_space<vmem_shared>> -> memref<32x128xf32, #tpu.memory_space<vmem_shared>>
    %dma_wait3A_569 = tpu.memref_slice %arg14[%dma_wait3A_562] : memref<3x!tpu.dma_semaphore, #tpu.memory_space<semaphore_mem>> -> memref<1x!tpu.dma_semaphore, #tpu.memory_space<semaphore_mem>>
    %dma_wait3A_570 = tpu.memref_squeeze %dma_wait3A_569 : memref<1x!tpu.dma_semaphore, #tpu.memory_space<semaphore_mem>> -> memref<!tpu.dma_semaphore, #tpu.memory_space<semaphore_mem>>
    %dma_wait3A_571 = arith.constant 0 : i32
    %dma_wait3A_572 = tpu.memref_slice %arg12[%add3A_560, %dma_wait3A_571] : memref<10240x128xf32, #tpu.memory_space<vmem_shared>> -> memref<32x128xf32, #tpu.memory_space<vmem_shared>>
    %dma_wait3A_573 = arith.constant 0 : i32
    %dma_wait3A_574 = arith.constant 0 : i32
    %dma_wait3A_575 = tpu.memref_slice %arg8[%dma_wait3A_561, %dma_wait3A_573, %dma_wait3A_574] : memref<3x32x128xf32, #tpu.memory_space<vmem>> -> memref<1x32x128xf32, #tpu.memory_space<vmem>>
    %dma_wait3A_576 = tpu.memref_squeeze %dma_wait3A_575 : memref<1x32x128xf32, #tpu.memory_space<vmem>> -> memref<32x128xf32, #tpu.memory_space<vmem>>
    tpu.wait_dma2 semaphore(%dma_wait3A_570 : memref<!tpu.dma_semaphore, #tpu.memory_space<semaphore_mem>>) src(%dma_wait3A_576 : memref<32x128xf32, #tpu.memory_space<vmem>>) dst(%dma_wait3A_572 : memref<32x128xf32, #tpu.memory_space<vmem_shared>>)
    %add3A_577 = arith.constant 224 : i32
    %add3A_578 = arith.addi %mul3A_57, %add3A_577 : i32
    %dma_wait3A_579 = arith.constant 0 : i32
    %dma_wait3A_580 = arith.constant 0 : i32
    %dma_wait3A_581 = arith.constant 0 : i32
    %dma_wait3A_582 = arith.constant 0 : i32
    %dma_wait3A_583 = tpu.memref_slice %arg8[%dma_wait3A_579, %dma_wait3A_581, %dma_wait3A_582] : memref<3x32x128xf32, #tpu.memory_space<vmem>> -> memref<1x32x128xf32, #tpu.memory_space<vmem>>
    %dma_wait3A_584 = tpu.memref_squeeze %dma_wait3A_583 : memref<1x32x128xf32, #tpu.memory_space<vmem>> -> memref<32x128xf32, #tpu.memory_space<vmem>>
    %dma_wait3A_585 = arith.constant 0 : i32
    %dma_wait3A_586 = tpu.memref_slice %arg12[%add3A_578, %dma_wait3A_585] : memref<10240x128xf32, #tpu.memory_space<vmem_shared>> -> memref<32x128xf32, #tpu.memory_space<vmem_shared>>
    %dma_wait3A_587 = tpu.memref_slice %arg14[%dma_wait3A_580] : memref<3x!tpu.dma_semaphore, #tpu.memory_space<semaphore_mem>> -> memref<1x!tpu.dma_semaphore, #tpu.memory_space<semaphore_mem>>
    %dma_wait3A_588 = tpu.memref_squeeze %dma_wait3A_587 : memref<1x!tpu.dma_semaphore, #tpu.memory_space<semaphore_mem>> -> memref<!tpu.dma_semaphore, #tpu.memory_space<semaphore_mem>>
    %dma_wait3A_589 = arith.constant 0 : i32
    %dma_wait3A_590 = tpu.memref_slice %arg12[%add3A_578, %dma_wait3A_589] : memref<10240x128xf32, #tpu.memory_space<vmem_shared>> -> memref<32x128xf32, #tpu.memory_space<vmem_shared>>
    %dma_wait3A_591 = arith.constant 0 : i32
    %dma_wait3A_592 = arith.constant 0 : i32
    %dma_wait3A_593 = tpu.memref_slice %arg8[%dma_wait3A_579, %dma_wait3A_591, %dma_wait3A_592] : memref<3x32x128xf32, #tpu.memory_space<vmem>> -> memref<1x32x128xf32, #tpu.memory_space<vmem>>
    %dma_wait3A_594 = tpu.memref_squeeze %dma_wait3A_593 : memref<1x32x128xf32, #tpu.memory_space<vmem>> -> memref<32x128xf32, #tpu.memory_space<vmem>>
    tpu.wait_dma2 semaphore(%dma_wait3A_588 : memref<!tpu.dma_semaphore, #tpu.memory_space<semaphore_mem>>) src(%dma_wait3A_594 : memref<32x128xf32, #tpu.memory_space<vmem>>) dst(%dma_wait3A_590 : memref<32x128xf32, #tpu.memory_space<vmem_shared>>)
    %add3A_595 = arith.constant 256 : i32
    %add3A_596 = arith.addi %mul3A_57, %add3A_595 : i32
    %dma_wait3A_597 = arith.constant 0 : i32
    %dma_wait3A_598 = arith.constant 0 : i32
    %dma_wait3A_599 = arith.constant 0 : i32
    %dma_wait3A_600 = arith.constant 0 : i32
    %dma_wait3A_601 = tpu.memref_slice %arg8[%dma_wait3A_597, %dma_wait3A_599, %dma_wait3A_600] : memref<3x32x128xf32, #tpu.memory_space<vmem>> -> memref<1x32x128xf32, #tpu.memory_space<vmem>>
    %dma_wait3A_602 = tpu.memref_squeeze %dma_wait3A_601 : memref<1x32x128xf32, #tpu.memory_space<vmem>> -> memref<32x128xf32, #tpu.memory_space<vmem>>
    %dma_wait3A_603 = arith.constant 0 : i32
    %dma_wait3A_604 = tpu.memref_slice %arg12[%add3A_596, %dma_wait3A_603] : memref<10240x128xf32, #tpu.memory_space<vmem_shared>> -> memref<32x128xf32, #tpu.memory_space<vmem_shared>>
    %dma_wait3A_605 = tpu.memref_slice %arg14[%dma_wait3A_598] : memref<3x!tpu.dma_semaphore, #tpu.memory_space<semaphore_mem>> -> memref<1x!tpu.dma_semaphore, #tpu.memory_space<semaphore_mem>>
    %dma_wait3A_606 = tpu.memref_squeeze %dma_wait3A_605 : memref<1x!tpu.dma_semaphore, #tpu.memory_space<semaphore_mem>> -> memref<!tpu.dma_semaphore, #tpu.memory_space<semaphore_mem>>
    %dma_wait3A_607 = arith.constant 0 : i32
    %dma_wait3A_608 = tpu.memref_slice %arg12[%add3A_596, %dma_wait3A_607] : memref<10240x128xf32, #tpu.memory_space<vmem_shared>> -> memref<32x128xf32, #tpu.memory_space<vmem_shared>>
    %dma_wait3A_609 = arith.constant 0 : i32
    %dma_wait3A_610 = arith.constant 0 : i32
    %dma_wait3A_611 = tpu.memref_slice %arg8[%dma_wait3A_597, %dma_wait3A_609, %dma_wait3A_610] : memref<3x32x128xf32, #tpu.memory_space<vmem>> -> memref<1x32x128xf32, #tpu.memory_space<vmem>>
    %dma_wait3A_612 = tpu.memref_squeeze %dma_wait3A_611 : memref<1x32x128xf32, #tpu.memory_space<vmem>> -> memref<32x128xf32, #tpu.memory_space<vmem>>
    tpu.wait_dma2 semaphore(%dma_wait3A_606 : memref<!tpu.dma_semaphore, #tpu.memory_space<semaphore_mem>>) src(%dma_wait3A_612 : memref<32x128xf32, #tpu.memory_space<vmem>>) dst(%dma_wait3A_608 : memref<32x128xf32, #tpu.memory_space<vmem_shared>>)
    %add3A_613 = arith.constant 288 : i32
    %add3A_614 = arith.addi %mul3A_57, %add3A_613 : i32
    %dma_wait3A_615 = arith.constant 0 : i32
    %dma_wait3A_616 = arith.constant 0 : i32
    %dma_wait3A_617 = arith.constant 0 : i32
    %dma_wait3A_618 = arith.constant 0 : i32
    %dma_wait3A_619 = tpu.memref_slice %arg8[%dma_wait3A_615, %dma_wait3A_617, %dma_wait3A_618] : memref<3x32x128xf32, #tpu.memory_space<vmem>> -> memref<1x32x128xf32, #tpu.memory_space<vmem>>
    %dma_wait3A_620 = tpu.memref_squeeze %dma_wait3A_619 : memref<1x32x128xf32, #tpu.memory_space<vmem>> -> memref<32x128xf32, #tpu.memory_space<vmem>>
    %dma_wait3A_621 = arith.constant 0 : i32
    %dma_wait3A_622 = tpu.memref_slice %arg12[%add3A_614, %dma_wait3A_621] : memref<10240x128xf32, #tpu.memory_space<vmem_shared>> -> memref<32x128xf32, #tpu.memory_space<vmem_shared>>
    %dma_wait3A_623 = tpu.memref_slice %arg14[%dma_wait3A_616] : memref<3x!tpu.dma_semaphore, #tpu.memory_space<semaphore_mem>> -> memref<1x!tpu.dma_semaphore, #tpu.memory_space<semaphore_mem>>
    %dma_wait3A_624 = tpu.memref_squeeze %dma_wait3A_623 : memref<1x!tpu.dma_semaphore, #tpu.memory_space<semaphore_mem>> -> memref<!tpu.dma_semaphore, #tpu.memory_space<semaphore_mem>>
    %dma_wait3A_625 = arith.constant 0 : i32
    %dma_wait3A_626 = tpu.memref_slice %arg12[%add3A_614, %dma_wait3A_625] : memref<10240x128xf32, #tpu.memory_space<vmem_shared>> -> memref<32x128xf32, #tpu.memory_space<vmem_shared>>
    %dma_wait3A_627 = arith.constant 0 : i32
    %dma_wait3A_628 = arith.constant 0 : i32
    %dma_wait3A_629 = tpu.memref_slice %arg8[%dma_wait3A_615, %dma_wait3A_627, %dma_wait3A_628] : memref<3x32x128xf32, #tpu.memory_space<vmem>> -> memref<1x32x128xf32, #tpu.memory_space<vmem>>
    %dma_wait3A_630 = tpu.memref_squeeze %dma_wait3A_629 : memref<1x32x128xf32, #tpu.memory_space<vmem>> -> memref<32x128xf32, #tpu.memory_space<vmem>>
    tpu.wait_dma2 semaphore(%dma_wait3A_624 : memref<!tpu.dma_semaphore, #tpu.memory_space<semaphore_mem>>) src(%dma_wait3A_630 : memref<32x128xf32, #tpu.memory_space<vmem>>) dst(%dma_wait3A_626 : memref<32x128xf32, #tpu.memory_space<vmem_shared>>)
    %add3A_631 = arith.constant 320 : i32
    %add3A_632 = arith.addi %mul3A_57, %add3A_631 : i32
    %dma_wait3A_633 = arith.constant 0 : i32
    %dma_wait3A_634 = arith.constant 0 : i32
    %dma_wait3A_635 = arith.constant 0 : i32
    %dma_wait3A_636 = arith.constant 0 : i32
    %dma_wait3A_637 = tpu.memref_slice %arg8[%dma_wait3A_633, %dma_wait3A_635, %dma_wait3A_636] : memref<3x32x128xf32, #tpu.memory_space<vmem>> -> memref<1x32x128xf32, #tpu.memory_space<vmem>>
    %dma_wait3A_638 = tpu.memref_squeeze %dma_wait3A_637 : memref<1x32x128xf32, #tpu.memory_space<vmem>> -> memref<32x128xf32, #tpu.memory_space<vmem>>
    %dma_wait3A_639 = arith.constant 0 : i32
    %dma_wait3A_640 = tpu.memref_slice %arg12[%add3A_632, %dma_wait3A_639] : memref<10240x128xf32, #tpu.memory_space<vmem_shared>> -> memref<32x128xf32, #tpu.memory_space<vmem_shared>>
    %dma_wait3A_641 = tpu.memref_slice %arg14[%dma_wait3A_634] : memref<3x!tpu.dma_semaphore, #tpu.memory_space<semaphore_mem>> -> memref<1x!tpu.dma_semaphore, #tpu.memory_space<semaphore_mem>>
    %dma_wait3A_642 = tpu.memref_squeeze %dma_wait3A_641 : memref<1x!tpu.dma_semaphore, #tpu.memory_space<semaphore_mem>> -> memref<!tpu.dma_semaphore, #tpu.memory_space<semaphore_mem>>
    %dma_wait3A_643 = arith.constant 0 : i32
    %dma_wait3A_644 = tpu.memref_slice %arg12[%add3A_632, %dma_wait3A_643] : memref<10240x128xf32, #tpu.memory_space<vmem_shared>> -> memref<32x128xf32, #tpu.memory_space<vmem_shared>>
    %dma_wait3A_645 = arith.constant 0 : i32
    %dma_wait3A_646 = arith.constant 0 : i32
    %dma_wait3A_647 = tpu.memref_slice %arg8[%dma_wait3A_633, %dma_wait3A_645, %dma_wait3A_646] : memref<3x32x128xf32, #tpu.memory_space<vmem>> -> memref<1x32x128xf32, #tpu.memory_space<vmem>>
    %dma_wait3A_648 = tpu.memref_squeeze %dma_wait3A_647 : memref<1x32x128xf32, #tpu.memory_space<vmem>> -> memref<32x128xf32, #tpu.memory_space<vmem>>
    tpu.wait_dma2 semaphore(%dma_wait3A_642 : memref<!tpu.dma_semaphore, #tpu.memory_space<semaphore_mem>>) src(%dma_wait3A_648 : memref<32x128xf32, #tpu.memory_space<vmem>>) dst(%dma_wait3A_644 : memref<32x128xf32, #tpu.memory_space<vmem_shared>>)
    %add3A_649 = arith.constant 352 : i32
    %add3A_650 = arith.addi %mul3A_57, %add3A_649 : i32
    %dma_wait3A_651 = arith.constant 0 : i32
    %dma_wait3A_652 = arith.constant 0 : i32
    %dma_wait3A_653 = arith.constant 0 : i32
    %dma_wait3A_654 = arith.constant 0 : i32
    %dma_wait3A_655 = tpu.memref_slice %arg8[%dma_wait3A_651, %dma_wait3A_653, %dma_wait3A_654] : memref<3x32x128xf32, #tpu.memory_space<vmem>> -> memref<1x32x128xf32, #tpu.memory_space<vmem>>
    %dma_wait3A_656 = tpu.memref_squeeze %dma_wait3A_655 : memref<1x32x128xf32, #tpu.memory_space<vmem>> -> memref<32x128xf32, #tpu.memory_space<vmem>>
    %dma_wait3A_657 = arith.constant 0 : i32
    %dma_wait3A_658 = tpu.memref_slice %arg12[%add3A_650, %dma_wait3A_657] : memref<10240x128xf32, #tpu.memory_space<vmem_shared>> -> memref<32x128xf32, #tpu.memory_space<vmem_shared>>
    %dma_wait3A_659 = tpu.memref_slice %arg14[%dma_wait3A_652] : memref<3x!tpu.dma_semaphore, #tpu.memory_space<semaphore_mem>> -> memref<1x!tpu.dma_semaphore, #tpu.memory_space<semaphore_mem>>
    %dma_wait3A_660 = tpu.memref_squeeze %dma_wait3A_659 : memref<1x!tpu.dma_semaphore, #tpu.memory_space<semaphore_mem>> -> memref<!tpu.dma_semaphore, #tpu.memory_space<semaphore_mem>>
    %dma_wait3A_661 = arith.constant 0 : i32
    %dma_wait3A_662 = tpu.memref_slice %arg12[%add3A_650, %dma_wait3A_661] : memref<10240x128xf32, #tpu.memory_space<vmem_shared>> -> memref<32x128xf32, #tpu.memory_space<vmem_shared>>
    %dma_wait3A_663 = arith.constant 0 : i32
    %dma_wait3A_664 = arith.constant 0 : i32
    %dma_wait3A_665 = tpu.memref_slice %arg8[%dma_wait3A_651, %dma_wait3A_663, %dma_wait3A_664] : memref<3x32x128xf32, #tpu.memory_space<vmem>> -> memref<1x32x128xf32, #tpu.memory_space<vmem>>
    %dma_wait3A_666 = tpu.memref_squeeze %dma_wait3A_665 : memref<1x32x128xf32, #tpu.memory_space<vmem>> -> memref<32x128xf32, #tpu.memory_space<vmem>>
    tpu.wait_dma2 semaphore(%dma_wait3A_660 : memref<!tpu.dma_semaphore, #tpu.memory_space<semaphore_mem>>) src(%dma_wait3A_666 : memref<32x128xf32, #tpu.memory_space<vmem>>) dst(%dma_wait3A_662 : memref<32x128xf32, #tpu.memory_space<vmem_shared>>)
    %add3A_667 = arith.constant 384 : i32
    %add3A_668 = arith.addi %mul3A_57, %add3A_667 : i32
    %dma_wait3A_669 = arith.constant 0 : i32
    %dma_wait3A_670 = arith.constant 0 : i32
    %dma_wait3A_671 = arith.constant 0 : i32
    %dma_wait3A_672 = arith.constant 0 : i32
    %dma_wait3A_673 = tpu.memref_slice %arg8[%dma_wait3A_669, %dma_wait3A_671, %dma_wait3A_672] : memref<3x32x128xf32, #tpu.memory_space<vmem>> -> memref<1x32x128xf32, #tpu.memory_space<vmem>>
    %dma_wait3A_674 = tpu.memref_squeeze %dma_wait3A_673 : memref<1x32x128xf32, #tpu.memory_space<vmem>> -> memref<32x128xf32, #tpu.memory_space<vmem>>
    %dma_wait3A_675 = arith.constant 0 : i32
    %dma_wait3A_676 = tpu.memref_slice %arg12[%add3A_668, %dma_wait3A_675] : memref<10240x128xf32, #tpu.memory_space<vmem_shared>> -> memref<32x128xf32, #tpu.memory_space<vmem_shared>>
    %dma_wait3A_677 = tpu.memref_slice %arg14[%dma_wait3A_670] : memref<3x!tpu.dma_semaphore, #tpu.memory_space<semaphore_mem>> -> memref<1x!tpu.dma_semaphore, #tpu.memory_space<semaphore_mem>>
    %dma_wait3A_678 = tpu.memref_squeeze %dma_wait3A_677 : memref<1x!tpu.dma_semaphore, #tpu.memory_space<semaphore_mem>> -> memref<!tpu.dma_semaphore, #tpu.memory_space<semaphore_mem>>
    %dma_wait3A_679 = arith.constant 0 : i32
    %dma_wait3A_680 = tpu.memref_slice %arg12[%add3A_668, %dma_wait3A_679] : memref<10240x128xf32, #tpu.memory_space<vmem_shared>> -> memref<32x128xf32, #tpu.memory_space<vmem_shared>>
    %dma_wait3A_681 = arith.constant 0 : i32
    %dma_wait3A_682 = arith.constant 0 : i32
    %dma_wait3A_683 = tpu.memref_slice %arg8[%dma_wait3A_669, %dma_wait3A_681, %dma_wait3A_682] : memref<3x32x128xf32, #tpu.memory_space<vmem>> -> memref<1x32x128xf32, #tpu.memory_space<vmem>>
    %dma_wait3A_684 = tpu.memref_squeeze %dma_wait3A_683 : memref<1x32x128xf32, #tpu.memory_space<vmem>> -> memref<32x128xf32, #tpu.memory_space<vmem>>
    tpu.wait_dma2 semaphore(%dma_wait3A_678 : memref<!tpu.dma_semaphore, #tpu.memory_space<semaphore_mem>>) src(%dma_wait3A_684 : memref<32x128xf32, #tpu.memory_space<vmem>>) dst(%dma_wait3A_680 : memref<32x128xf32, #tpu.memory_space<vmem_shared>>)
    %add3A_685 = arith.constant 416 : i32
    %add3A_686 = arith.addi %mul3A_57, %add3A_685 : i32
    %dma_wait3A_687 = arith.constant 0 : i32
    %dma_wait3A_688 = arith.constant 0 : i32
    %dma_wait3A_689 = arith.constant 0 : i32
    %dma_wait3A_690 = arith.constant 0 : i32
    %dma_wait3A_691 = tpu.memref_slice %arg8[%dma_wait3A_687, %dma_wait3A_689, %dma_wait3A_690] : memref<3x32x128xf32, #tpu.memory_space<vmem>> -> memref<1x32x128xf32, #tpu.memory_space<vmem>>
    %dma_wait3A_692 = tpu.memref_squeeze %dma_wait3A_691 : memref<1x32x128xf32, #tpu.memory_space<vmem>> -> memref<32x128xf32, #tpu.memory_space<vmem>>
    %dma_wait3A_693 = arith.constant 0 : i32
    %dma_wait3A_694 = tpu.memref_slice %arg12[%add3A_686, %dma_wait3A_693] : memref<10240x128xf32, #tpu.memory_space<vmem_shared>> -> memref<32x128xf32, #tpu.memory_space<vmem_shared>>
    %dma_wait3A_695 = tpu.memref_slice %arg14[%dma_wait3A_688] : memref<3x!tpu.dma_semaphore, #tpu.memory_space<semaphore_mem>> -> memref<1x!tpu.dma_semaphore, #tpu.memory_space<semaphore_mem>>
    %dma_wait3A_696 = tpu.memref_squeeze %dma_wait3A_695 : memref<1x!tpu.dma_semaphore, #tpu.memory_space<semaphore_mem>> -> memref<!tpu.dma_semaphore, #tpu.memory_space<semaphore_mem>>
    %dma_wait3A_697 = arith.constant 0 : i32
    %dma_wait3A_698 = tpu.memref_slice %arg12[%add3A_686, %dma_wait3A_697] : memref<10240x128xf32, #tpu.memory_space<vmem_shared>> -> memref<32x128xf32, #tpu.memory_space<vmem_shared>>
    %dma_wait3A_699 = arith.constant 0 : i32
    %dma_wait3A_700 = arith.constant 0 : i32
    %dma_wait3A_701 = tpu.memref_slice %arg8[%dma_wait3A_687, %dma_wait3A_699, %dma_wait3A_700] : memref<3x32x128xf32, #tpu.memory_space<vmem>> -> memref<1x32x128xf32, #tpu.memory_space<vmem>>
    %dma_wait3A_702 = tpu.memref_squeeze %dma_wait3A_701 : memref<1x32x128xf32, #tpu.memory_space<vmem>> -> memref<32x128xf32, #tpu.memory_space<vmem>>
    tpu.wait_dma2 semaphore(%dma_wait3A_696 : memref<!tpu.dma_semaphore, #tpu.memory_space<semaphore_mem>>) src(%dma_wait3A_702 : memref<32x128xf32, #tpu.memory_space<vmem>>) dst(%dma_wait3A_698 : memref<32x128xf32, #tpu.memory_space<vmem_shared>>)
    %add3A_703 = arith.constant 448 : i32
    %add3A_704 = arith.addi %mul3A_57, %add3A_703 : i32
    %dma_wait3A_705 = arith.constant 0 : i32
    %dma_wait3A_706 = arith.constant 0 : i32
    %dma_wait3A_707 = arith.constant 0 : i32
    %dma_wait3A_708 = arith.constant 0 : i32
    %dma_wait3A_709 = tpu.memref_slice %arg8[%dma_wait3A_705, %dma_wait3A_707, %dma_wait3A_708] : memref<3x32x128xf32, #tpu.memory_space<vmem>> -> memref<1x32x128xf32, #tpu.memory_space<vmem>>
    %dma_wait3A_710 = tpu.memref_squeeze %dma_wait3A_709 : memref<1x32x128xf32, #tpu.memory_space<vmem>> -> memref<32x128xf32, #tpu.memory_space<vmem>>
    %dma_wait3A_711 = arith.constant 0 : i32
    %dma_wait3A_712 = tpu.memref_slice %arg12[%add3A_704, %dma_wait3A_711] : memref<10240x128xf32, #tpu.memory_space<vmem_shared>> -> memref<32x128xf32, #tpu.memory_space<vmem_shared>>
    %dma_wait3A_713 = tpu.memref_slice %arg14[%dma_wait3A_706] : memref<3x!tpu.dma_semaphore, #tpu.memory_space<semaphore_mem>> -> memref<1x!tpu.dma_semaphore, #tpu.memory_space<semaphore_mem>>
    %dma_wait3A_714 = tpu.memref_squeeze %dma_wait3A_713 : memref<1x!tpu.dma_semaphore, #tpu.memory_space<semaphore_mem>> -> memref<!tpu.dma_semaphore, #tpu.memory_space<semaphore_mem>>
    %dma_wait3A_715 = arith.constant 0 : i32
    %dma_wait3A_716 = tpu.memref_slice %arg12[%add3A_704, %dma_wait3A_715] : memref<10240x128xf32, #tpu.memory_space<vmem_shared>> -> memref<32x128xf32, #tpu.memory_space<vmem_shared>>
    %dma_wait3A_717 = arith.constant 0 : i32
    %dma_wait3A_718 = arith.constant 0 : i32
    %dma_wait3A_719 = tpu.memref_slice %arg8[%dma_wait3A_705, %dma_wait3A_717, %dma_wait3A_718] : memref<3x32x128xf32, #tpu.memory_space<vmem>> -> memref<1x32x128xf32, #tpu.memory_space<vmem>>
    %dma_wait3A_720 = tpu.memref_squeeze %dma_wait3A_719 : memref<1x32x128xf32, #tpu.memory_space<vmem>> -> memref<32x128xf32, #tpu.memory_space<vmem>>
    tpu.wait_dma2 semaphore(%dma_wait3A_714 : memref<!tpu.dma_semaphore, #tpu.memory_space<semaphore_mem>>) src(%dma_wait3A_720 : memref<32x128xf32, #tpu.memory_space<vmem>>) dst(%dma_wait3A_716 : memref<32x128xf32, #tpu.memory_space<vmem_shared>>)
    %add3A_721 = arith.constant 480 : i32
    %add3A_722 = arith.addi %mul3A_57, %add3A_721 : i32
    %dma_wait3A_723 = arith.constant 0 : i32
    %dma_wait3A_724 = arith.constant 0 : i32
    %dma_wait3A_725 = arith.constant 0 : i32
    %dma_wait3A_726 = arith.constant 0 : i32
    %dma_wait3A_727 = tpu.memref_slice %arg8[%dma_wait3A_723, %dma_wait3A_725, %dma_wait3A_726] : memref<3x32x128xf32, #tpu.memory_space<vmem>> -> memref<1x32x128xf32, #tpu.memory_space<vmem>>
    %dma_wait3A_728 = tpu.memref_squeeze %dma_wait3A_727 : memref<1x32x128xf32, #tpu.memory_space<vmem>> -> memref<32x128xf32, #tpu.memory_space<vmem>>
    %dma_wait3A_729 = arith.constant 0 : i32
    %dma_wait3A_730 = tpu.memref_slice %arg12[%add3A_722, %dma_wait3A_729] : memref<10240x128xf32, #tpu.memory_space<vmem_shared>> -> memref<32x128xf32, #tpu.memory_space<vmem_shared>>
    %dma_wait3A_731 = tpu.memref_slice %arg14[%dma_wait3A_724] : memref<3x!tpu.dma_semaphore, #tpu.memory_space<semaphore_mem>> -> memref<1x!tpu.dma_semaphore, #tpu.memory_space<semaphore_mem>>
    %dma_wait3A_732 = tpu.memref_squeeze %dma_wait3A_731 : memref<1x!tpu.dma_semaphore, #tpu.memory_space<semaphore_mem>> -> memref<!tpu.dma_semaphore, #tpu.memory_space<semaphore_mem>>
    %dma_wait3A_733 = arith.constant 0 : i32
    %dma_wait3A_734 = tpu.memref_slice %arg12[%add3A_722, %dma_wait3A_733] : memref<10240x128xf32, #tpu.memory_space<vmem_shared>> -> memref<32x128xf32, #tpu.memory_space<vmem_shared>>
    %dma_wait3A_735 = arith.constant 0 : i32
    %dma_wait3A_736 = arith.constant 0 : i32
    %dma_wait3A_737 = tpu.memref_slice %arg8[%dma_wait3A_723, %dma_wait3A_735, %dma_wait3A_736] : memref<3x32x128xf32, #tpu.memory_space<vmem>> -> memref<1x32x128xf32, #tpu.memory_space<vmem>>
    %dma_wait3A_738 = tpu.memref_squeeze %dma_wait3A_737 : memref<1x32x128xf32, #tpu.memory_space<vmem>> -> memref<32x128xf32, #tpu.memory_space<vmem>>
    tpu.wait_dma2 semaphore(%dma_wait3A_732 : memref<!tpu.dma_semaphore, #tpu.memory_space<semaphore_mem>>) src(%dma_wait3A_738 : memref<32x128xf32, #tpu.memory_space<vmem>>) dst(%dma_wait3A_734 : memref<32x128xf32, #tpu.memory_space<vmem_shared>>)
    %add3A_739 = arith.constant 512 : i32
    %add3A_740 = arith.addi %mul3A_57, %add3A_739 : i32
    %dma_wait3A_741 = arith.constant 0 : i32
    %dma_wait3A_742 = arith.constant 0 : i32
    %dma_wait3A_743 = arith.constant 0 : i32
    %dma_wait3A_744 = arith.constant 0 : i32
    %dma_wait3A_745 = tpu.memref_slice %arg8[%dma_wait3A_741, %dma_wait3A_743, %dma_wait3A_744] : memref<3x32x128xf32, #tpu.memory_space<vmem>> -> memref<1x32x128xf32, #tpu.memory_space<vmem>>
    %dma_wait3A_746 = tpu.memref_squeeze %dma_wait3A_745 : memref<1x32x128xf32, #tpu.memory_space<vmem>> -> memref<32x128xf32, #tpu.memory_space<vmem>>
    %dma_wait3A_747 = arith.constant 0 : i32
    %dma_wait3A_748 = tpu.memref_slice %arg12[%add3A_740, %dma_wait3A_747] : memref<10240x128xf32, #tpu.memory_space<vmem_shared>> -> memref<32x128xf32, #tpu.memory_space<vmem_shared>>
    %dma_wait3A_749 = tpu.memref_slice %arg14[%dma_wait3A_742] : memref<3x!tpu.dma_semaphore, #tpu.memory_space<semaphore_mem>> -> memref<1x!tpu.dma_semaphore, #tpu.memory_space<semaphore_mem>>
    %dma_wait3A_750 = tpu.memref_squeeze %dma_wait3A_749 : memref<1x!tpu.dma_semaphore, #tpu.memory_space<semaphore_mem>> -> memref<!tpu.dma_semaphore, #tpu.memory_space<semaphore_mem>>
    %dma_wait3A_751 = arith.constant 0 : i32
    %dma_wait3A_752 = tpu.memref_slice %arg12[%add3A_740, %dma_wait3A_751] : memref<10240x128xf32, #tpu.memory_space<vmem_shared>> -> memref<32x128xf32, #tpu.memory_space<vmem_shared>>
    %dma_wait3A_753 = arith.constant 0 : i32
    %dma_wait3A_754 = arith.constant 0 : i32
    %dma_wait3A_755 = tpu.memref_slice %arg8[%dma_wait3A_741, %dma_wait3A_753, %dma_wait3A_754] : memref<3x32x128xf32, #tpu.memory_space<vmem>> -> memref<1x32x128xf32, #tpu.memory_space<vmem>>
    %dma_wait3A_756 = tpu.memref_squeeze %dma_wait3A_755 : memref<1x32x128xf32, #tpu.memory_space<vmem>> -> memref<32x128xf32, #tpu.memory_space<vmem>>
    tpu.wait_dma2 semaphore(%dma_wait3A_750 : memref<!tpu.dma_semaphore, #tpu.memory_space<semaphore_mem>>) src(%dma_wait3A_756 : memref<32x128xf32, #tpu.memory_space<vmem>>) dst(%dma_wait3A_752 : memref<32x128xf32, #tpu.memory_space<vmem_shared>>)
    %add3A_757 = arith.constant 544 : i32
    %add3A_758 = arith.addi %mul3A_57, %add3A_757 : i32
    %dma_wait3A_759 = arith.constant 0 : i32
    %dma_wait3A_760 = arith.constant 0 : i32
    %dma_wait3A_761 = arith.constant 0 : i32
    %dma_wait3A_762 = arith.constant 0 : i32
    %dma_wait3A_763 = tpu.memref_slice %arg8[%dma_wait3A_759, %dma_wait3A_761, %dma_wait3A_762] : memref<3x32x128xf32, #tpu.memory_space<vmem>> -> memref<1x32x128xf32, #tpu.memory_space<vmem>>
    %dma_wait3A_764 = tpu.memref_squeeze %dma_wait3A_763 : memref<1x32x128xf32, #tpu.memory_space<vmem>> -> memref<32x128xf32, #tpu.memory_space<vmem>>
    %dma_wait3A_765 = arith.constant 0 : i32
    %dma_wait3A_766 = tpu.memref_slice %arg12[%add3A_758, %dma_wait3A_765] : memref<10240x128xf32, #tpu.memory_space<vmem_shared>> -> memref<32x128xf32, #tpu.memory_space<vmem_shared>>
    %dma_wait3A_767 = tpu.memref_slice %arg14[%dma_wait3A_760] : memref<3x!tpu.dma_semaphore, #tpu.memory_space<semaphore_mem>> -> memref<1x!tpu.dma_semaphore, #tpu.memory_space<semaphore_mem>>
    %dma_wait3A_768 = tpu.memref_squeeze %dma_wait3A_767 : memref<1x!tpu.dma_semaphore, #tpu.memory_space<semaphore_mem>> -> memref<!tpu.dma_semaphore, #tpu.memory_space<semaphore_mem>>
    %dma_wait3A_769 = arith.constant 0 : i32
    %dma_wait3A_770 = tpu.memref_slice %arg12[%add3A_758, %dma_wait3A_769] : memref<10240x128xf32, #tpu.memory_space<vmem_shared>> -> memref<32x128xf32, #tpu.memory_space<vmem_shared>>
    %dma_wait3A_771 = arith.constant 0 : i32
    %dma_wait3A_772 = arith.constant 0 : i32
    %dma_wait3A_773 = tpu.memref_slice %arg8[%dma_wait3A_759, %dma_wait3A_771, %dma_wait3A_772] : memref<3x32x128xf32, #tpu.memory_space<vmem>> -> memref<1x32x128xf32, #tpu.memory_space<vmem>>
    %dma_wait3A_774 = tpu.memref_squeeze %dma_wait3A_773 : memref<1x32x128xf32, #tpu.memory_space<vmem>> -> memref<32x128xf32, #tpu.memory_space<vmem>>
    tpu.wait_dma2 semaphore(%dma_wait3A_768 : memref<!tpu.dma_semaphore, #tpu.memory_space<semaphore_mem>>) src(%dma_wait3A_774 : memref<32x128xf32, #tpu.memory_space<vmem>>) dst(%dma_wait3A_770 : memref<32x128xf32, #tpu.memory_space<vmem_shared>>)
    %add3A_775 = arith.constant 576 : i32
    %add3A_776 = arith.addi %mul3A_57, %add3A_775 : i32
    %dma_wait3A_777 = arith.constant 0 : i32
    %dma_wait3A_778 = arith.constant 0 : i32
    %dma_wait3A_779 = arith.constant 0 : i32
    %dma_wait3A_780 = arith.constant 0 : i32
    %dma_wait3A_781 = tpu.memref_slice %arg8[%dma_wait3A_777, %dma_wait3A_779, %dma_wait3A_780] : memref<3x32x128xf32, #tpu.memory_space<vmem>> -> memref<1x32x128xf32, #tpu.memory_space<vmem>>
    %dma_wait3A_782 = tpu.memref_squeeze %dma_wait3A_781 : memref<1x32x128xf32, #tpu.memory_space<vmem>> -> memref<32x128xf32, #tpu.memory_space<vmem>>
    %dma_wait3A_783 = arith.constant 0 : i32
    %dma_wait3A_784 = tpu.memref_slice %arg12[%add3A_776, %dma_wait3A_783] : memref<10240x128xf32, #tpu.memory_space<vmem_shared>> -> memref<32x128xf32, #tpu.memory_space<vmem_shared>>
    %dma_wait3A_785 = tpu.memref_slice %arg14[%dma_wait3A_778] : memref<3x!tpu.dma_semaphore, #tpu.memory_space<semaphore_mem>> -> memref<1x!tpu.dma_semaphore, #tpu.memory_space<semaphore_mem>>
    %dma_wait3A_786 = tpu.memref_squeeze %dma_wait3A_785 : memref<1x!tpu.dma_semaphore, #tpu.memory_space<semaphore_mem>> -> memref<!tpu.dma_semaphore, #tpu.memory_space<semaphore_mem>>
    %dma_wait3A_787 = arith.constant 0 : i32
    %dma_wait3A_788 = tpu.memref_slice %arg12[%add3A_776, %dma_wait3A_787] : memref<10240x128xf32, #tpu.memory_space<vmem_shared>> -> memref<32x128xf32, #tpu.memory_space<vmem_shared>>
    %dma_wait3A_789 = arith.constant 0 : i32
    %dma_wait3A_790 = arith.constant 0 : i32
    %dma_wait3A_791 = tpu.memref_slice %arg8[%dma_wait3A_777, %dma_wait3A_789, %dma_wait3A_790] : memref<3x32x128xf32, #tpu.memory_space<vmem>> -> memref<1x32x128xf32, #tpu.memory_space<vmem>>
    %dma_wait3A_792 = tpu.memref_squeeze %dma_wait3A_791 : memref<1x32x128xf32, #tpu.memory_space<vmem>> -> memref<32x128xf32, #tpu.memory_space<vmem>>
    tpu.wait_dma2 semaphore(%dma_wait3A_786 : memref<!tpu.dma_semaphore, #tpu.memory_space<semaphore_mem>>) src(%dma_wait3A_792 : memref<32x128xf32, #tpu.memory_space<vmem>>) dst(%dma_wait3A_788 : memref<32x128xf32, #tpu.memory_space<vmem_shared>>)
    %add3A_793 = arith.constant 608 : i32
    %add3A_794 = arith.addi %mul3A_57, %add3A_793 : i32
    %dma_wait3A_795 = arith.constant 0 : i32
    %dma_wait3A_796 = arith.constant 0 : i32
    %dma_wait3A_797 = arith.constant 0 : i32
    %dma_wait3A_798 = arith.constant 0 : i32
    %dma_wait3A_799 = tpu.memref_slice %arg8[%dma_wait3A_795, %dma_wait3A_797, %dma_wait3A_798] : memref<3x32x128xf32, #tpu.memory_space<vmem>> -> memref<1x32x128xf32, #tpu.memory_space<vmem>>
    %dma_wait3A_800 = tpu.memref_squeeze %dma_wait3A_799 : memref<1x32x128xf32, #tpu.memory_space<vmem>> -> memref<32x128xf32, #tpu.memory_space<vmem>>
    %dma_wait3A_801 = arith.constant 0 : i32
    %dma_wait3A_802 = tpu.memref_slice %arg12[%add3A_794, %dma_wait3A_801] : memref<10240x128xf32, #tpu.memory_space<vmem_shared>> -> memref<32x128xf32, #tpu.memory_space<vmem_shared>>
    %dma_wait3A_803 = tpu.memref_slice %arg14[%dma_wait3A_796] : memref<3x!tpu.dma_semaphore, #tpu.memory_space<semaphore_mem>> -> memref<1x!tpu.dma_semaphore, #tpu.memory_space<semaphore_mem>>
    %dma_wait3A_804 = tpu.memref_squeeze %dma_wait3A_803 : memref<1x!tpu.dma_semaphore, #tpu.memory_space<semaphore_mem>> -> memref<!tpu.dma_semaphore, #tpu.memory_space<semaphore_mem>>
    %dma_wait3A_805 = arith.constant 0 : i32
    %dma_wait3A_806 = tpu.memref_slice %arg12[%add3A_794, %dma_wait3A_805] : memref<10240x128xf32, #tpu.memory_space<vmem_shared>> -> memref<32x128xf32, #tpu.memory_space<vmem_shared>>
    %dma_wait3A_807 = arith.constant 0 : i32
    %dma_wait3A_808 = arith.constant 0 : i32
    %dma_wait3A_809 = tpu.memref_slice %arg8[%dma_wait3A_795, %dma_wait3A_807, %dma_wait3A_808] : memref<3x32x128xf32, #tpu.memory_space<vmem>> -> memref<1x32x128xf32, #tpu.memory_space<vmem>>
    %dma_wait3A_810 = tpu.memref_squeeze %dma_wait3A_809 : memref<1x32x128xf32, #tpu.memory_space<vmem>> -> memref<32x128xf32, #tpu.memory_space<vmem>>
    tpu.wait_dma2 semaphore(%dma_wait3A_804 : memref<!tpu.dma_semaphore, #tpu.memory_space<semaphore_mem>>) src(%dma_wait3A_810 : memref<32x128xf32, #tpu.memory_space<vmem>>) dst(%dma_wait3A_806 : memref<32x128xf32, #tpu.memory_space<vmem_shared>>)
    %add3A_811 = arith.constant 0 : i32
    %add3A_812 = arith.addi %mul3A_57, %add3A_811 : i32
    %dma_wait3A_813 = arith.constant 1 : i32
    %dma_wait3A_814 = tpu.memref_slice %arg13[%add3A_812] : memref<10240xf32, #tpu.memory_space<vmem_shared>> -> memref<128xf32, #tpu.memory_space<vmem_shared>>
    %dma_wait3A_815 = tpu.memref_slice %arg14[%dma_wait3A_813] : memref<3x!tpu.dma_semaphore, #tpu.memory_space<semaphore_mem>> -> memref<1x!tpu.dma_semaphore, #tpu.memory_space<semaphore_mem>>
    %dma_wait3A_816 = tpu.memref_squeeze %dma_wait3A_815 : memref<1x!tpu.dma_semaphore, #tpu.memory_space<semaphore_mem>> -> memref<!tpu.dma_semaphore, #tpu.memory_space<semaphore_mem>>
    %dma_wait3A_817 = tpu.memref_slice %arg13[%add3A_812] : memref<10240xf32, #tpu.memory_space<vmem_shared>> -> memref<128xf32, #tpu.memory_space<vmem_shared>>
    tpu.wait_dma2 semaphore(%dma_wait3A_816 : memref<!tpu.dma_semaphore, #tpu.memory_space<semaphore_mem>>) src(%arg11 : memref<128xf32, #tpu.memory_space<vmem>>) dst(%dma_wait3A_817 : memref<128xf32, #tpu.memory_space<vmem_shared>>)
    %add3A_818 = arith.constant 128 : i32
    %add3A_819 = arith.addi %mul3A_57, %add3A_818 : i32
    %dma_wait3A_820 = arith.constant 1 : i32
    %dma_wait3A_821 = tpu.memref_slice %arg13[%add3A_819] : memref<10240xf32, #tpu.memory_space<vmem_shared>> -> memref<128xf32, #tpu.memory_space<vmem_shared>>
    %dma_wait3A_822 = tpu.memref_slice %arg14[%dma_wait3A_820] : memref<3x!tpu.dma_semaphore, #tpu.memory_space<semaphore_mem>> -> memref<1x!tpu.dma_semaphore, #tpu.memory_space<semaphore_mem>>
    %dma_wait3A_823 = tpu.memref_squeeze %dma_wait3A_822 : memref<1x!tpu.dma_semaphore, #tpu.memory_space<semaphore_mem>> -> memref<!tpu.dma_semaphore, #tpu.memory_space<semaphore_mem>>
    %dma_wait3A_824 = tpu.memref_slice %arg13[%add3A_819] : memref<10240xf32, #tpu.memory_space<vmem_shared>> -> memref<128xf32, #tpu.memory_space<vmem_shared>>
    tpu.wait_dma2 semaphore(%dma_wait3A_823 : memref<!tpu.dma_semaphore, #tpu.memory_space<semaphore_mem>>) src(%arg11 : memref<128xf32, #tpu.memory_space<vmem>>) dst(%dma_wait3A_824 : memref<128xf32, #tpu.memory_space<vmem_shared>>)
    %add3A_825 = arith.constant 256 : i32
    %add3A_826 = arith.addi %mul3A_57, %add3A_825 : i32
    %dma_wait3A_827 = arith.constant 1 : i32
    %dma_wait3A_828 = tpu.memref_slice %arg13[%add3A_826] : memref<10240xf32, #tpu.memory_space<vmem_shared>> -> memref<128xf32, #tpu.memory_space<vmem_shared>>
    %dma_wait3A_829 = tpu.memref_slice %arg14[%dma_wait3A_827] : memref<3x!tpu.dma_semaphore, #tpu.memory_space<semaphore_mem>> -> memref<1x!tpu.dma_semaphore, #tpu.memory_space<semaphore_mem>>
    %dma_wait3A_830 = tpu.memref_squeeze %dma_wait3A_829 : memref<1x!tpu.dma_semaphore, #tpu.memory_space<semaphore_mem>> -> memref<!tpu.dma_semaphore, #tpu.memory_space<semaphore_mem>>
    %dma_wait3A_831 = tpu.memref_slice %arg13[%add3A_826] : memref<10240xf32, #tpu.memory_space<vmem_shared>> -> memref<128xf32, #tpu.memory_space<vmem_shared>>
    tpu.wait_dma2 semaphore(%dma_wait3A_830 : memref<!tpu.dma_semaphore, #tpu.memory_space<semaphore_mem>>) src(%arg11 : memref<128xf32, #tpu.memory_space<vmem>>) dst(%dma_wait3A_831 : memref<128xf32, #tpu.memory_space<vmem_shared>>)
    %add3A_832 = arith.constant 384 : i32
    %add3A_833 = arith.addi %mul3A_57, %add3A_832 : i32
    %dma_wait3A_834 = arith.constant 1 : i32
    %dma_wait3A_835 = tpu.memref_slice %arg13[%add3A_833] : memref<10240xf32, #tpu.memory_space<vmem_shared>> -> memref<128xf32, #tpu.memory_space<vmem_shared>>
    %dma_wait3A_836 = tpu.memref_slice %arg14[%dma_wait3A_834] : memref<3x!tpu.dma_semaphore, #tpu.memory_space<semaphore_mem>> -> memref<1x!tpu.dma_semaphore, #tpu.memory_space<semaphore_mem>>
    %dma_wait3A_837 = tpu.memref_squeeze %dma_wait3A_836 : memref<1x!tpu.dma_semaphore, #tpu.memory_space<semaphore_mem>> -> memref<!tpu.dma_semaphore, #tpu.memory_space<semaphore_mem>>
    %dma_wait3A_838 = tpu.memref_slice %arg13[%add3A_833] : memref<10240xf32, #tpu.memory_space<vmem_shared>> -> memref<128xf32, #tpu.memory_space<vmem_shared>>
    tpu.wait_dma2 semaphore(%dma_wait3A_837 : memref<!tpu.dma_semaphore, #tpu.memory_space<semaphore_mem>>) src(%arg11 : memref<128xf32, #tpu.memory_space<vmem>>) dst(%dma_wait3A_838 : memref<128xf32, #tpu.memory_space<vmem_shared>>)
    %add3A_839 = arith.constant 512 : i32
    %add3A_840 = arith.addi %mul3A_57, %add3A_839 : i32
    %dma_wait3A_841 = arith.constant 1 : i32
    %dma_wait3A_842 = tpu.memref_slice %arg13[%add3A_840] : memref<10240xf32, #tpu.memory_space<vmem_shared>> -> memref<128xf32, #tpu.memory_space<vmem_shared>>
    %dma_wait3A_843 = tpu.memref_slice %arg14[%dma_wait3A_841] : memref<3x!tpu.dma_semaphore, #tpu.memory_space<semaphore_mem>> -> memref<1x!tpu.dma_semaphore, #tpu.memory_space<semaphore_mem>>
    %dma_wait3A_844 = tpu.memref_squeeze %dma_wait3A_843 : memref<1x!tpu.dma_semaphore, #tpu.memory_space<semaphore_mem>> -> memref<!tpu.dma_semaphore, #tpu.memory_space<semaphore_mem>>
    %dma_wait3A_845 = tpu.memref_slice %arg13[%add3A_840] : memref<10240xf32, #tpu.memory_space<vmem_shared>> -> memref<128xf32, #tpu.memory_space<vmem_shared>>
    tpu.wait_dma2 semaphore(%dma_wait3A_844 : memref<!tpu.dma_semaphore, #tpu.memory_space<semaphore_mem>>) src(%arg11 : memref<128xf32, #tpu.memory_space<vmem>>) dst(%dma_wait3A_845 : memref<128xf32, #tpu.memory_space<vmem_shared>>)
    %barrier3A = arith.constant 0 : index
    tpu.barrier barrier_id(%barrier3A)
    %add3A_846 = arith.constant 0 : i32
    %add3A_847 = arith.addi %select_n3A, %add3A_846 : i32
    %mul3A_848 = arith.constant 32 : i32
    %mul3A_849 = arith.muli %add3A_847, %mul3A_848 : i32
    %add3A_850 = arith.constant 0 : i32
    %add3A_851 = arith.addi %add3A_850, %mul3A_849 : i32
    %dma_start3A_852 = arith.constant 0 : i32
    %dma_start3A_853 = tpu.memref_slice %arg7[%dma_start3A_852] : memref<1152xi32, #tpu.memory_space<vmem>> -> memref<192xi32, #tpu.memory_space<vmem>>
    %dma_start3A_854 = tpu.memref_slice %arg4[%add3A_851] : memref<976896xi32, #tpu.memory_space<hbm>> -> memref<192xi32, #tpu.memory_space<hbm>>
    %dma_start3A_855 = arith.constant 0 : i32
    %dma_start3A_856 = tpu.memref_slice %arg7[%dma_start3A_855] : memref<1152xi32, #tpu.memory_space<vmem>> -> memref<192xi32, #tpu.memory_space<vmem>>
    %dma_start3A_857 = tpu.memref_slice %arg4[%add3A_851] : memref<976896xi32, #tpu.memory_space<hbm>> -> memref<192xi32, #tpu.memory_space<hbm>>
    tpu.enqueue_dma source(%dma_start3A_857 : memref<192xi32, #tpu.memory_space<hbm>>) target(%dma_start3A_856 : memref<192xi32, #tpu.memory_space<vmem>>) target_semaphore(%arg16 : memref<!tpu.dma_semaphore, #tpu.memory_space<semaphore_mem>>)
    %add3A_858 = arith.constant 325632 : i32
    %add3A_859 = arith.addi %add3A_858, %mul3A_849 : i32
    %dma_start3A_860 = arith.constant 192 : i32
    %dma_start3A_861 = tpu.memref_slice %arg7[%dma_start3A_860] : memref<1152xi32, #tpu.memory_space<vmem>> -> memref<192xi32, #tpu.memory_space<vmem>>
    %dma_start3A_862 = tpu.memref_slice %arg4[%add3A_859] : memref<976896xi32, #tpu.memory_space<hbm>> -> memref<192xi32, #tpu.memory_space<hbm>>
    %dma_start3A_863 = arith.constant 192 : i32
    %dma_start3A_864 = tpu.memref_slice %arg7[%dma_start3A_863] : memref<1152xi32, #tpu.memory_space<vmem>> -> memref<192xi32, #tpu.memory_space<vmem>>
    %dma_start3A_865 = tpu.memref_slice %arg4[%add3A_859] : memref<976896xi32, #tpu.memory_space<hbm>> -> memref<192xi32, #tpu.memory_space<hbm>>
    tpu.enqueue_dma source(%dma_start3A_865 : memref<192xi32, #tpu.memory_space<hbm>>) target(%dma_start3A_864 : memref<192xi32, #tpu.memory_space<vmem>>) target_semaphore(%arg16 : memref<!tpu.dma_semaphore, #tpu.memory_space<semaphore_mem>>)
    %add3A_866 = arith.constant 651264 : i32
    %add3A_867 = arith.addi %add3A_866, %mul3A_849 : i32
    %dma_start3A_868 = arith.constant 384 : i32
    %dma_start3A_869 = tpu.memref_slice %arg7[%dma_start3A_868] : memref<1152xi32, #tpu.memory_space<vmem>> -> memref<192xi32, #tpu.memory_space<vmem>>
    %dma_start3A_870 = tpu.memref_slice %arg4[%add3A_867] : memref<976896xi32, #tpu.memory_space<hbm>> -> memref<192xi32, #tpu.memory_space<hbm>>
    %dma_start3A_871 = arith.constant 384 : i32
    %dma_start3A_872 = tpu.memref_slice %arg7[%dma_start3A_871] : memref<1152xi32, #tpu.memory_space<vmem>> -> memref<192xi32, #tpu.memory_space<vmem>>
    %dma_start3A_873 = tpu.memref_slice %arg4[%add3A_867] : memref<976896xi32, #tpu.memory_space<hbm>> -> memref<192xi32, #tpu.memory_space<hbm>>
    tpu.enqueue_dma source(%dma_start3A_873 : memref<192xi32, #tpu.memory_space<hbm>>) target(%dma_start3A_872 : memref<192xi32, #tpu.memory_space<vmem>>) target_semaphore(%arg16 : memref<!tpu.dma_semaphore, #tpu.memory_space<semaphore_mem>>)
    %add3A_874 = arith.constant 0 : i32
    %add3A_875 = arith.addi %select_n3A, %add3A_874 : i32
    %mul3A_876 = arith.constant 32 : i32
    %mul3A_877 = arith.muli %add3A_875, %mul3A_876 : i32
    %add3A_878 = arith.constant 0 : i32
    %add3A_879 = arith.addi %add3A_878, %mul3A_877 : i32
    %dma_wait3A_880 = arith.constant 0 : i32
    %dma_wait3A_881 = tpu.memref_slice %arg7[%dma_wait3A_880] : memref<1152xi32, #tpu.memory_space<vmem>> -> memref<192xi32, #tpu.memory_space<vmem>>
    %dma_wait3A_882 = tpu.memref_slice %arg4[%add3A_879] : memref<976896xi32, #tpu.memory_space<hbm>> -> memref<192xi32, #tpu.memory_space<hbm>>
    %dma_wait3A_883 = arith.constant 0 : i32
    %dma_wait3A_884 = tpu.memref_slice %arg7[%dma_wait3A_883] : memref<1152xi32, #tpu.memory_space<vmem>> -> memref<192xi32, #tpu.memory_space<vmem>>
    %dma_wait3A_885 = tpu.memref_slice %arg4[%add3A_879] : memref<976896xi32, #tpu.memory_space<hbm>> -> memref<192xi32, #tpu.memory_space<hbm>>
    tpu.wait_dma2 semaphore(%arg16 : memref<!tpu.dma_semaphore, #tpu.memory_space<semaphore_mem>>) src(%dma_wait3A_885 : memref<192xi32, #tpu.memory_space<hbm>>) dst(%dma_wait3A_884 : memref<192xi32, #tpu.memory_space<vmem>>)
    %add3A_886 = arith.constant 325632 : i32
    %add3A_887 = arith.addi %add3A_886, %mul3A_877 : i32
    %dma_wait3A_888 = arith.constant 192 : i32
    %dma_wait3A_889 = tpu.memref_slice %arg7[%dma_wait3A_888] : memref<1152xi32, #tpu.memory_space<vmem>> -> memref<192xi32, #tpu.memory_space<vmem>>
    %dma_wait3A_890 = tpu.memref_slice %arg4[%add3A_887] : memref<976896xi32, #tpu.memory_space<hbm>> -> memref<192xi32, #tpu.memory_space<hbm>>
    %dma_wait3A_891 = arith.constant 192 : i32
    %dma_wait3A_892 = tpu.memref_slice %arg7[%dma_wait3A_891] : memref<1152xi32, #tpu.memory_space<vmem>> -> memref<192xi32, #tpu.memory_space<vmem>>
    %dma_wait3A_893 = tpu.memref_slice %arg4[%add3A_887] : memref<976896xi32, #tpu.memory_space<hbm>> -> memref<192xi32, #tpu.memory_space<hbm>>
    tpu.wait_dma2 semaphore(%arg16 : memref<!tpu.dma_semaphore, #tpu.memory_space<semaphore_mem>>) src(%dma_wait3A_893 : memref<192xi32, #tpu.memory_space<hbm>>) dst(%dma_wait3A_892 : memref<192xi32, #tpu.memory_space<vmem>>)
    %add3A_894 = arith.constant 651264 : i32
    %add3A_895 = arith.addi %add3A_894, %mul3A_877 : i32
    %dma_wait3A_896 = arith.constant 384 : i32
    %dma_wait3A_897 = tpu.memref_slice %arg7[%dma_wait3A_896] : memref<1152xi32, #tpu.memory_space<vmem>> -> memref<192xi32, #tpu.memory_space<vmem>>
    %dma_wait3A_898 = tpu.memref_slice %arg4[%add3A_895] : memref<976896xi32, #tpu.memory_space<hbm>> -> memref<192xi32, #tpu.memory_space<hbm>>
    %dma_wait3A_899 = arith.constant 384 : i32
    %dma_wait3A_900 = tpu.memref_slice %arg7[%dma_wait3A_899] : memref<1152xi32, #tpu.memory_space<vmem>> -> memref<192xi32, #tpu.memory_space<vmem>>
    %dma_wait3A_901 = tpu.memref_slice %arg4[%add3A_895] : memref<976896xi32, #tpu.memory_space<hbm>> -> memref<192xi32, #tpu.memory_space<hbm>>
    tpu.wait_dma2 semaphore(%arg16 : memref<!tpu.dma_semaphore, #tpu.memory_space<semaphore_mem>>) src(%dma_wait3A_901 : memref<192xi32, #tpu.memory_space<hbm>>) dst(%dma_wait3A_900 : memref<192xi32, #tpu.memory_space<vmem>>)
    %gt3A = arith.constant 1 : i32
    %gt3A_902 = arith.cmpi sgt, %select_n3A_6, %gt3A : i32
    %convert_element_type3A = arith.extui %gt3A_902 : i1 to i32
    %cond3A = arith.constant 0 : i32
    %cond3A_903 = arith.cmpi ne, %convert_element_type3A, %cond3A : i32
    scf.if %cond3A_903 {
      %add3A_1097 = arith.constant 6 : i32
      %add3A_1098 = arith.addi %select_n3A, %add3A_1097 : i32
      %mul3A_1099 = arith.constant 32 : i32
      %mul3A_1100 = arith.muli %add3A_1098, %mul3A_1099 : i32
      %add3A_1101 = arith.constant 0 : i32
      %add3A_1102 = arith.addi %add3A_1101, %mul3A_1100 : i32
      %dma_start3A_1103 = arith.constant 576 : i32
      %dma_start3A_1104 = tpu.memref_slice %arg7[%dma_start3A_1103] : memref<1152xi32, #tpu.memory_space<vmem>> -> memref<192xi32, #tpu.memory_space<vmem>>
      %dma_start3A_1105 = tpu.memref_slice %arg4[%add3A_1102] : memref<976896xi32, #tpu.memory_space<hbm>> -> memref<192xi32, #tpu.memory_space<hbm>>
      %dma_start3A_1106 = arith.constant 576 : i32
      %dma_start3A_1107 = tpu.memref_slice %arg7[%dma_start3A_1106] : memref<1152xi32, #tpu.memory_space<vmem>> -> memref<192xi32, #tpu.memory_space<vmem>>
      %dma_start3A_1108 = tpu.memref_slice %arg4[%add3A_1102] : memref<976896xi32, #tpu.memory_space<hbm>> -> memref<192xi32, #tpu.memory_space<hbm>>
      tpu.enqueue_dma source(%dma_start3A_1108 : memref<192xi32, #tpu.memory_space<hbm>>) target(%dma_start3A_1107 : memref<192xi32, #tpu.memory_space<vmem>>) target_semaphore(%arg16 : memref<!tpu.dma_semaphore, #tpu.memory_space<semaphore_mem>>)
      %add3A_1109 = arith.constant 325632 : i32
      %add3A_1110 = arith.addi %add3A_1109, %mul3A_1100 : i32
      %dma_start3A_1111 = arith.constant 768 : i32
      %dma_start3A_1112 = tpu.memref_slice %arg7[%dma_start3A_1111] : memref<1152xi32, #tpu.memory_space<vmem>> -> memref<192xi32, #tpu.memory_space<vmem>>
      %dma_start3A_1113 = tpu.memref_slice %arg4[%add3A_1110] : memref<976896xi32, #tpu.memory_space<hbm>> -> memref<192xi32, #tpu.memory_space<hbm>>
      %dma_start3A_1114 = arith.constant 768 : i32
      %dma_start3A_1115 = tpu.memref_slice %arg7[%dma_start3A_1114] : memref<1152xi32, #tpu.memory_space<vmem>> -> memref<192xi32, #tpu.memory_space<vmem>>
      %dma_start3A_1116 = tpu.memref_slice %arg4[%add3A_1110] : memref<976896xi32, #tpu.memory_space<hbm>> -> memref<192xi32, #tpu.memory_space<hbm>>
      tpu.enqueue_dma source(%dma_start3A_1116 : memref<192xi32, #tpu.memory_space<hbm>>) target(%dma_start3A_1115 : memref<192xi32, #tpu.memory_space<vmem>>) target_semaphore(%arg16 : memref<!tpu.dma_semaphore, #tpu.memory_space<semaphore_mem>>)
      %add3A_1117 = arith.constant 651264 : i32
      %add3A_1118 = arith.addi %add3A_1117, %mul3A_1100 : i32
      %dma_start3A_1119 = arith.constant 960 : i32
      %dma_start3A_1120 = tpu.memref_slice %arg7[%dma_start3A_1119] : memref<1152xi32, #tpu.memory_space<vmem>> -> memref<192xi32, #tpu.memory_space<vmem>>
      %dma_start3A_1121 = tpu.memref_slice %arg4[%add3A_1118] : memref<976896xi32, #tpu.memory_space<hbm>> -> memref<192xi32, #tpu.memory_space<hbm>>
      %dma_start3A_1122 = arith.constant 960 : i32
      %dma_start3A_1123 = tpu.memref_slice %arg7[%dma_start3A_1122] : memref<1152xi32, #tpu.memory_space<vmem>> -> memref<192xi32, #tpu.memory_space<vmem>>
      %dma_start3A_1124 = tpu.memref_slice %arg4[%add3A_1118] : memref<976896xi32, #tpu.memory_space<hbm>> -> memref<192xi32, #tpu.memory_space<hbm>>
      tpu.enqueue_dma source(%dma_start3A_1124 : memref<192xi32, #tpu.memory_space<hbm>>) target(%dma_start3A_1123 : memref<192xi32, #tpu.memory_space<vmem>>) target_semaphore(%arg16 : memref<!tpu.dma_semaphore, #tpu.memory_space<semaphore_mem>>)
    } else {
    }
    %dma_start3A_904 = arith.constant 0 : i32
    %dma_start3A_905 = arith.constant 0 : i32
    %dma_start3A_906 = arith.constant 0 : i32
    %dma_start3A_907 = arith.constant 0 : i32
    %dma_start3A_908 = tpu.memref_slice %arg8[%dma_start3A_904, %dma_start3A_906, %dma_start3A_907] : memref<3x32x128xf32, #tpu.memory_space<vmem>> -> memref<1x32x128xf32, #tpu.memory_space<vmem>>
    %dma_start3A_909 = tpu.memref_squeeze %dma_start3A_908 : memref<1x32x128xf32, #tpu.memory_space<vmem>> -> memref<32x128xf32, #tpu.memory_space<vmem>>
    %dma_start3A_910 = arith.constant 0 : i32
    %dma_start3A_911 = tpu.memref_slice %arg7[%dma_start3A_910] : memref<1152xi32, #tpu.memory_space<vmem>> -> memref<32xi32, #tpu.memory_space<vmem>>
    %dma_start3A_912 = arith.constant 0 : i32
    %dma_start3A_913 = arith.constant 0 : i32
    %dma_start3A_914 = tpu.memref_slice %arg2[%dma_start3A_912, %dma_start3A_913] : memref<10000x128xf32, #tpu.memory_space<hbm>> -> memref<10000x128xf32, #tpu.memory_space<hbm>>
    %dma_start3A_915 = tpu.memref_slice %arg14[%dma_start3A_905] : memref<3x!tpu.dma_semaphore, #tpu.memory_space<semaphore_mem>> -> memref<1x!tpu.dma_semaphore, #tpu.memory_space<semaphore_mem>>
    %dma_start3A_916 = tpu.memref_squeeze %dma_start3A_915 : memref<1x!tpu.dma_semaphore, #tpu.memory_space<semaphore_mem>> -> memref<!tpu.dma_semaphore, #tpu.memory_space<semaphore_mem>>
    tpu.enqueue_indirect_dma source(%dma_start3A_914 : memref<10000x128xf32, #tpu.memory_space<hbm>>) target(%dma_start3A_909 : memref<32x128xf32, #tpu.memory_space<vmem>>) offsets(%dma_start3A_911 : memref<32xi32, #tpu.memory_space<vmem>>) semaphore(%dma_start3A_916 : memref<!tpu.dma_semaphore, #tpu.memory_space<semaphore_mem>>)
    %dma_start3A_917 = arith.constant 0 : i32
    %dma_start3A_918 = arith.constant 0 : i32
    %dma_start3A_919 = arith.constant 0 : i32
    %dma_start3A_920 = arith.constant 0 : i32
    %dma_start3A_921 = tpu.memref_slice %arg9[%dma_start3A_917, %dma_start3A_919, %dma_start3A_920] : memref<3x32x128xf32, #tpu.memory_space<vmem>> -> memref<1x32x128xf32, #tpu.memory_space<vmem>>
    %dma_start3A_922 = tpu.memref_squeeze %dma_start3A_921 : memref<1x32x128xf32, #tpu.memory_space<vmem>> -> memref<32x128xf32, #tpu.memory_space<vmem>>
    %dma_start3A_923 = arith.constant 192 : i32
    %dma_start3A_924 = tpu.memref_slice %arg7[%dma_start3A_923] : memref<1152xi32, #tpu.memory_space<vmem>> -> memref<32xi32, #tpu.memory_space<vmem>>
    %dma_start3A_925 = arith.constant 0 : i32
    %dma_start3A_926 = arith.constant 0 : i32
    %dma_start3A_927 = tpu.memref_slice %arg3[%dma_start3A_925, %dma_start3A_926] : memref<10000x128xf32, #tpu.memory_space<hbm>> -> memref<10000x128xf32, #tpu.memory_space<hbm>>
    %dma_start3A_928 = tpu.memref_slice %arg14[%dma_start3A_918] : memref<3x!tpu.dma_semaphore, #tpu.memory_space<semaphore_mem>> -> memref<1x!tpu.dma_semaphore, #tpu.memory_space<semaphore_mem>>
    %dma_start3A_929 = tpu.memref_squeeze %dma_start3A_928 : memref<1x!tpu.dma_semaphore, #tpu.memory_space<semaphore_mem>> -> memref<!tpu.dma_semaphore, #tpu.memory_space<semaphore_mem>>
    tpu.enqueue_indirect_dma source(%dma_start3A_927 : memref<10000x128xf32, #tpu.memory_space<hbm>>) target(%dma_start3A_922 : memref<32x128xf32, #tpu.memory_space<vmem>>) offsets(%dma_start3A_924 : memref<32xi32, #tpu.memory_space<vmem>>) semaphore(%dma_start3A_929 : memref<!tpu.dma_semaphore, #tpu.memory_space<semaphore_mem>>)
    %dma_start3A_930 = arith.constant 1 : i32
    %dma_start3A_931 = arith.constant 1 : i32
    %dma_start3A_932 = arith.constant 0 : i32
    %dma_start3A_933 = arith.constant 0 : i32
    %dma_start3A_934 = tpu.memref_slice %arg8[%dma_start3A_930, %dma_start3A_932, %dma_start3A_933] : memref<3x32x128xf32, #tpu.memory_space<vmem>> -> memref<1x32x128xf32, #tpu.memory_space<vmem>>
    %dma_start3A_935 = tpu.memref_squeeze %dma_start3A_934 : memref<1x32x128xf32, #tpu.memory_space<vmem>> -> memref<32x128xf32, #tpu.memory_space<vmem>>
    %dma_start3A_936 = arith.constant 32 : i32
    %dma_start3A_937 = tpu.memref_slice %arg7[%dma_start3A_936] : memref<1152xi32, #tpu.memory_space<vmem>> -> memref<32xi32, #tpu.memory_space<vmem>>
    %dma_start3A_938 = arith.constant 0 : i32
    %dma_start3A_939 = arith.constant 0 : i32
    %dma_start3A_940 = tpu.memref_slice %arg2[%dma_start3A_938, %dma_start3A_939] : memref<10000x128xf32, #tpu.memory_space<hbm>> -> memref<10000x128xf32, #tpu.memory_space<hbm>>
    %dma_start3A_941 = tpu.memref_slice %arg14[%dma_start3A_931] : memref<3x!tpu.dma_semaphore, #tpu.memory_space<semaphore_mem>> -> memref<1x!tpu.dma_semaphore, #tpu.memory_space<semaphore_mem>>
    %dma_start3A_942 = tpu.memref_squeeze %dma_start3A_941 : memref<1x!tpu.dma_semaphore, #tpu.memory_space<semaphore_mem>> -> memref<!tpu.dma_semaphore, #tpu.memory_space<semaphore_mem>>
    tpu.enqueue_indirect_dma source(%dma_start3A_940 : memref<10000x128xf32, #tpu.memory_space<hbm>>) target(%dma_start3A_935 : memref<32x128xf32, #tpu.memory_space<vmem>>) offsets(%dma_start3A_937 : memref<32xi32, #tpu.memory_space<vmem>>) semaphore(%dma_start3A_942 : memref<!tpu.dma_semaphore, #tpu.memory_space<semaphore_mem>>)
    %dma_start3A_943 = arith.constant 1 : i32
    %dma_start3A_944 = arith.constant 1 : i32
    %dma_start3A_945 = arith.constant 0 : i32
    %dma_start3A_946 = arith.constant 0 : i32
    %dma_start3A_947 = tpu.memref_slice %arg9[%dma_start3A_943, %dma_start3A_945, %dma_start3A_946] : memref<3x32x128xf32, #tpu.memory_space<vmem>> -> memref<1x32x128xf32, #tpu.memory_space<vmem>>
    %dma_start3A_948 = tpu.memref_squeeze %dma_start3A_947 : memref<1x32x128xf32, #tpu.memory_space<vmem>> -> memref<32x128xf32, #tpu.memory_space<vmem>>
    %dma_start3A_949 = arith.constant 224 : i32
    %dma_start3A_950 = tpu.memref_slice %arg7[%dma_start3A_949] : memref<1152xi32, #tpu.memory_space<vmem>> -> memref<32xi32, #tpu.memory_space<vmem>>
    %dma_start3A_951 = arith.constant 0 : i32
    %dma_start3A_952 = arith.constant 0 : i32
    %dma_start3A_953 = tpu.memref_slice %arg3[%dma_start3A_951, %dma_start3A_952] : memref<10000x128xf32, #tpu.memory_space<hbm>> -> memref<10000x128xf32, #tpu.memory_space<hbm>>
    %dma_start3A_954 = tpu.memref_slice %arg14[%dma_start3A_944] : memref<3x!tpu.dma_semaphore, #tpu.memory_space<semaphore_mem>> -> memref<1x!tpu.dma_semaphore, #tpu.memory_space<semaphore_mem>>
    %dma_start3A_955 = tpu.memref_squeeze %dma_start3A_954 : memref<1x!tpu.dma_semaphore, #tpu.memory_space<semaphore_mem>> -> memref<!tpu.dma_semaphore, #tpu.memory_space<semaphore_mem>>
    tpu.enqueue_indirect_dma source(%dma_start3A_953 : memref<10000x128xf32, #tpu.memory_space<hbm>>) target(%dma_start3A_948 : memref<32x128xf32, #tpu.memory_space<vmem>>) offsets(%dma_start3A_950 : memref<32xi32, #tpu.memory_space<vmem>>) semaphore(%dma_start3A_955 : memref<!tpu.dma_semaphore, #tpu.memory_space<semaphore_mem>>)
    %while3A = arith.constant 0 : i32
    %while3A_956 = arith.constant 0 : i32
    %while3A_957 = arith.subi %mul3A_8, %while3A_956 : i32
    %while3A_958 = arith.addi %while3A_956, %while3A_957 : i32
    %while3A_959 = arith.constant 1 : i32
    %while3A_960 = arith.divsi %while3A_957, %while3A_959 : i32
    %while3A_961 = arith.muli %while3A_960, %while3A_959 : i32
    %while3A_962 = arith.addi %while3A_956, %while3A_961 : i32
    %while3A_963 = arith.constant 1 : i32
    scf.for %while3A_1097 = %while3A_956 to %while3A_962 step %while3A_963  : i32 {
      %jit3A_1098 = arith.constant 3 : i32
      %eq3A_1099 = arith.constant 0 : i32
      %eq3A_1100 = arith.cmpi eq, %jit3A_1098, %eq3A_1099 : i32
      %jit3A_1101 = arith.constant 1 : i32
      %select_n3A_1102 = arith.select %eq3A_1100, %jit3A_1101, %jit3A_1098 : i32
      %rem3A = arith.remsi %while3A_1097, %select_n3A_1102 : i32
      %ne3A = arith.constant 0 : i32
      %ne3A_1103 = arith.cmpi ne, %rem3A, %ne3A : i32
      %lt3A = arith.constant 0 : i32
      %lt3A_1104 = arith.cmpi slt, %rem3A, %lt3A : i32
      %lt3A_1105 = arith.constant 0 : i32
      %lt3A_1106 = arith.cmpi slt, %select_n3A_1102, %lt3A_1105 : i32
      %ne3A_1107 = arith.xori %lt3A_1104, %lt3A_1106 : i1
      %and3A = arith.andi %ne3A_1107, %ne3A_1103 : i1
      %add3A_1108 = arith.addi %rem3A, %select_n3A_1102 : i32
      %select_n3A_1109 = arith.select %and3A, %add3A_1108, %rem3A : i32
      %add3A_1110 = arith.constant 2 : i32
      %add3A_1111 = arith.addi %while3A_1097, %add3A_1110 : i32
      %jit3A_1112 = arith.constant 3 : i32
      %eq3A_1113 = arith.constant 0 : i32
      %eq3A_1114 = arith.cmpi eq, %jit3A_1112, %eq3A_1113 : i32
      %jit3A_1115 = arith.constant 1 : i32
      %select_n3A_1116 = arith.select %eq3A_1114, %jit3A_1115, %jit3A_1112 : i32
      %rem3A_1117 = arith.remsi %add3A_1111, %select_n3A_1116 : i32
      %ne3A_1118 = arith.constant 0 : i32
      %ne3A_1119 = arith.cmpi ne, %rem3A_1117, %ne3A_1118 : i32
      %lt3A_1120 = arith.constant 0 : i32
      %lt3A_1121 = arith.cmpi slt, %rem3A_1117, %lt3A_1120 : i32
      %lt3A_1122 = arith.constant 0 : i32
      %lt3A_1123 = arith.cmpi slt, %select_n3A_1116, %lt3A_1122 : i32
      %ne3A_1124 = arith.xori %lt3A_1121, %lt3A_1123 : i1
      %and3A_1125 = arith.andi %ne3A_1124, %ne3A_1119 : i1
      %add3A_1126 = arith.addi %rem3A_1117, %select_n3A_1116 : i32
      %select_n3A_1127 = arith.select %and3A_1125, %add3A_1126, %rem3A_1117 : i32
      %jit3A_1128 = arith.constant 6 : i32
      %div3A = arith.divsi %while3A_1097, %jit3A_1128 : i32
      %sign3A = arith.constant 0 : i32
      %sign3A_1129 = arith.cmpi sgt, %while3A_1097, %sign3A : i32
      %sign3A_1130 = arith.extui %sign3A_1129 : i1 to i32
      %sign3A_1131 = arith.constant 0 : i32
      %sign3A_1132 = arith.cmpi slt, %while3A_1097, %sign3A_1131 : i32
      %sign3A_1133 = arith.extui %sign3A_1132 : i1 to i32
      %sign3A_1134 = arith.subi %sign3A_1130, %sign3A_1133 : i32
      %sign3A_1135 = arith.constant 0 : i32
      %sign3A_1136 = arith.cmpi sgt, %jit3A_1128, %sign3A_1135 : i32
      %sign3A_1137 = arith.extui %sign3A_1136 : i1 to i32
      %sign3A_1138 = arith.constant 0 : i32
      %sign3A_1139 = arith.cmpi slt, %jit3A_1128, %sign3A_1138 : i32
      %sign3A_1140 = arith.extui %sign3A_1139 : i1 to i32
      %sign3A_1141 = arith.subi %sign3A_1137, %sign3A_1140 : i32
      %ne3A_1142 = arith.cmpi ne, %sign3A_1134, %sign3A_1141 : i32
      %rem3A_1143 = arith.remsi %while3A_1097, %jit3A_1128 : i32
      %ne3A_1144 = arith.constant 0 : i32
      %ne3A_1145 = arith.cmpi ne, %rem3A_1143, %ne3A_1144 : i32
      %and3A_1146 = arith.andi %ne3A_1142, %ne3A_1145 : i1
      %sub3A = arith.constant 1 : i32
      %sub3A_1147 = arith.subi %div3A, %sub3A : i32
      %select_n3A_1148 = arith.select %and3A_1146, %sub3A_1147, %div3A : i32
      %jit3A_1149 = arith.constant 6 : i32
      %eq3A_1150 = arith.constant 0 : i32
      %eq3A_1151 = arith.cmpi eq, %jit3A_1149, %eq3A_1150 : i32
      %jit3A_1152 = arith.constant 1 : i32
      %select_n3A_1153 = arith.select %eq3A_1151, %jit3A_1152, %jit3A_1149 : i32
      %rem3A_1154 = arith.remsi %while3A_1097, %select_n3A_1153 : i32
      %ne3A_1155 = arith.constant 0 : i32
      %ne3A_1156 = arith.cmpi ne, %rem3A_1154, %ne3A_1155 : i32
      %lt3A_1157 = arith.constant 0 : i32
      %lt3A_1158 = arith.cmpi slt, %rem3A_1154, %lt3A_1157 : i32
      %lt3A_1159 = arith.constant 0 : i32
      %lt3A_1160 = arith.cmpi slt, %select_n3A_1153, %lt3A_1159 : i32
      %ne3A_1161 = arith.xori %lt3A_1158, %lt3A_1160 : i1
      %and3A_1162 = arith.andi %ne3A_1161, %ne3A_1156 : i1
      %add3A_1163 = arith.addi %rem3A_1154, %select_n3A_1153 : i32
      %select_n3A_1164 = arith.select %and3A_1162, %add3A_1163, %rem3A_1154 : i32
      %jit3A_1165 = arith.constant 2 : i32
      %eq3A_1166 = arith.constant 0 : i32
      %eq3A_1167 = arith.cmpi eq, %jit3A_1165, %eq3A_1166 : i32
      %jit3A_1168 = arith.constant 1 : i32
      %select_n3A_1169 = arith.select %eq3A_1167, %jit3A_1168, %jit3A_1165 : i32
      %rem3A_1170 = arith.remsi %select_n3A_1148, %select_n3A_1169 : i32
      %ne3A_1171 = arith.constant 0 : i32
      %ne3A_1172 = arith.cmpi ne, %rem3A_1170, %ne3A_1171 : i32
      %lt3A_1173 = arith.constant 0 : i32
      %lt3A_1174 = arith.cmpi slt, %rem3A_1170, %lt3A_1173 : i32
      %lt3A_1175 = arith.constant 0 : i32
      %lt3A_1176 = arith.cmpi slt, %select_n3A_1169, %lt3A_1175 : i32
      %ne3A_1177 = arith.xori %lt3A_1174, %lt3A_1176 : i1
      %and3A_1178 = arith.andi %ne3A_1177, %ne3A_1172 : i1
      %add3A_1179 = arith.addi %rem3A_1170, %select_n3A_1169 : i32
      %select_n3A_1180 = arith.select %and3A_1178, %add3A_1179, %rem3A_1170 : i32
      %mul3A_1181 = arith.constant 3 : i32
      %mul3A_1182 = arith.muli %select_n3A_1180, %mul3A_1181 : i32
      %mul3A_1183 = arith.constant 192 : i32
      %mul3A_1184 = arith.muli %mul3A_1182, %mul3A_1183 : i32
      %add3A_1185 = arith.constant 0 : i32
      %add3A_1186 = arith.addi %mul3A_1184, %add3A_1185 : i32
      %mul3A_1187 = arith.constant 32 : i32
      %mul3A_1188 = arith.muli %select_n3A_1164, %mul3A_1187 : i32
      %add3A_1189 = arith.addi %add3A_1186, %mul3A_1188 : i32
      %mul3A_1190 = arith.constant 3 : i32
      %mul3A_1191 = arith.muli %select_n3A_1180, %mul3A_1190 : i32
      %mul3A_1192 = arith.constant 192 : i32
      %mul3A_1193 = arith.muli %mul3A_1191, %mul3A_1192 : i32
      %add3A_1194 = arith.constant 192 : i32
      %add3A_1195 = arith.addi %mul3A_1193, %add3A_1194 : i32
      %mul3A_1196 = arith.constant 32 : i32
      %mul3A_1197 = arith.muli %select_n3A_1164, %mul3A_1196 : i32
      %add3A_1198 = arith.addi %add3A_1195, %mul3A_1197 : i32
      %dma_wait3A_1199 = arith.constant 0 : i32
      %dma_wait3A_1200 = arith.constant 0 : i32
      %dma_wait3A_1201 = tpu.memref_slice %arg8[%select_n3A_1109, %dma_wait3A_1199, %dma_wait3A_1200] : memref<3x32x128xf32, #tpu.memory_space<vmem>> -> memref<1x32x128xf32, #tpu.memory_space<vmem>>
      %dma_wait3A_1202 = tpu.memref_squeeze %dma_wait3A_1201 : memref<1x32x128xf32, #tpu.memory_space<vmem>> -> memref<32x128xf32, #tpu.memory_space<vmem>>
      %dma_wait3A_1203 = tpu.memref_slice %arg7[%add3A_1189] : memref<1152xi32, #tpu.memory_space<vmem>> -> memref<32xi32, #tpu.memory_space<vmem>>
      %dma_wait3A_1204 = arith.constant 0 : i32
      %dma_wait3A_1205 = arith.constant 0 : i32
      %dma_wait3A_1206 = tpu.memref_slice %arg2[%dma_wait3A_1204, %dma_wait3A_1205] : memref<10000x128xf32, #tpu.memory_space<hbm>> -> memref<10000x128xf32, #tpu.memory_space<hbm>>
      %dma_wait3A_1207 = tpu.memref_slice %arg14[%select_n3A_1109] : memref<3x!tpu.dma_semaphore, #tpu.memory_space<semaphore_mem>> -> memref<1x!tpu.dma_semaphore, #tpu.memory_space<semaphore_mem>>
      %dma_wait3A_1208 = tpu.memref_squeeze %dma_wait3A_1207 : memref<1x!tpu.dma_semaphore, #tpu.memory_space<semaphore_mem>> -> memref<!tpu.dma_semaphore, #tpu.memory_space<semaphore_mem>>
      tpu.wait_indirect_dma semaphore(%dma_wait3A_1208 : memref<!tpu.dma_semaphore, #tpu.memory_space<semaphore_mem>>) src(%dma_wait3A_1206 : memref<10000x128xf32, #tpu.memory_space<hbm>>) dst(%dma_wait3A_1202 : memref<32x128xf32, #tpu.memory_space<vmem>>)
      %dma_wait3A_1209 = arith.constant 0 : i32
      %dma_wait3A_1210 = arith.constant 0 : i32
      %dma_wait3A_1211 = tpu.memref_slice %arg9[%select_n3A_1109, %dma_wait3A_1209, %dma_wait3A_1210] : memref<3x32x128xf32, #tpu.memory_space<vmem>> -> memref<1x32x128xf32, #tpu.memory_space<vmem>>
      %dma_wait3A_1212 = tpu.memref_squeeze %dma_wait3A_1211 : memref<1x32x128xf32, #tpu.memory_space<vmem>> -> memref<32x128xf32, #tpu.memory_space<vmem>>
      %dma_wait3A_1213 = tpu.memref_slice %arg7[%add3A_1198] : memref<1152xi32, #tpu.memory_space<vmem>> -> memref<32xi32, #tpu.memory_space<vmem>>
      %dma_wait3A_1214 = arith.constant 0 : i32
      %dma_wait3A_1215 = arith.constant 0 : i32
      %dma_wait3A_1216 = tpu.memref_slice %arg3[%dma_wait3A_1214, %dma_wait3A_1215] : memref<10000x128xf32, #tpu.memory_space<hbm>> -> memref<10000x128xf32, #tpu.memory_space<hbm>>
      %dma_wait3A_1217 = tpu.memref_slice %arg14[%select_n3A_1109] : memref<3x!tpu.dma_semaphore, #tpu.memory_space<semaphore_mem>> -> memref<1x!tpu.dma_semaphore, #tpu.memory_space<semaphore_mem>>
      %dma_wait3A_1218 = tpu.memref_squeeze %dma_wait3A_1217 : memref<1x!tpu.dma_semaphore, #tpu.memory_space<semaphore_mem>> -> memref<!tpu.dma_semaphore, #tpu.memory_space<semaphore_mem>>
      tpu.wait_indirect_dma semaphore(%dma_wait3A_1218 : memref<!tpu.dma_semaphore, #tpu.memory_space<semaphore_mem>>) src(%dma_wait3A_1216 : memref<10000x128xf32, #tpu.memory_space<hbm>>) dst(%dma_wait3A_1212 : memref<32x128xf32, #tpu.memory_space<vmem>>)
      %mul3A_1219 = arith.constant 3 : i32
      %mul3A_1220 = arith.muli %select_n3A_1180, %mul3A_1219 : i32
      %mul3A_1221 = arith.constant 192 : i32
      %mul3A_1222 = arith.muli %mul3A_1220, %mul3A_1221 : i32
      %add3A_1223 = arith.constant 384 : i32
      %add3A_1224 = arith.addi %mul3A_1222, %add3A_1223 : i32
      %mul3A_1225 = arith.constant 32 : i32
      %mul3A_1226 = arith.muli %select_n3A_1164, %mul3A_1225 : i32
      %add3A_1227 = arith.addi %add3A_1224, %mul3A_1226 : i32
      %dma_start3A_1228 = arith.constant 0 : i32
      %dma_start3A_1229 = arith.constant 0 : i32
      %dma_start3A_1230 = tpu.memref_slice %arg8[%select_n3A_1109, %dma_start3A_1228, %dma_start3A_1229] : memref<3x32x128xf32, #tpu.memory_space<vmem>> -> memref<1x32x128xf32, #tpu.memory_space<vmem>>
      %dma_start3A_1231 = tpu.memref_squeeze %dma_start3A_1230 : memref<1x32x128xf32, #tpu.memory_space<vmem>> -> memref<32x128xf32, #tpu.memory_space<vmem>>
      %dma_start3A_1232 = tpu.memref_slice %arg7[%add3A_1227] : memref<1152xi32, #tpu.memory_space<vmem>> -> memref<32xi32, #tpu.memory_space<vmem>>
      %dma_start3A_1233 = arith.constant 0 : i32
      %dma_start3A_1234 = arith.constant 0 : i32
      %dma_start3A_1235 = tpu.memref_slice %arg12[%dma_start3A_1233, %dma_start3A_1234] : memref<10240x128xf32, #tpu.memory_space<vmem_shared>> -> memref<10240x128xf32, #tpu.memory_space<vmem_shared>>
      %dma_start3A_1236 = tpu.memref_slice %arg15[%select_n3A_1109] : memref<3x!tpu.dma_semaphore, #tpu.memory_space<semaphore_mem>> -> memref<1x!tpu.dma_semaphore, #tpu.memory_space<semaphore_mem>>
      %dma_start3A_1237 = tpu.memref_squeeze %dma_start3A_1236 : memref<1x!tpu.dma_semaphore, #tpu.memory_space<semaphore_mem>> -> memref<!tpu.dma_semaphore, #tpu.memory_space<semaphore_mem>>
      tpu.enqueue_indirect_dma source(%dma_start3A_1231 : memref<32x128xf32, #tpu.memory_space<vmem>>) target(%dma_start3A_1235 : memref<10240x128xf32, #tpu.memory_space<vmem_shared>>) offsets(%dma_start3A_1232 : memref<32xi32, #tpu.memory_space<vmem>>) semaphore(%dma_start3A_1237 : memref<!tpu.dma_semaphore, #tpu.memory_space<semaphore_mem>>) {add = true}
      %dma_start3A_1238 = arith.constant 0 : i32
      %dma_start3A_1239 = arith.constant 0 : i32
      %dma_start3A_1240 = tpu.memref_slice %arg9[%select_n3A_1109, %dma_start3A_1238, %dma_start3A_1239] : memref<3x32x128xf32, #tpu.memory_space<vmem>> -> memref<1x32x128xf32, #tpu.memory_space<vmem>>
      %dma_start3A_1241 = tpu.memref_squeeze %dma_start3A_1240 : memref<1x32x128xf32, #tpu.memory_space<vmem>> -> memref<32x128xf32, #tpu.memory_space<vmem>>
      %dma_start3A_1242 = tpu.memref_slice %arg7[%add3A_1227] : memref<1152xi32, #tpu.memory_space<vmem>> -> memref<32xi32, #tpu.memory_space<vmem>>
      %dma_start3A_1243 = arith.constant 0 : i32
      %dma_start3A_1244 = arith.constant 0 : i32
      %dma_start3A_1245 = tpu.memref_slice %arg12[%dma_start3A_1243, %dma_start3A_1244] : memref<10240x128xf32, #tpu.memory_space<vmem_shared>> -> memref<10240x128xf32, #tpu.memory_space<vmem_shared>>
      %dma_start3A_1246 = tpu.memref_slice %arg15[%select_n3A_1109] : memref<3x!tpu.dma_semaphore, #tpu.memory_space<semaphore_mem>> -> memref<1x!tpu.dma_semaphore, #tpu.memory_space<semaphore_mem>>
      %dma_start3A_1247 = tpu.memref_squeeze %dma_start3A_1246 : memref<1x!tpu.dma_semaphore, #tpu.memory_space<semaphore_mem>> -> memref<!tpu.dma_semaphore, #tpu.memory_space<semaphore_mem>>
      tpu.enqueue_indirect_dma source(%dma_start3A_1241 : memref<32x128xf32, #tpu.memory_space<vmem>>) target(%dma_start3A_1245 : memref<10240x128xf32, #tpu.memory_space<vmem_shared>>) offsets(%dma_start3A_1242 : memref<32xi32, #tpu.memory_space<vmem>>) semaphore(%dma_start3A_1247 : memref<!tpu.dma_semaphore, #tpu.memory_space<semaphore_mem>>) {add = true}
      %dma_start3A_1248 = tpu.memref_slice %arg7[%add3A_1227] : memref<1152xi32, #tpu.memory_space<vmem>> -> memref<32xi32, #tpu.memory_space<vmem>>
      %dma_start3A_1249 = arith.constant 0 : i32
      %dma_start3A_1250 = tpu.memref_slice %arg13[%dma_start3A_1249] : memref<10240xf32, #tpu.memory_space<vmem_shared>> -> memref<10240xf32, #tpu.memory_space<vmem_shared>>
      %dma_start3A_1251 = tpu.memref_slice %arg15[%select_n3A_1109] : memref<3x!tpu.dma_semaphore, #tpu.memory_space<semaphore_mem>> -> memref<1x!tpu.dma_semaphore, #tpu.memory_space<semaphore_mem>>
      %dma_start3A_1252 = tpu.memref_squeeze %dma_start3A_1251 : memref<1x!tpu.dma_semaphore, #tpu.memory_space<semaphore_mem>> -> memref<!tpu.dma_semaphore, #tpu.memory_space<semaphore_mem>>
      tpu.enqueue_indirect_dma source(%arg10 : memref<32xf32, #tpu.memory_space<vmem>>) target(%dma_start3A_1250 : memref<10240xf32, #tpu.memory_space<vmem_shared>>) offsets(%dma_start3A_1248 : memref<32xi32, #tpu.memory_space<vmem>>) semaphore(%dma_start3A_1252 : memref<!tpu.dma_semaphore, #tpu.memory_space<semaphore_mem>>) {add = true}
      %ge3A = arith.constant 1 : i32
      %ge3A_1253 = arith.cmpi sge, %while3A_1097, %ge3A : i32
      %add3A_1254 = arith.constant 2 : i32
      %add3A_1255 = arith.addi %while3A_1097, %add3A_1254 : i32
      %lt3A_1256 = arith.cmpi slt, %add3A_1255, %mul3A_8 : i32
      %and3A_1257 = arith.andi %ge3A_1253, %lt3A_1256 : i1
      %convert_element_type3A_1258 = arith.extui %and3A_1257 : i1 to i32
      %cond3A_1259 = arith.constant 0 : i32
      %cond3A_1260 = arith.cmpi ne, %convert_element_type3A_1258, %cond3A_1259 : i32
      scf.if %cond3A_1260 {
        %mul3A_1288 = arith.constant 3 : i32
        %mul3A_1289 = arith.muli %select_n3A_1180, %mul3A_1288 : i32
        %mul3A_1290 = arith.constant 192 : i32
        %mul3A_1291 = arith.muli %mul3A_1289, %mul3A_1290 : i32
        %add3A_1292 = arith.constant 384 : i32
        %add3A_1293 = arith.addi %mul3A_1291, %add3A_1292 : i32
        %mul3A_1294 = arith.constant 32 : i32
        %mul3A_1295 = arith.muli %select_n3A_1164, %mul3A_1294 : i32
        %add3A_1296 = arith.addi %add3A_1293, %mul3A_1295 : i32
        %dma_wait3A_1297 = arith.constant 0 : i32
        %dma_wait3A_1298 = arith.constant 0 : i32
        %dma_wait3A_1299 = tpu.memref_slice %arg8[%select_n3A_1127, %dma_wait3A_1297, %dma_wait3A_1298] : memref<3x32x128xf32, #tpu.memory_space<vmem>> -> memref<1x32x128xf32, #tpu.memory_space<vmem>>
        %dma_wait3A_1300 = tpu.memref_squeeze %dma_wait3A_1299 : memref<1x32x128xf32, #tpu.memory_space<vmem>> -> memref<32x128xf32, #tpu.memory_space<vmem>>
        %dma_wait3A_1301 = tpu.memref_slice %arg7[%add3A_1296] : memref<1152xi32, #tpu.memory_space<vmem>> -> memref<32xi32, #tpu.memory_space<vmem>>
        %dma_wait3A_1302 = arith.constant 0 : i32
        %dma_wait3A_1303 = arith.constant 0 : i32
        %dma_wait3A_1304 = tpu.memref_slice %arg12[%dma_wait3A_1302, %dma_wait3A_1303] : memref<10240x128xf32, #tpu.memory_space<vmem_shared>> -> memref<10240x128xf32, #tpu.memory_space<vmem_shared>>
        %dma_wait3A_1305 = tpu.memref_slice %arg15[%select_n3A_1127] : memref<3x!tpu.dma_semaphore, #tpu.memory_space<semaphore_mem>> -> memref<1x!tpu.dma_semaphore, #tpu.memory_space<semaphore_mem>>
        %dma_wait3A_1306 = tpu.memref_squeeze %dma_wait3A_1305 : memref<1x!tpu.dma_semaphore, #tpu.memory_space<semaphore_mem>> -> memref<!tpu.dma_semaphore, #tpu.memory_space<semaphore_mem>>
        tpu.wait_indirect_dma semaphore(%dma_wait3A_1306 : memref<!tpu.dma_semaphore, #tpu.memory_space<semaphore_mem>>) src(%dma_wait3A_1300 : memref<32x128xf32, #tpu.memory_space<vmem>>) dst(%dma_wait3A_1304 : memref<10240x128xf32, #tpu.memory_space<vmem_shared>>)
        %dma_wait3A_1307 = arith.constant 0 : i32
        %dma_wait3A_1308 = arith.constant 0 : i32
        %dma_wait3A_1309 = tpu.memref_slice %arg9[%select_n3A_1127, %dma_wait3A_1307, %dma_wait3A_1308] : memref<3x32x128xf32, #tpu.memory_space<vmem>> -> memref<1x32x128xf32, #tpu.memory_space<vmem>>
        %dma_wait3A_1310 = tpu.memref_squeeze %dma_wait3A_1309 : memref<1x32x128xf32, #tpu.memory_space<vmem>> -> memref<32x128xf32, #tpu.memory_space<vmem>>
        %dma_wait3A_1311 = tpu.memref_slice %arg7[%add3A_1296] : memref<1152xi32, #tpu.memory_space<vmem>> -> memref<32xi32, #tpu.memory_space<vmem>>
        %dma_wait3A_1312 = arith.constant 0 : i32
        %dma_wait3A_1313 = arith.constant 0 : i32
        %dma_wait3A_1314 = tpu.memref_slice %arg12[%dma_wait3A_1312, %dma_wait3A_1313] : memref<10240x128xf32, #tpu.memory_space<vmem_shared>> -> memref<10240x128xf32, #tpu.memory_space<vmem_shared>>
        %dma_wait3A_1315 = tpu.memref_slice %arg15[%select_n3A_1127] : memref<3x!tpu.dma_semaphore, #tpu.memory_space<semaphore_mem>> -> memref<1x!tpu.dma_semaphore, #tpu.memory_space<semaphore_mem>>
        %dma_wait3A_1316 = tpu.memref_squeeze %dma_wait3A_1315 : memref<1x!tpu.dma_semaphore, #tpu.memory_space<semaphore_mem>> -> memref<!tpu.dma_semaphore, #tpu.memory_space<semaphore_mem>>
        tpu.wait_indirect_dma semaphore(%dma_wait3A_1316 : memref<!tpu.dma_semaphore, #tpu.memory_space<semaphore_mem>>) src(%dma_wait3A_1310 : memref<32x128xf32, #tpu.memory_space<vmem>>) dst(%dma_wait3A_1314 : memref<10240x128xf32, #tpu.memory_space<vmem_shared>>)
        %dma_wait3A_1317 = tpu.memref_slice %arg7[%add3A_1296] : memref<1152xi32, #tpu.memory_space<vmem>> -> memref<32xi32, #tpu.memory_space<vmem>>
        %dma_wait3A_1318 = arith.constant 0 : i32
        %dma_wait3A_1319 = tpu.memref_slice %arg13[%dma_wait3A_1318] : memref<10240xf32, #tpu.memory_space<vmem_shared>> -> memref<10240xf32, #tpu.memory_space<vmem_shared>>
        %dma_wait3A_1320 = tpu.memref_slice %arg15[%select_n3A_1127] : memref<3x!tpu.dma_semaphore, #tpu.memory_space<semaphore_mem>> -> memref<1x!tpu.dma_semaphore, #tpu.memory_space<semaphore_mem>>
        %dma_wait3A_1321 = tpu.memref_squeeze %dma_wait3A_1320 : memref<1x!tpu.dma_semaphore, #tpu.memory_space<semaphore_mem>> -> memref<!tpu.dma_semaphore, #tpu.memory_space<semaphore_mem>>
        tpu.wait_indirect_dma semaphore(%dma_wait3A_1321 : memref<!tpu.dma_semaphore, #tpu.memory_space<semaphore_mem>>) src(%arg10 : memref<32xf32, #tpu.memory_space<vmem>>) dst(%dma_wait3A_1319 : memref<10240xf32, #tpu.memory_space<vmem_shared>>)
      } else {
      }
      %eq3A_1261 = arith.constant 0 : i32
      %eq3A_1262 = arith.cmpi eq, %select_n3A_1164, %eq3A_1261 : i32
      %ge3A_1263 = arith.constant 1 : i32
      %ge3A_1264 = arith.cmpi sge, %while3A_1097, %ge3A_1263 : i32
      %and3A_1265 = arith.andi %eq3A_1262, %ge3A_1264 : i1
      %add3A_1266 = arith.constant 1 : i32
      %add3A_1267 = arith.addi %select_n3A_1148, %add3A_1266 : i32
      %lt3A_1268 = arith.cmpi slt, %add3A_1267, %select_n3A_6 : i32
      %and3A_1269 = arith.andi %and3A_1265, %lt3A_1268 : i1
      %convert_element_type3A_1270 = arith.extui %and3A_1269 : i1 to i32
      %cond3A_1271 = arith.constant 0 : i32
      %cond3A_1272 = arith.cmpi ne, %convert_element_type3A_1270, %cond3A_1271 : i32
      scf.if %cond3A_1272 {
        %add3A_1288 = arith.constant 1 : i32
        %add3A_1289 = arith.addi %select_n3A_1148, %add3A_1288 : i32
        %sub3A_1290 = arith.constant 1 : i32
        %sub3A_1291 = arith.subi %sub3A_1290, %select_n3A_1180 : i32
        %mul3A_1292 = arith.constant 6 : i32
        %mul3A_1293 = arith.muli %add3A_1289, %mul3A_1292 : i32
        %add3A_1294 = arith.addi %select_n3A, %mul3A_1293 : i32
        %mul3A_1295 = arith.constant 32 : i32
        %mul3A_1296 = arith.muli %add3A_1294, %mul3A_1295 : i32
        %add3A_1297 = arith.constant 0 : i32
        %add3A_1298 = arith.addi %add3A_1297, %mul3A_1296 : i32
        %mul3A_1299 = arith.constant 3 : i32
        %mul3A_1300 = arith.muli %sub3A_1291, %mul3A_1299 : i32
        %mul3A_1301 = arith.constant 192 : i32
        %mul3A_1302 = arith.muli %mul3A_1300, %mul3A_1301 : i32
        %add3A_1303 = arith.constant 0 : i32
        %add3A_1304 = arith.addi %mul3A_1302, %add3A_1303 : i32
        %dma_start3A_1305 = tpu.memref_slice %arg7[%add3A_1304] : memref<1152xi32, #tpu.memory_space<vmem>> -> memref<192xi32, #tpu.memory_space<vmem>>
        %dma_start3A_1306 = tpu.memref_slice %arg4[%add3A_1298] : memref<976896xi32, #tpu.memory_space<hbm>> -> memref<192xi32, #tpu.memory_space<hbm>>
        %dma_start3A_1307 = tpu.memref_slice %arg7[%add3A_1304] : memref<1152xi32, #tpu.memory_space<vmem>> -> memref<192xi32, #tpu.memory_space<vmem>>
        %dma_start3A_1308 = tpu.memref_slice %arg4[%add3A_1298] : memref<976896xi32, #tpu.memory_space<hbm>> -> memref<192xi32, #tpu.memory_space<hbm>>
        tpu.enqueue_dma source(%dma_start3A_1308 : memref<192xi32, #tpu.memory_space<hbm>>) target(%dma_start3A_1307 : memref<192xi32, #tpu.memory_space<vmem>>) target_semaphore(%arg16 : memref<!tpu.dma_semaphore, #tpu.memory_space<semaphore_mem>>)
        %add3A_1309 = arith.constant 325632 : i32
        %add3A_1310 = arith.addi %add3A_1309, %mul3A_1296 : i32
        %mul3A_1311 = arith.constant 3 : i32
        %mul3A_1312 = arith.muli %sub3A_1291, %mul3A_1311 : i32
        %mul3A_1313 = arith.constant 192 : i32
        %mul3A_1314 = arith.muli %mul3A_1312, %mul3A_1313 : i32
        %add3A_1315 = arith.constant 192 : i32
        %add3A_1316 = arith.addi %mul3A_1314, %add3A_1315 : i32
        %dma_start3A_1317 = tpu.memref_slice %arg7[%add3A_1316] : memref<1152xi32, #tpu.memory_space<vmem>> -> memref<192xi32, #tpu.memory_space<vmem>>
        %dma_start3A_1318 = tpu.memref_slice %arg4[%add3A_1310] : memref<976896xi32, #tpu.memory_space<hbm>> -> memref<192xi32, #tpu.memory_space<hbm>>
        %dma_start3A_1319 = tpu.memref_slice %arg7[%add3A_1316] : memref<1152xi32, #tpu.memory_space<vmem>> -> memref<192xi32, #tpu.memory_space<vmem>>
        %dma_start3A_1320 = tpu.memref_slice %arg4[%add3A_1310] : memref<976896xi32, #tpu.memory_space<hbm>> -> memref<192xi32, #tpu.memory_space<hbm>>
        tpu.enqueue_dma source(%dma_start3A_1320 : memref<192xi32, #tpu.memory_space<hbm>>) target(%dma_start3A_1319 : memref<192xi32, #tpu.memory_space<vmem>>) target_semaphore(%arg16 : memref<!tpu.dma_semaphore, #tpu.memory_space<semaphore_mem>>)
        %add3A_1321 = arith.constant 651264 : i32
        %add3A_1322 = arith.addi %add3A_1321, %mul3A_1296 : i32
        %mul3A_1323 = arith.constant 3 : i32
        %mul3A_1324 = arith.muli %sub3A_1291, %mul3A_1323 : i32
        %mul3A_1325 = arith.constant 192 : i32
        %mul3A_1326 = arith.muli %mul3A_1324, %mul3A_1325 : i32
        %add3A_1327 = arith.constant 384 : i32
        %add3A_1328 = arith.addi %mul3A_1326, %add3A_1327 : i32
        %dma_start3A_1329 = tpu.memref_slice %arg7[%add3A_1328] : memref<1152xi32, #tpu.memory_space<vmem>> -> memref<192xi32, #tpu.memory_space<vmem>>
        %dma_start3A_1330 = tpu.memref_slice %arg4[%add3A_1322] : memref<976896xi32, #tpu.memory_space<hbm>> -> memref<192xi32, #tpu.memory_space<hbm>>
        %dma_start3A_1331 = tpu.memref_slice %arg7[%add3A_1328] : memref<1152xi32, #tpu.memory_space<vmem>> -> memref<192xi32, #tpu.memory_space<vmem>>
        %dma_start3A_1332 = tpu.memref_slice %arg4[%add3A_1322] : memref<976896xi32, #tpu.memory_space<hbm>> -> memref<192xi32, #tpu.memory_space<hbm>>
        tpu.enqueue_dma source(%dma_start3A_1332 : memref<192xi32, #tpu.memory_space<hbm>>) target(%dma_start3A_1331 : memref<192xi32, #tpu.memory_space<vmem>>) target_semaphore(%arg16 : memref<!tpu.dma_semaphore, #tpu.memory_space<semaphore_mem>>)
      } else {
      }
      %eq3A_1273 = arith.constant 4 : i32
      %eq3A_1274 = arith.cmpi eq, %select_n3A_1164, %eq3A_1273 : i32
      %add3A_1275 = arith.constant 1 : i32
      %add3A_1276 = arith.addi %select_n3A_1148, %add3A_1275 : i32
      %lt3A_1277 = arith.cmpi slt, %add3A_1276, %select_n3A_6 : i32
      %and3A_1278 = arith.andi %eq3A_1274, %lt3A_1277 : i1
      %convert_element_type3A_1279 = arith.extui %and3A_1278 : i1 to i32
      %cond3A_1280 = arith.constant 0 : i32
      %cond3A_1281 = arith.cmpi ne, %convert_element_type3A_1279, %cond3A_1280 : i32
      scf.if %cond3A_1281 {
        %add3A_1288 = arith.constant 1 : i32
        %add3A_1289 = arith.addi %select_n3A_1148, %add3A_1288 : i32
        %sub3A_1290 = arith.constant 1 : i32
        %sub3A_1291 = arith.subi %sub3A_1290, %select_n3A_1180 : i32
        %mul3A_1292 = arith.constant 6 : i32
        %mul3A_1293 = arith.muli %add3A_1289, %mul3A_1292 : i32
        %add3A_1294 = arith.addi %select_n3A, %mul3A_1293 : i32
        %mul3A_1295 = arith.constant 32 : i32
        %mul3A_1296 = arith.muli %add3A_1294, %mul3A_1295 : i32
        %add3A_1297 = arith.constant 0 : i32
        %add3A_1298 = arith.addi %add3A_1297, %mul3A_1296 : i32
        %mul3A_1299 = arith.constant 3 : i32
        %mul3A_1300 = arith.muli %sub3A_1291, %mul3A_1299 : i32
        %mul3A_1301 = arith.constant 192 : i32
        %mul3A_1302 = arith.muli %mul3A_1300, %mul3A_1301 : i32
        %add3A_1303 = arith.constant 0 : i32
        %add3A_1304 = arith.addi %mul3A_1302, %add3A_1303 : i32
        %dma_wait3A_1305 = tpu.memref_slice %arg7[%add3A_1304] : memref<1152xi32, #tpu.memory_space<vmem>> -> memref<192xi32, #tpu.memory_space<vmem>>
        %dma_wait3A_1306 = tpu.memref_slice %arg4[%add3A_1298] : memref<976896xi32, #tpu.memory_space<hbm>> -> memref<192xi32, #tpu.memory_space<hbm>>
        %dma_wait3A_1307 = tpu.memref_slice %arg7[%add3A_1304] : memref<1152xi32, #tpu.memory_space<vmem>> -> memref<192xi32, #tpu.memory_space<vmem>>
        %dma_wait3A_1308 = tpu.memref_slice %arg4[%add3A_1298] : memref<976896xi32, #tpu.memory_space<hbm>> -> memref<192xi32, #tpu.memory_space<hbm>>
        tpu.wait_dma2 semaphore(%arg16 : memref<!tpu.dma_semaphore, #tpu.memory_space<semaphore_mem>>) src(%dma_wait3A_1308 : memref<192xi32, #tpu.memory_space<hbm>>) dst(%dma_wait3A_1307 : memref<192xi32, #tpu.memory_space<vmem>>)
        %add3A_1309 = arith.constant 325632 : i32
        %add3A_1310 = arith.addi %add3A_1309, %mul3A_1296 : i32
        %mul3A_1311 = arith.constant 3 : i32
        %mul3A_1312 = arith.muli %sub3A_1291, %mul3A_1311 : i32
        %mul3A_1313 = arith.constant 192 : i32
        %mul3A_1314 = arith.muli %mul3A_1312, %mul3A_1313 : i32
        %add3A_1315 = arith.constant 192 : i32
        %add3A_1316 = arith.addi %mul3A_1314, %add3A_1315 : i32
        %dma_wait3A_1317 = tpu.memref_slice %arg7[%add3A_1316] : memref<1152xi32, #tpu.memory_space<vmem>> -> memref<192xi32, #tpu.memory_space<vmem>>
        %dma_wait3A_1318 = tpu.memref_slice %arg4[%add3A_1310] : memref<976896xi32, #tpu.memory_space<hbm>> -> memref<192xi32, #tpu.memory_space<hbm>>
        %dma_wait3A_1319 = tpu.memref_slice %arg7[%add3A_1316] : memref<1152xi32, #tpu.memory_space<vmem>> -> memref<192xi32, #tpu.memory_space<vmem>>
        %dma_wait3A_1320 = tpu.memref_slice %arg4[%add3A_1310] : memref<976896xi32, #tpu.memory_space<hbm>> -> memref<192xi32, #tpu.memory_space<hbm>>
        tpu.wait_dma2 semaphore(%arg16 : memref<!tpu.dma_semaphore, #tpu.memory_space<semaphore_mem>>) src(%dma_wait3A_1320 : memref<192xi32, #tpu.memory_space<hbm>>) dst(%dma_wait3A_1319 : memref<192xi32, #tpu.memory_space<vmem>>)
        %add3A_1321 = arith.constant 651264 : i32
        %add3A_1322 = arith.addi %add3A_1321, %mul3A_1296 : i32
        %mul3A_1323 = arith.constant 3 : i32
        %mul3A_1324 = arith.muli %sub3A_1291, %mul3A_1323 : i32
        %mul3A_1325 = arith.constant 192 : i32
        %mul3A_1326 = arith.muli %mul3A_1324, %mul3A_1325 : i32
        %add3A_1327 = arith.constant 384 : i32
        %add3A_1328 = arith.addi %mul3A_1326, %add3A_1327 : i32
        %dma_wait3A_1329 = tpu.memref_slice %arg7[%add3A_1328] : memref<1152xi32, #tpu.memory_space<vmem>> -> memref<192xi32, #tpu.memory_space<vmem>>
        %dma_wait3A_1330 = tpu.memref_slice %arg4[%add3A_1322] : memref<976896xi32, #tpu.memory_space<hbm>> -> memref<192xi32, #tpu.memory_space<hbm>>
        %dma_wait3A_1331 = tpu.memref_slice %arg7[%add3A_1328] : memref<1152xi32, #tpu.memory_space<vmem>> -> memref<192xi32, #tpu.memory_space<vmem>>
        %dma_wait3A_1332 = tpu.memref_slice %arg4[%add3A_1322] : memref<976896xi32, #tpu.memory_space<hbm>> -> memref<192xi32, #tpu.memory_space<hbm>>
        tpu.wait_dma2 semaphore(%arg16 : memref<!tpu.dma_semaphore, #tpu.memory_space<semaphore_mem>>) src(%dma_wait3A_1332 : memref<192xi32, #tpu.memory_space<hbm>>) dst(%dma_wait3A_1331 : memref<192xi32, #tpu.memory_space<vmem>>)
      } else {
      }
      %add3A_1282 = arith.constant 2 : i32
      %add3A_1283 = arith.addi %while3A_1097, %add3A_1282 : i32
      %lt3A_1284 = arith.cmpi slt, %add3A_1283, %mul3A_8 : i32
      %convert_element_type3A_1285 = arith.extui %lt3A_1284 : i1 to i32
      %cond3A_1286 = arith.constant 0 : i32
      %cond3A_1287 = arith.cmpi ne, %convert_element_type3A_1285, %cond3A_1286 : i32
      scf.if %cond3A_1287 {
        %add3A_1288 = arith.constant 2 : i32
        %add3A_1289 = arith.addi %while3A_1097, %add3A_1288 : i32
        %jit3A_1290 = arith.constant 6 : i32
        %div3A_1291 = arith.divsi %add3A_1289, %jit3A_1290 : i32
        %sign3A_1292 = arith.constant 0 : i32
        %sign3A_1293 = arith.cmpi sgt, %add3A_1289, %sign3A_1292 : i32
        %sign3A_1294 = arith.extui %sign3A_1293 : i1 to i32
        %sign3A_1295 = arith.constant 0 : i32
        %sign3A_1296 = arith.cmpi slt, %add3A_1289, %sign3A_1295 : i32
        %sign3A_1297 = arith.extui %sign3A_1296 : i1 to i32
        %sign3A_1298 = arith.subi %sign3A_1294, %sign3A_1297 : i32
        %sign3A_1299 = arith.constant 0 : i32
        %sign3A_1300 = arith.cmpi sgt, %jit3A_1290, %sign3A_1299 : i32
        %sign3A_1301 = arith.extui %sign3A_1300 : i1 to i32
        %sign3A_1302 = arith.constant 0 : i32
        %sign3A_1303 = arith.cmpi slt, %jit3A_1290, %sign3A_1302 : i32
        %sign3A_1304 = arith.extui %sign3A_1303 : i1 to i32
        %sign3A_1305 = arith.subi %sign3A_1301, %sign3A_1304 : i32
        %ne3A_1306 = arith.cmpi ne, %sign3A_1298, %sign3A_1305 : i32
        %rem3A_1307 = arith.remsi %add3A_1289, %jit3A_1290 : i32
        %ne3A_1308 = arith.constant 0 : i32
        %ne3A_1309 = arith.cmpi ne, %rem3A_1307, %ne3A_1308 : i32
        %and3A_1310 = arith.andi %ne3A_1306, %ne3A_1309 : i1
        %sub3A_1311 = arith.constant 1 : i32
        %sub3A_1312 = arith.subi %div3A_1291, %sub3A_1311 : i32
        %select_n3A_1313 = arith.select %and3A_1310, %sub3A_1312, %div3A_1291 : i32
        %jit3A_1314 = arith.constant 2 : i32
        %eq3A_1315 = arith.constant 0 : i32
        %eq3A_1316 = arith.cmpi eq, %jit3A_1314, %eq3A_1315 : i32
        %jit3A_1317 = arith.constant 1 : i32
        %select_n3A_1318 = arith.select %eq3A_1316, %jit3A_1317, %jit3A_1314 : i32
        %rem3A_1319 = arith.remsi %select_n3A_1313, %select_n3A_1318 : i32
        %ne3A_1320 = arith.constant 0 : i32
        %ne3A_1321 = arith.cmpi ne, %rem3A_1319, %ne3A_1320 : i32
        %lt3A_1322 = arith.constant 0 : i32
        %lt3A_1323 = arith.cmpi slt, %rem3A_1319, %lt3A_1322 : i32
        %lt3A_1324 = arith.constant 0 : i32
        %lt3A_1325 = arith.cmpi slt, %select_n3A_1318, %lt3A_1324 : i32
        %ne3A_1326 = arith.xori %lt3A_1323, %lt3A_1325 : i1
        %and3A_1327 = arith.andi %ne3A_1326, %ne3A_1321 : i1
        %add3A_1328 = arith.addi %rem3A_1319, %select_n3A_1318 : i32
        %select_n3A_1329 = arith.select %and3A_1327, %add3A_1328, %rem3A_1319 : i32
        %jit3A_1330 = arith.constant 6 : i32
        %eq3A_1331 = arith.constant 0 : i32
        %eq3A_1332 = arith.cmpi eq, %jit3A_1330, %eq3A_1331 : i32
        %jit3A_1333 = arith.constant 1 : i32
        %select_n3A_1334 = arith.select %eq3A_1332, %jit3A_1333, %jit3A_1330 : i32
        %rem3A_1335 = arith.remsi %add3A_1289, %select_n3A_1334 : i32
        %ne3A_1336 = arith.constant 0 : i32
        %ne3A_1337 = arith.cmpi ne, %rem3A_1335, %ne3A_1336 : i32
        %lt3A_1338 = arith.constant 0 : i32
        %lt3A_1339 = arith.cmpi slt, %rem3A_1335, %lt3A_1338 : i32
        %lt3A_1340 = arith.constant 0 : i32
        %lt3A_1341 = arith.cmpi slt, %select_n3A_1334, %lt3A_1340 : i32
        %ne3A_1342 = arith.xori %lt3A_1339, %lt3A_1341 : i1
        %and3A_1343 = arith.andi %ne3A_1342, %ne3A_1337 : i1
        %add3A_1344 = arith.addi %rem3A_1335, %select_n3A_1334 : i32
        %select_n3A_1345 = arith.select %and3A_1343, %add3A_1344, %rem3A_1335 : i32
        %mul3A_1346 = arith.constant 3 : i32
        %mul3A_1347 = arith.muli %select_n3A_1329, %mul3A_1346 : i32
        %mul3A_1348 = arith.constant 192 : i32
        %mul3A_1349 = arith.muli %mul3A_1347, %mul3A_1348 : i32
        %add3A_1350 = arith.constant 0 : i32
        %add3A_1351 = arith.addi %mul3A_1349, %add3A_1350 : i32
        %mul3A_1352 = arith.constant 32 : i32
        %mul3A_1353 = arith.muli %select_n3A_1345, %mul3A_1352 : i32
        %add3A_1354 = arith.addi %add3A_1351, %mul3A_1353 : i32
        %mul3A_1355 = arith.constant 3 : i32
        %mul3A_1356 = arith.muli %select_n3A_1329, %mul3A_1355 : i32
        %mul3A_1357 = arith.constant 192 : i32
        %mul3A_1358 = arith.muli %mul3A_1356, %mul3A_1357 : i32
        %add3A_1359 = arith.constant 192 : i32
        %add3A_1360 = arith.addi %mul3A_1358, %add3A_1359 : i32
        %mul3A_1361 = arith.constant 32 : i32
        %mul3A_1362 = arith.muli %select_n3A_1345, %mul3A_1361 : i32
        %add3A_1363 = arith.addi %add3A_1360, %mul3A_1362 : i32
        %dma_start3A_1364 = arith.constant 0 : i32
        %dma_start3A_1365 = arith.constant 0 : i32
        %dma_start3A_1366 = tpu.memref_slice %arg8[%select_n3A_1127, %dma_start3A_1364, %dma_start3A_1365] : memref<3x32x128xf32, #tpu.memory_space<vmem>> -> memref<1x32x128xf32, #tpu.memory_space<vmem>>
        %dma_start3A_1367 = tpu.memref_squeeze %dma_start3A_1366 : memref<1x32x128xf32, #tpu.memory_space<vmem>> -> memref<32x128xf32, #tpu.memory_space<vmem>>
        %dma_start3A_1368 = tpu.memref_slice %arg7[%add3A_1354] : memref<1152xi32, #tpu.memory_space<vmem>> -> memref<32xi32, #tpu.memory_space<vmem>>
        %dma_start3A_1369 = arith.constant 0 : i32
        %dma_start3A_1370 = arith.constant 0 : i32
        %dma_start3A_1371 = tpu.memref_slice %arg2[%dma_start3A_1369, %dma_start3A_1370] : memref<10000x128xf32, #tpu.memory_space<hbm>> -> memref<10000x128xf32, #tpu.memory_space<hbm>>
        %dma_start3A_1372 = tpu.memref_slice %arg14[%select_n3A_1127] : memref<3x!tpu.dma_semaphore, #tpu.memory_space<semaphore_mem>> -> memref<1x!tpu.dma_semaphore, #tpu.memory_space<semaphore_mem>>
        %dma_start3A_1373 = tpu.memref_squeeze %dma_start3A_1372 : memref<1x!tpu.dma_semaphore, #tpu.memory_space<semaphore_mem>> -> memref<!tpu.dma_semaphore, #tpu.memory_space<semaphore_mem>>
        tpu.enqueue_indirect_dma source(%dma_start3A_1371 : memref<10000x128xf32, #tpu.memory_space<hbm>>) target(%dma_start3A_1367 : memref<32x128xf32, #tpu.memory_space<vmem>>) offsets(%dma_start3A_1368 : memref<32xi32, #tpu.memory_space<vmem>>) semaphore(%dma_start3A_1373 : memref<!tpu.dma_semaphore, #tpu.memory_space<semaphore_mem>>)
        %dma_start3A_1374 = arith.constant 0 : i32
        %dma_start3A_1375 = arith.constant 0 : i32
        %dma_start3A_1376 = tpu.memref_slice %arg9[%select_n3A_1127, %dma_start3A_1374, %dma_start3A_1375] : memref<3x32x128xf32, #tpu.memory_space<vmem>> -> memref<1x32x128xf32, #tpu.memory_space<vmem>>
        %dma_start3A_1377 = tpu.memref_squeeze %dma_start3A_1376 : memref<1x32x128xf32, #tpu.memory_space<vmem>> -> memref<32x128xf32, #tpu.memory_space<vmem>>
        %dma_start3A_1378 = tpu.memref_slice %arg7[%add3A_1363] : memref<1152xi32, #tpu.memory_space<vmem>> -> memref<32xi32, #tpu.memory_space<vmem>>
        %dma_start3A_1379 = arith.constant 0 : i32
        %dma_start3A_1380 = arith.constant 0 : i32
        %dma_start3A_1381 = tpu.memref_slice %arg3[%dma_start3A_1379, %dma_start3A_1380] : memref<10000x128xf32, #tpu.memory_space<hbm>> -> memref<10000x128xf32, #tpu.memory_space<hbm>>
        %dma_start3A_1382 = tpu.memref_slice %arg14[%select_n3A_1127] : memref<3x!tpu.dma_semaphore, #tpu.memory_space<semaphore_mem>> -> memref<1x!tpu.dma_semaphore, #tpu.memory_space<semaphore_mem>>
        %dma_start3A_1383 = tpu.memref_squeeze %dma_start3A_1382 : memref<1x!tpu.dma_semaphore, #tpu.memory_space<semaphore_mem>> -> memref<!tpu.dma_semaphore, #tpu.memory_space<semaphore_mem>>
        tpu.enqueue_indirect_dma source(%dma_start3A_1381 : memref<10000x128xf32, #tpu.memory_space<hbm>>) target(%dma_start3A_1377 : memref<32x128xf32, #tpu.memory_space<vmem>>) offsets(%dma_start3A_1378 : memref<32xi32, #tpu.memory_space<vmem>>) semaphore(%dma_start3A_1383 : memref<!tpu.dma_semaphore, #tpu.memory_space<semaphore_mem>>)
      } else {
      }
    }
    %while3A_964 = arith.constant 1 : i32
    scf.for %while3A_1097 = %while3A_962 to %while3A_958 step %while3A_964  : i32 {
      %jit3A_1098 = arith.constant 3 : i32
      %eq3A_1099 = arith.constant 0 : i32
      %eq3A_1100 = arith.cmpi eq, %jit3A_1098, %eq3A_1099 : i32
      %jit3A_1101 = arith.constant 1 : i32
      %select_n3A_1102 = arith.select %eq3A_1100, %jit3A_1101, %jit3A_1098 : i32
      %rem3A = arith.remsi %while3A_1097, %select_n3A_1102 : i32
      %ne3A = arith.constant 0 : i32
      %ne3A_1103 = arith.cmpi ne, %rem3A, %ne3A : i32
      %lt3A = arith.constant 0 : i32
      %lt3A_1104 = arith.cmpi slt, %rem3A, %lt3A : i32
      %lt3A_1105 = arith.constant 0 : i32
      %lt3A_1106 = arith.cmpi slt, %select_n3A_1102, %lt3A_1105 : i32
      %ne3A_1107 = arith.xori %lt3A_1104, %lt3A_1106 : i1
      %and3A = arith.andi %ne3A_1107, %ne3A_1103 : i1
      %add3A_1108 = arith.addi %rem3A, %select_n3A_1102 : i32
      %select_n3A_1109 = arith.select %and3A, %add3A_1108, %rem3A : i32
      %add3A_1110 = arith.constant 2 : i32
      %add3A_1111 = arith.addi %while3A_1097, %add3A_1110 : i32
      %jit3A_1112 = arith.constant 3 : i32
      %eq3A_1113 = arith.constant 0 : i32
      %eq3A_1114 = arith.cmpi eq, %jit3A_1112, %eq3A_1113 : i32
      %jit3A_1115 = arith.constant 1 : i32
      %select_n3A_1116 = arith.select %eq3A_1114, %jit3A_1115, %jit3A_1112 : i32
      %rem3A_1117 = arith.remsi %add3A_1111, %select_n3A_1116 : i32
      %ne3A_1118 = arith.constant 0 : i32
      %ne3A_1119 = arith.cmpi ne, %rem3A_1117, %ne3A_1118 : i32
      %lt3A_1120 = arith.constant 0 : i32
      %lt3A_1121 = arith.cmpi slt, %rem3A_1117, %lt3A_1120 : i32
      %lt3A_1122 = arith.constant 0 : i32
      %lt3A_1123 = arith.cmpi slt, %select_n3A_1116, %lt3A_1122 : i32
      %ne3A_1124 = arith.xori %lt3A_1121, %lt3A_1123 : i1
      %and3A_1125 = arith.andi %ne3A_1124, %ne3A_1119 : i1
      %add3A_1126 = arith.addi %rem3A_1117, %select_n3A_1116 : i32
      %select_n3A_1127 = arith.select %and3A_1125, %add3A_1126, %rem3A_1117 : i32
      %jit3A_1128 = arith.constant 6 : i32
      %div3A = arith.divsi %while3A_1097, %jit3A_1128 : i32
      %sign3A = arith.constant 0 : i32
      %sign3A_1129 = arith.cmpi sgt, %while3A_1097, %sign3A : i32
      %sign3A_1130 = arith.extui %sign3A_1129 : i1 to i32
      %sign3A_1131 = arith.constant 0 : i32
      %sign3A_1132 = arith.cmpi slt, %while3A_1097, %sign3A_1131 : i32
      %sign3A_1133 = arith.extui %sign3A_1132 : i1 to i32
      %sign3A_1134 = arith.subi %sign3A_1130, %sign3A_1133 : i32
      %sign3A_1135 = arith.constant 0 : i32
      %sign3A_1136 = arith.cmpi sgt, %jit3A_1128, %sign3A_1135 : i32
      %sign3A_1137 = arith.extui %sign3A_1136 : i1 to i32
      %sign3A_1138 = arith.constant 0 : i32
      %sign3A_1139 = arith.cmpi slt, %jit3A_1128, %sign3A_1138 : i32
      %sign3A_1140 = arith.extui %sign3A_1139 : i1 to i32
      %sign3A_1141 = arith.subi %sign3A_1137, %sign3A_1140 : i32
      %ne3A_1142 = arith.cmpi ne, %sign3A_1134, %sign3A_1141 : i32
      %rem3A_1143 = arith.remsi %while3A_1097, %jit3A_1128 : i32
      %ne3A_1144 = arith.constant 0 : i32
      %ne3A_1145 = arith.cmpi ne, %rem3A_1143, %ne3A_1144 : i32
      %and3A_1146 = arith.andi %ne3A_1142, %ne3A_1145 : i1
      %sub3A = arith.constant 1 : i32
      %sub3A_1147 = arith.subi %div3A, %sub3A : i32
      %select_n3A_1148 = arith.select %and3A_1146, %sub3A_1147, %div3A : i32
      %jit3A_1149 = arith.constant 6 : i32
      %eq3A_1150 = arith.constant 0 : i32
      %eq3A_1151 = arith.cmpi eq, %jit3A_1149, %eq3A_1150 : i32
      %jit3A_1152 = arith.constant 1 : i32
      %select_n3A_1153 = arith.select %eq3A_1151, %jit3A_1152, %jit3A_1149 : i32
      %rem3A_1154 = arith.remsi %while3A_1097, %select_n3A_1153 : i32
      %ne3A_1155 = arith.constant 0 : i32
      %ne3A_1156 = arith.cmpi ne, %rem3A_1154, %ne3A_1155 : i32
      %lt3A_1157 = arith.constant 0 : i32
      %lt3A_1158 = arith.cmpi slt, %rem3A_1154, %lt3A_1157 : i32
      %lt3A_1159 = arith.constant 0 : i32
      %lt3A_1160 = arith.cmpi slt, %select_n3A_1153, %lt3A_1159 : i32
      %ne3A_1161 = arith.xori %lt3A_1158, %lt3A_1160 : i1
      %and3A_1162 = arith.andi %ne3A_1161, %ne3A_1156 : i1
      %add3A_1163 = arith.addi %rem3A_1154, %select_n3A_1153 : i32
      %select_n3A_1164 = arith.select %and3A_1162, %add3A_1163, %rem3A_1154 : i32
      %jit3A_1165 = arith.constant 2 : i32
      %eq3A_1166 = arith.constant 0 : i32
      %eq3A_1167 = arith.cmpi eq, %jit3A_1165, %eq3A_1166 : i32
      %jit3A_1168 = arith.constant 1 : i32
      %select_n3A_1169 = arith.select %eq3A_1167, %jit3A_1168, %jit3A_1165 : i32
      %rem3A_1170 = arith.remsi %select_n3A_1148, %select_n3A_1169 : i32
      %ne3A_1171 = arith.constant 0 : i32
      %ne3A_1172 = arith.cmpi ne, %rem3A_1170, %ne3A_1171 : i32
      %lt3A_1173 = arith.constant 0 : i32
      %lt3A_1174 = arith.cmpi slt, %rem3A_1170, %lt3A_1173 : i32
      %lt3A_1175 = arith.constant 0 : i32
      %lt3A_1176 = arith.cmpi slt, %select_n3A_1169, %lt3A_1175 : i32
      %ne3A_1177 = arith.xori %lt3A_1174, %lt3A_1176 : i1
      %and3A_1178 = arith.andi %ne3A_1177, %ne3A_1172 : i1
      %add3A_1179 = arith.addi %rem3A_1170, %select_n3A_1169 : i32
      %select_n3A_1180 = arith.select %and3A_1178, %add3A_1179, %rem3A_1170 : i32
      %mul3A_1181 = arith.constant 3 : i32
      %mul3A_1182 = arith.muli %select_n3A_1180, %mul3A_1181 : i32
      %mul3A_1183 = arith.constant 192 : i32
      %mul3A_1184 = arith.muli %mul3A_1182, %mul3A_1183 : i32
      %add3A_1185 = arith.constant 0 : i32
      %add3A_1186 = arith.addi %mul3A_1184, %add3A_1185 : i32
      %mul3A_1187 = arith.constant 32 : i32
      %mul3A_1188 = arith.muli %select_n3A_1164, %mul3A_1187 : i32
      %add3A_1189 = arith.addi %add3A_1186, %mul3A_1188 : i32
      %mul3A_1190 = arith.constant 3 : i32
      %mul3A_1191 = arith.muli %select_n3A_1180, %mul3A_1190 : i32
      %mul3A_1192 = arith.constant 192 : i32
      %mul3A_1193 = arith.muli %mul3A_1191, %mul3A_1192 : i32
      %add3A_1194 = arith.constant 192 : i32
      %add3A_1195 = arith.addi %mul3A_1193, %add3A_1194 : i32
      %mul3A_1196 = arith.constant 32 : i32
      %mul3A_1197 = arith.muli %select_n3A_1164, %mul3A_1196 : i32
      %add3A_1198 = arith.addi %add3A_1195, %mul3A_1197 : i32
      %dma_wait3A_1199 = arith.constant 0 : i32
      %dma_wait3A_1200 = arith.constant 0 : i32
      %dma_wait3A_1201 = tpu.memref_slice %arg8[%select_n3A_1109, %dma_wait3A_1199, %dma_wait3A_1200] : memref<3x32x128xf32, #tpu.memory_space<vmem>> -> memref<1x32x128xf32, #tpu.memory_space<vmem>>
      %dma_wait3A_1202 = tpu.memref_squeeze %dma_wait3A_1201 : memref<1x32x128xf32, #tpu.memory_space<vmem>> -> memref<32x128xf32, #tpu.memory_space<vmem>>
      %dma_wait3A_1203 = tpu.memref_slice %arg7[%add3A_1189] : memref<1152xi32, #tpu.memory_space<vmem>> -> memref<32xi32, #tpu.memory_space<vmem>>
      %dma_wait3A_1204 = arith.constant 0 : i32
      %dma_wait3A_1205 = arith.constant 0 : i32
      %dma_wait3A_1206 = tpu.memref_slice %arg2[%dma_wait3A_1204, %dma_wait3A_1205] : memref<10000x128xf32, #tpu.memory_space<hbm>> -> memref<10000x128xf32, #tpu.memory_space<hbm>>
      %dma_wait3A_1207 = tpu.memref_slice %arg14[%select_n3A_1109] : memref<3x!tpu.dma_semaphore, #tpu.memory_space<semaphore_mem>> -> memref<1x!tpu.dma_semaphore, #tpu.memory_space<semaphore_mem>>
      %dma_wait3A_1208 = tpu.memref_squeeze %dma_wait3A_1207 : memref<1x!tpu.dma_semaphore, #tpu.memory_space<semaphore_mem>> -> memref<!tpu.dma_semaphore, #tpu.memory_space<semaphore_mem>>
      tpu.wait_indirect_dma semaphore(%dma_wait3A_1208 : memref<!tpu.dma_semaphore, #tpu.memory_space<semaphore_mem>>) src(%dma_wait3A_1206 : memref<10000x128xf32, #tpu.memory_space<hbm>>) dst(%dma_wait3A_1202 : memref<32x128xf32, #tpu.memory_space<vmem>>)
      %dma_wait3A_1209 = arith.constant 0 : i32
      %dma_wait3A_1210 = arith.constant 0 : i32
      %dma_wait3A_1211 = tpu.memref_slice %arg9[%select_n3A_1109, %dma_wait3A_1209, %dma_wait3A_1210] : memref<3x32x128xf32, #tpu.memory_space<vmem>> -> memref<1x32x128xf32, #tpu.memory_space<vmem>>
      %dma_wait3A_1212 = tpu.memref_squeeze %dma_wait3A_1211 : memref<1x32x128xf32, #tpu.memory_space<vmem>> -> memref<32x128xf32, #tpu.memory_space<vmem>>
      %dma_wait3A_1213 = tpu.memref_slice %arg7[%add3A_1198] : memref<1152xi32, #tpu.memory_space<vmem>> -> memref<32xi32, #tpu.memory_space<vmem>>
      %dma_wait3A_1214 = arith.constant 0 : i32
      %dma_wait3A_1215 = arith.constant 0 : i32
      %dma_wait3A_1216 = tpu.memref_slice %arg3[%dma_wait3A_1214, %dma_wait3A_1215] : memref<10000x128xf32, #tpu.memory_space<hbm>> -> memref<10000x128xf32, #tpu.memory_space<hbm>>
      %dma_wait3A_1217 = tpu.memref_slice %arg14[%select_n3A_1109] : memref<3x!tpu.dma_semaphore, #tpu.memory_space<semaphore_mem>> -> memref<1x!tpu.dma_semaphore, #tpu.memory_space<semaphore_mem>>
      %dma_wait3A_1218 = tpu.memref_squeeze %dma_wait3A_1217 : memref<1x!tpu.dma_semaphore, #tpu.memory_space<semaphore_mem>> -> memref<!tpu.dma_semaphore, #tpu.memory_space<semaphore_mem>>
      tpu.wait_indirect_dma semaphore(%dma_wait3A_1218 : memref<!tpu.dma_semaphore, #tpu.memory_space<semaphore_mem>>) src(%dma_wait3A_1216 : memref<10000x128xf32, #tpu.memory_space<hbm>>) dst(%dma_wait3A_1212 : memref<32x128xf32, #tpu.memory_space<vmem>>)
      %mul3A_1219 = arith.constant 3 : i32
      %mul3A_1220 = arith.muli %select_n3A_1180, %mul3A_1219 : i32
      %mul3A_1221 = arith.constant 192 : i32
      %mul3A_1222 = arith.muli %mul3A_1220, %mul3A_1221 : i32
      %add3A_1223 = arith.constant 384 : i32
      %add3A_1224 = arith.addi %mul3A_1222, %add3A_1223 : i32
      %mul3A_1225 = arith.constant 32 : i32
      %mul3A_1226 = arith.muli %select_n3A_1164, %mul3A_1225 : i32
      %add3A_1227 = arith.addi %add3A_1224, %mul3A_1226 : i32
      %dma_start3A_1228 = arith.constant 0 : i32
      %dma_start3A_1229 = arith.constant 0 : i32
      %dma_start3A_1230 = tpu.memref_slice %arg8[%select_n3A_1109, %dma_start3A_1228, %dma_start3A_1229] : memref<3x32x128xf32, #tpu.memory_space<vmem>> -> memref<1x32x128xf32, #tpu.memory_space<vmem>>
      %dma_start3A_1231 = tpu.memref_squeeze %dma_start3A_1230 : memref<1x32x128xf32, #tpu.memory_space<vmem>> -> memref<32x128xf32, #tpu.memory_space<vmem>>
      %dma_start3A_1232 = tpu.memref_slice %arg7[%add3A_1227] : memref<1152xi32, #tpu.memory_space<vmem>> -> memref<32xi32, #tpu.memory_space<vmem>>
      %dma_start3A_1233 = arith.constant 0 : i32
      %dma_start3A_1234 = arith.constant 0 : i32
      %dma_start3A_1235 = tpu.memref_slice %arg12[%dma_start3A_1233, %dma_start3A_1234] : memref<10240x128xf32, #tpu.memory_space<vmem_shared>> -> memref<10240x128xf32, #tpu.memory_space<vmem_shared>>
      %dma_start3A_1236 = tpu.memref_slice %arg15[%select_n3A_1109] : memref<3x!tpu.dma_semaphore, #tpu.memory_space<semaphore_mem>> -> memref<1x!tpu.dma_semaphore, #tpu.memory_space<semaphore_mem>>
      %dma_start3A_1237 = tpu.memref_squeeze %dma_start3A_1236 : memref<1x!tpu.dma_semaphore, #tpu.memory_space<semaphore_mem>> -> memref<!tpu.dma_semaphore, #tpu.memory_space<semaphore_mem>>
      tpu.enqueue_indirect_dma source(%dma_start3A_1231 : memref<32x128xf32, #tpu.memory_space<vmem>>) target(%dma_start3A_1235 : memref<10240x128xf32, #tpu.memory_space<vmem_shared>>) offsets(%dma_start3A_1232 : memref<32xi32, #tpu.memory_space<vmem>>) semaphore(%dma_start3A_1237 : memref<!tpu.dma_semaphore, #tpu.memory_space<semaphore_mem>>) {add = true}
      %dma_start3A_1238 = arith.constant 0 : i32
      %dma_start3A_1239 = arith.constant 0 : i32
      %dma_start3A_1240 = tpu.memref_slice %arg9[%select_n3A_1109, %dma_start3A_1238, %dma_start3A_1239] : memref<3x32x128xf32, #tpu.memory_space<vmem>> -> memref<1x32x128xf32, #tpu.memory_space<vmem>>
      %dma_start3A_1241 = tpu.memref_squeeze %dma_start3A_1240 : memref<1x32x128xf32, #tpu.memory_space<vmem>> -> memref<32x128xf32, #tpu.memory_space<vmem>>
      %dma_start3A_1242 = tpu.memref_slice %arg7[%add3A_1227] : memref<1152xi32, #tpu.memory_space<vmem>> -> memref<32xi32, #tpu.memory_space<vmem>>
      %dma_start3A_1243 = arith.constant 0 : i32
      %dma_start3A_1244 = arith.constant 0 : i32
      %dma_start3A_1245 = tpu.memref_slice %arg12[%dma_start3A_1243, %dma_start3A_1244] : memref<10240x128xf32, #tpu.memory_space<vmem_shared>> -> memref<10240x128xf32, #tpu.memory_space<vmem_shared>>
      %dma_start3A_1246 = tpu.memref_slice %arg15[%select_n3A_1109] : memref<3x!tpu.dma_semaphore, #tpu.memory_space<semaphore_mem>> -> memref<1x!tpu.dma_semaphore, #tpu.memory_space<semaphore_mem>>
      %dma_start3A_1247 = tpu.memref_squeeze %dma_start3A_1246 : memref<1x!tpu.dma_semaphore, #tpu.memory_space<semaphore_mem>> -> memref<!tpu.dma_semaphore, #tpu.memory_space<semaphore_mem>>
      tpu.enqueue_indirect_dma source(%dma_start3A_1241 : memref<32x128xf32, #tpu.memory_space<vmem>>) target(%dma_start3A_1245 : memref<10240x128xf32, #tpu.memory_space<vmem_shared>>) offsets(%dma_start3A_1242 : memref<32xi32, #tpu.memory_space<vmem>>) semaphore(%dma_start3A_1247 : memref<!tpu.dma_semaphore, #tpu.memory_space<semaphore_mem>>) {add = true}
      %dma_start3A_1248 = tpu.memref_slice %arg7[%add3A_1227] : memref<1152xi32, #tpu.memory_space<vmem>> -> memref<32xi32, #tpu.memory_space<vmem>>
      %dma_start3A_1249 = arith.constant 0 : i32
      %dma_start3A_1250 = tpu.memref_slice %arg13[%dma_start3A_1249] : memref<10240xf32, #tpu.memory_space<vmem_shared>> -> memref<10240xf32, #tpu.memory_space<vmem_shared>>
      %dma_start3A_1251 = tpu.memref_slice %arg15[%select_n3A_1109] : memref<3x!tpu.dma_semaphore, #tpu.memory_space<semaphore_mem>> -> memref<1x!tpu.dma_semaphore, #tpu.memory_space<semaphore_mem>>
      %dma_start3A_1252 = tpu.memref_squeeze %dma_start3A_1251 : memref<1x!tpu.dma_semaphore, #tpu.memory_space<semaphore_mem>> -> memref<!tpu.dma_semaphore, #tpu.memory_space<semaphore_mem>>
      tpu.enqueue_indirect_dma source(%arg10 : memref<32xf32, #tpu.memory_space<vmem>>) target(%dma_start3A_1250 : memref<10240xf32, #tpu.memory_space<vmem_shared>>) offsets(%dma_start3A_1248 : memref<32xi32, #tpu.memory_space<vmem>>) semaphore(%dma_start3A_1252 : memref<!tpu.dma_semaphore, #tpu.memory_space<semaphore_mem>>) {add = true}
      %ge3A = arith.constant 1 : i32
      %ge3A_1253 = arith.cmpi sge, %while3A_1097, %ge3A : i32
      %add3A_1254 = arith.constant 2 : i32
      %add3A_1255 = arith.addi %while3A_1097, %add3A_1254 : i32
      %lt3A_1256 = arith.cmpi slt, %add3A_1255, %mul3A_8 : i32
      %and3A_1257 = arith.andi %ge3A_1253, %lt3A_1256 : i1
      %convert_element_type3A_1258 = arith.extui %and3A_1257 : i1 to i32
      %cond3A_1259 = arith.constant 0 : i32
      %cond3A_1260 = arith.cmpi ne, %convert_element_type3A_1258, %cond3A_1259 : i32
      scf.if %cond3A_1260 {
        %mul3A_1288 = arith.constant 3 : i32
        %mul3A_1289 = arith.muli %select_n3A_1180, %mul3A_1288 : i32
        %mul3A_1290 = arith.constant 192 : i32
        %mul3A_1291 = arith.muli %mul3A_1289, %mul3A_1290 : i32
        %add3A_1292 = arith.constant 384 : i32
        %add3A_1293 = arith.addi %mul3A_1291, %add3A_1292 : i32
        %mul3A_1294 = arith.constant 32 : i32
        %mul3A_1295 = arith.muli %select_n3A_1164, %mul3A_1294 : i32
        %add3A_1296 = arith.addi %add3A_1293, %mul3A_1295 : i32
        %dma_wait3A_1297 = arith.constant 0 : i32
        %dma_wait3A_1298 = arith.constant 0 : i32
        %dma_wait3A_1299 = tpu.memref_slice %arg8[%select_n3A_1127, %dma_wait3A_1297, %dma_wait3A_1298] : memref<3x32x128xf32, #tpu.memory_space<vmem>> -> memref<1x32x128xf32, #tpu.memory_space<vmem>>
        %dma_wait3A_1300 = tpu.memref_squeeze %dma_wait3A_1299 : memref<1x32x128xf32, #tpu.memory_space<vmem>> -> memref<32x128xf32, #tpu.memory_space<vmem>>
        %dma_wait3A_1301 = tpu.memref_slice %arg7[%add3A_1296] : memref<1152xi32, #tpu.memory_space<vmem>> -> memref<32xi32, #tpu.memory_space<vmem>>
        %dma_wait3A_1302 = arith.constant 0 : i32
        %dma_wait3A_1303 = arith.constant 0 : i32
        %dma_wait3A_1304 = tpu.memref_slice %arg12[%dma_wait3A_1302, %dma_wait3A_1303] : memref<10240x128xf32, #tpu.memory_space<vmem_shared>> -> memref<10240x128xf32, #tpu.memory_space<vmem_shared>>
        %dma_wait3A_1305 = tpu.memref_slice %arg15[%select_n3A_1127] : memref<3x!tpu.dma_semaphore, #tpu.memory_space<semaphore_mem>> -> memref<1x!tpu.dma_semaphore, #tpu.memory_space<semaphore_mem>>
        %dma_wait3A_1306 = tpu.memref_squeeze %dma_wait3A_1305 : memref<1x!tpu.dma_semaphore, #tpu.memory_space<semaphore_mem>> -> memref<!tpu.dma_semaphore, #tpu.memory_space<semaphore_mem>>
        tpu.wait_indirect_dma semaphore(%dma_wait3A_1306 : memref<!tpu.dma_semaphore, #tpu.memory_space<semaphore_mem>>) src(%dma_wait3A_1300 : memref<32x128xf32, #tpu.memory_space<vmem>>) dst(%dma_wait3A_1304 : memref<10240x128xf32, #tpu.memory_space<vmem_shared>>)
        %dma_wait3A_1307 = arith.constant 0 : i32
        %dma_wait3A_1308 = arith.constant 0 : i32
        %dma_wait3A_1309 = tpu.memref_slice %arg9[%select_n3A_1127, %dma_wait3A_1307, %dma_wait3A_1308] : memref<3x32x128xf32, #tpu.memory_space<vmem>> -> memref<1x32x128xf32, #tpu.memory_space<vmem>>
        %dma_wait3A_1310 = tpu.memref_squeeze %dma_wait3A_1309 : memref<1x32x128xf32, #tpu.memory_space<vmem>> -> memref<32x128xf32, #tpu.memory_space<vmem>>
        %dma_wait3A_1311 = tpu.memref_slice %arg7[%add3A_1296] : memref<1152xi32, #tpu.memory_space<vmem>> -> memref<32xi32, #tpu.memory_space<vmem>>
        %dma_wait3A_1312 = arith.constant 0 : i32
        %dma_wait3A_1313 = arith.constant 0 : i32
        %dma_wait3A_1314 = tpu.memref_slice %arg12[%dma_wait3A_1312, %dma_wait3A_1313] : memref<10240x128xf32, #tpu.memory_space<vmem_shared>> -> memref<10240x128xf32, #tpu.memory_space<vmem_shared>>
        %dma_wait3A_1315 = tpu.memref_slice %arg15[%select_n3A_1127] : memref<3x!tpu.dma_semaphore, #tpu.memory_space<semaphore_mem>> -> memref<1x!tpu.dma_semaphore, #tpu.memory_space<semaphore_mem>>
        %dma_wait3A_1316 = tpu.memref_squeeze %dma_wait3A_1315 : memref<1x!tpu.dma_semaphore, #tpu.memory_space<semaphore_mem>> -> memref<!tpu.dma_semaphore, #tpu.memory_space<semaphore_mem>>
        tpu.wait_indirect_dma semaphore(%dma_wait3A_1316 : memref<!tpu.dma_semaphore, #tpu.memory_space<semaphore_mem>>) src(%dma_wait3A_1310 : memref<32x128xf32, #tpu.memory_space<vmem>>) dst(%dma_wait3A_1314 : memref<10240x128xf32, #tpu.memory_space<vmem_shared>>)
        %dma_wait3A_1317 = tpu.memref_slice %arg7[%add3A_1296] : memref<1152xi32, #tpu.memory_space<vmem>> -> memref<32xi32, #tpu.memory_space<vmem>>
        %dma_wait3A_1318 = arith.constant 0 : i32
        %dma_wait3A_1319 = tpu.memref_slice %arg13[%dma_wait3A_1318] : memref<10240xf32, #tpu.memory_space<vmem_shared>> -> memref<10240xf32, #tpu.memory_space<vmem_shared>>
        %dma_wait3A_1320 = tpu.memref_slice %arg15[%select_n3A_1127] : memref<3x!tpu.dma_semaphore, #tpu.memory_space<semaphore_mem>> -> memref<1x!tpu.dma_semaphore, #tpu.memory_space<semaphore_mem>>
        %dma_wait3A_1321 = tpu.memref_squeeze %dma_wait3A_1320 : memref<1x!tpu.dma_semaphore, #tpu.memory_space<semaphore_mem>> -> memref<!tpu.dma_semaphore, #tpu.memory_space<semaphore_mem>>
        tpu.wait_indirect_dma semaphore(%dma_wait3A_1321 : memref<!tpu.dma_semaphore, #tpu.memory_space<semaphore_mem>>) src(%arg10 : memref<32xf32, #tpu.memory_space<vmem>>) dst(%dma_wait3A_1319 : memref<10240xf32, #tpu.memory_space<vmem_shared>>)
      } else {
      }
      %eq3A_1261 = arith.constant 0 : i32
      %eq3A_1262 = arith.cmpi eq, %select_n3A_1164, %eq3A_1261 : i32
      %ge3A_1263 = arith.constant 1 : i32
      %ge3A_1264 = arith.cmpi sge, %while3A_1097, %ge3A_1263 : i32
      %and3A_1265 = arith.andi %eq3A_1262, %ge3A_1264 : i1
      %add3A_1266 = arith.constant 1 : i32
      %add3A_1267 = arith.addi %select_n3A_1148, %add3A_1266 : i32
      %lt3A_1268 = arith.cmpi slt, %add3A_1267, %select_n3A_6 : i32
      %and3A_1269 = arith.andi %and3A_1265, %lt3A_1268 : i1
      %convert_element_type3A_1270 = arith.extui %and3A_1269 : i1 to i32
      %cond3A_1271 = arith.constant 0 : i32
      %cond3A_1272 = arith.cmpi ne, %convert_element_type3A_1270, %cond3A_1271 : i32
      scf.if %cond3A_1272 {
        %add3A_1288 = arith.constant 1 : i32
        %add3A_1289 = arith.addi %select_n3A_1148, %add3A_1288 : i32
        %sub3A_1290 = arith.constant 1 : i32
        %sub3A_1291 = arith.subi %sub3A_1290, %select_n3A_1180 : i32
        %mul3A_1292 = arith.constant 6 : i32
        %mul3A_1293 = arith.muli %add3A_1289, %mul3A_1292 : i32
        %add3A_1294 = arith.addi %select_n3A, %mul3A_1293 : i32
        %mul3A_1295 = arith.constant 32 : i32
        %mul3A_1296 = arith.muli %add3A_1294, %mul3A_1295 : i32
        %add3A_1297 = arith.constant 0 : i32
        %add3A_1298 = arith.addi %add3A_1297, %mul3A_1296 : i32
        %mul3A_1299 = arith.constant 3 : i32
        %mul3A_1300 = arith.muli %sub3A_1291, %mul3A_1299 : i32
        %mul3A_1301 = arith.constant 192 : i32
        %mul3A_1302 = arith.muli %mul3A_1300, %mul3A_1301 : i32
        %add3A_1303 = arith.constant 0 : i32
        %add3A_1304 = arith.addi %mul3A_1302, %add3A_1303 : i32
        %dma_start3A_1305 = tpu.memref_slice %arg7[%add3A_1304] : memref<1152xi32, #tpu.memory_space<vmem>> -> memref<192xi32, #tpu.memory_space<vmem>>
        %dma_start3A_1306 = tpu.memref_slice %arg4[%add3A_1298] : memref<976896xi32, #tpu.memory_space<hbm>> -> memref<192xi32, #tpu.memory_space<hbm>>
        %dma_start3A_1307 = tpu.memref_slice %arg7[%add3A_1304] : memref<1152xi32, #tpu.memory_space<vmem>> -> memref<192xi32, #tpu.memory_space<vmem>>
        %dma_start3A_1308 = tpu.memref_slice %arg4[%add3A_1298] : memref<976896xi32, #tpu.memory_space<hbm>> -> memref<192xi32, #tpu.memory_space<hbm>>
        tpu.enqueue_dma source(%dma_start3A_1308 : memref<192xi32, #tpu.memory_space<hbm>>) target(%dma_start3A_1307 : memref<192xi32, #tpu.memory_space<vmem>>) target_semaphore(%arg16 : memref<!tpu.dma_semaphore, #tpu.memory_space<semaphore_mem>>)
        %add3A_1309 = arith.constant 325632 : i32
        %add3A_1310 = arith.addi %add3A_1309, %mul3A_1296 : i32
        %mul3A_1311 = arith.constant 3 : i32
        %mul3A_1312 = arith.muli %sub3A_1291, %mul3A_1311 : i32
        %mul3A_1313 = arith.constant 192 : i32
        %mul3A_1314 = arith.muli %mul3A_1312, %mul3A_1313 : i32
        %add3A_1315 = arith.constant 192 : i32
        %add3A_1316 = arith.addi %mul3A_1314, %add3A_1315 : i32
        %dma_start3A_1317 = tpu.memref_slice %arg7[%add3A_1316] : memref<1152xi32, #tpu.memory_space<vmem>> -> memref<192xi32, #tpu.memory_space<vmem>>
        %dma_start3A_1318 = tpu.memref_slice %arg4[%add3A_1310] : memref<976896xi32, #tpu.memory_space<hbm>> -> memref<192xi32, #tpu.memory_space<hbm>>
        %dma_start3A_1319 = tpu.memref_slice %arg7[%add3A_1316] : memref<1152xi32, #tpu.memory_space<vmem>> -> memref<192xi32, #tpu.memory_space<vmem>>
        %dma_start3A_1320 = tpu.memref_slice %arg4[%add3A_1310] : memref<976896xi32, #tpu.memory_space<hbm>> -> memref<192xi32, #tpu.memory_space<hbm>>
        tpu.enqueue_dma source(%dma_start3A_1320 : memref<192xi32, #tpu.memory_space<hbm>>) target(%dma_start3A_1319 : memref<192xi32, #tpu.memory_space<vmem>>) target_semaphore(%arg16 : memref<!tpu.dma_semaphore, #tpu.memory_space<semaphore_mem>>)
        %add3A_1321 = arith.constant 651264 : i32
        %add3A_1322 = arith.addi %add3A_1321, %mul3A_1296 : i32
        %mul3A_1323 = arith.constant 3 : i32
        %mul3A_1324 = arith.muli %sub3A_1291, %mul3A_1323 : i32
        %mul3A_1325 = arith.constant 192 : i32
        %mul3A_1326 = arith.muli %mul3A_1324, %mul3A_1325 : i32
        %add3A_1327 = arith.constant 384 : i32
        %add3A_1328 = arith.addi %mul3A_1326, %add3A_1327 : i32
        %dma_start3A_1329 = tpu.memref_slice %arg7[%add3A_1328] : memref<1152xi32, #tpu.memory_space<vmem>> -> memref<192xi32, #tpu.memory_space<vmem>>
        %dma_start3A_1330 = tpu.memref_slice %arg4[%add3A_1322] : memref<976896xi32, #tpu.memory_space<hbm>> -> memref<192xi32, #tpu.memory_space<hbm>>
        %dma_start3A_1331 = tpu.memref_slice %arg7[%add3A_1328] : memref<1152xi32, #tpu.memory_space<vmem>> -> memref<192xi32, #tpu.memory_space<vmem>>
        %dma_start3A_1332 = tpu.memref_slice %arg4[%add3A_1322] : memref<976896xi32, #tpu.memory_space<hbm>> -> memref<192xi32, #tpu.memory_space<hbm>>
        tpu.enqueue_dma source(%dma_start3A_1332 : memref<192xi32, #tpu.memory_space<hbm>>) target(%dma_start3A_1331 : memref<192xi32, #tpu.memory_space<vmem>>) target_semaphore(%arg16 : memref<!tpu.dma_semaphore, #tpu.memory_space<semaphore_mem>>)
      } else {
      }
      %eq3A_1273 = arith.constant 4 : i32
      %eq3A_1274 = arith.cmpi eq, %select_n3A_1164, %eq3A_1273 : i32
      %add3A_1275 = arith.constant 1 : i32
      %add3A_1276 = arith.addi %select_n3A_1148, %add3A_1275 : i32
      %lt3A_1277 = arith.cmpi slt, %add3A_1276, %select_n3A_6 : i32
      %and3A_1278 = arith.andi %eq3A_1274, %lt3A_1277 : i1
      %convert_element_type3A_1279 = arith.extui %and3A_1278 : i1 to i32
      %cond3A_1280 = arith.constant 0 : i32
      %cond3A_1281 = arith.cmpi ne, %convert_element_type3A_1279, %cond3A_1280 : i32
      scf.if %cond3A_1281 {
        %add3A_1288 = arith.constant 1 : i32
        %add3A_1289 = arith.addi %select_n3A_1148, %add3A_1288 : i32
        %sub3A_1290 = arith.constant 1 : i32
        %sub3A_1291 = arith.subi %sub3A_1290, %select_n3A_1180 : i32
        %mul3A_1292 = arith.constant 6 : i32
        %mul3A_1293 = arith.muli %add3A_1289, %mul3A_1292 : i32
        %add3A_1294 = arith.addi %select_n3A, %mul3A_1293 : i32
        %mul3A_1295 = arith.constant 32 : i32
        %mul3A_1296 = arith.muli %add3A_1294, %mul3A_1295 : i32
        %add3A_1297 = arith.constant 0 : i32
        %add3A_1298 = arith.addi %add3A_1297, %mul3A_1296 : i32
        %mul3A_1299 = arith.constant 3 : i32
        %mul3A_1300 = arith.muli %sub3A_1291, %mul3A_1299 : i32
        %mul3A_1301 = arith.constant 192 : i32
        %mul3A_1302 = arith.muli %mul3A_1300, %mul3A_1301 : i32
        %add3A_1303 = arith.constant 0 : i32
        %add3A_1304 = arith.addi %mul3A_1302, %add3A_1303 : i32
        %dma_wait3A_1305 = tpu.memref_slice %arg7[%add3A_1304] : memref<1152xi32, #tpu.memory_space<vmem>> -> memref<192xi32, #tpu.memory_space<vmem>>
        %dma_wait3A_1306 = tpu.memref_slice %arg4[%add3A_1298] : memref<976896xi32, #tpu.memory_space<hbm>> -> memref<192xi32, #tpu.memory_space<hbm>>
        %dma_wait3A_1307 = tpu.memref_slice %arg7[%add3A_1304] : memref<1152xi32, #tpu.memory_space<vmem>> -> memref<192xi32, #tpu.memory_space<vmem>>
        %dma_wait3A_1308 = tpu.memref_slice %arg4[%add3A_1298] : memref<976896xi32, #tpu.memory_space<hbm>> -> memref<192xi32, #tpu.memory_space<hbm>>
        tpu.wait_dma2 semaphore(%arg16 : memref<!tpu.dma_semaphore, #tpu.memory_space<semaphore_mem>>) src(%dma_wait3A_1308 : memref<192xi32, #tpu.memory_space<hbm>>) dst(%dma_wait3A_1307 : memref<192xi32, #tpu.memory_space<vmem>>)
        %add3A_1309 = arith.constant 325632 : i32
        %add3A_1310 = arith.addi %add3A_1309, %mul3A_1296 : i32
        %mul3A_1311 = arith.constant 3 : i32
        %mul3A_1312 = arith.muli %sub3A_1291, %mul3A_1311 : i32
        %mul3A_1313 = arith.constant 192 : i32
        %mul3A_1314 = arith.muli %mul3A_1312, %mul3A_1313 : i32
        %add3A_1315 = arith.constant 192 : i32
        %add3A_1316 = arith.addi %mul3A_1314, %add3A_1315 : i32
        %dma_wait3A_1317 = tpu.memref_slice %arg7[%add3A_1316] : memref<1152xi32, #tpu.memory_space<vmem>> -> memref<192xi32, #tpu.memory_space<vmem>>
        %dma_wait3A_1318 = tpu.memref_slice %arg4[%add3A_1310] : memref<976896xi32, #tpu.memory_space<hbm>> -> memref<192xi32, #tpu.memory_space<hbm>>
        %dma_wait3A_1319 = tpu.memref_slice %arg7[%add3A_1316] : memref<1152xi32, #tpu.memory_space<vmem>> -> memref<192xi32, #tpu.memory_space<vmem>>
        %dma_wait3A_1320 = tpu.memref_slice %arg4[%add3A_1310] : memref<976896xi32, #tpu.memory_space<hbm>> -> memref<192xi32, #tpu.memory_space<hbm>>
        tpu.wait_dma2 semaphore(%arg16 : memref<!tpu.dma_semaphore, #tpu.memory_space<semaphore_mem>>) src(%dma_wait3A_1320 : memref<192xi32, #tpu.memory_space<hbm>>) dst(%dma_wait3A_1319 : memref<192xi32, #tpu.memory_space<vmem>>)
        %add3A_1321 = arith.constant 651264 : i32
        %add3A_1322 = arith.addi %add3A_1321, %mul3A_1296 : i32
        %mul3A_1323 = arith.constant 3 : i32
        %mul3A_1324 = arith.muli %sub3A_1291, %mul3A_1323 : i32
        %mul3A_1325 = arith.constant 192 : i32
        %mul3A_1326 = arith.muli %mul3A_1324, %mul3A_1325 : i32
        %add3A_1327 = arith.constant 384 : i32
        %add3A_1328 = arith.addi %mul3A_1326, %add3A_1327 : i32
        %dma_wait3A_1329 = tpu.memref_slice %arg7[%add3A_1328] : memref<1152xi32, #tpu.memory_space<vmem>> -> memref<192xi32, #tpu.memory_space<vmem>>
        %dma_wait3A_1330 = tpu.memref_slice %arg4[%add3A_1322] : memref<976896xi32, #tpu.memory_space<hbm>> -> memref<192xi32, #tpu.memory_space<hbm>>
        %dma_wait3A_1331 = tpu.memref_slice %arg7[%add3A_1328] : memref<1152xi32, #tpu.memory_space<vmem>> -> memref<192xi32, #tpu.memory_space<vmem>>
        %dma_wait3A_1332 = tpu.memref_slice %arg4[%add3A_1322] : memref<976896xi32, #tpu.memory_space<hbm>> -> memref<192xi32, #tpu.memory_space<hbm>>
        tpu.wait_dma2 semaphore(%arg16 : memref<!tpu.dma_semaphore, #tpu.memory_space<semaphore_mem>>) src(%dma_wait3A_1332 : memref<192xi32, #tpu.memory_space<hbm>>) dst(%dma_wait3A_1331 : memref<192xi32, #tpu.memory_space<vmem>>)
      } else {
      }
      %add3A_1282 = arith.constant 2 : i32
      %add3A_1283 = arith.addi %while3A_1097, %add3A_1282 : i32
      %lt3A_1284 = arith.cmpi slt, %add3A_1283, %mul3A_8 : i32
      %convert_element_type3A_1285 = arith.extui %lt3A_1284 : i1 to i32
      %cond3A_1286 = arith.constant 0 : i32
      %cond3A_1287 = arith.cmpi ne, %convert_element_type3A_1285, %cond3A_1286 : i32
      scf.if %cond3A_1287 {
        %add3A_1288 = arith.constant 2 : i32
        %add3A_1289 = arith.addi %while3A_1097, %add3A_1288 : i32
        %jit3A_1290 = arith.constant 6 : i32
        %div3A_1291 = arith.divsi %add3A_1289, %jit3A_1290 : i32
        %sign3A_1292 = arith.constant 0 : i32
        %sign3A_1293 = arith.cmpi sgt, %add3A_1289, %sign3A_1292 : i32
        %sign3A_1294 = arith.extui %sign3A_1293 : i1 to i32
        %sign3A_1295 = arith.constant 0 : i32
        %sign3A_1296 = arith.cmpi slt, %add3A_1289, %sign3A_1295 : i32
        %sign3A_1297 = arith.extui %sign3A_1296 : i1 to i32
        %sign3A_1298 = arith.subi %sign3A_1294, %sign3A_1297 : i32
        %sign3A_1299 = arith.constant 0 : i32
        %sign3A_1300 = arith.cmpi sgt, %jit3A_1290, %sign3A_1299 : i32
        %sign3A_1301 = arith.extui %sign3A_1300 : i1 to i32
        %sign3A_1302 = arith.constant 0 : i32
        %sign3A_1303 = arith.cmpi slt, %jit3A_1290, %sign3A_1302 : i32
        %sign3A_1304 = arith.extui %sign3A_1303 : i1 to i32
        %sign3A_1305 = arith.subi %sign3A_1301, %sign3A_1304 : i32
        %ne3A_1306 = arith.cmpi ne, %sign3A_1298, %sign3A_1305 : i32
        %rem3A_1307 = arith.remsi %add3A_1289, %jit3A_1290 : i32
        %ne3A_1308 = arith.constant 0 : i32
        %ne3A_1309 = arith.cmpi ne, %rem3A_1307, %ne3A_1308 : i32
        %and3A_1310 = arith.andi %ne3A_1306, %ne3A_1309 : i1
        %sub3A_1311 = arith.constant 1 : i32
        %sub3A_1312 = arith.subi %div3A_1291, %sub3A_1311 : i32
        %select_n3A_1313 = arith.select %and3A_1310, %sub3A_1312, %div3A_1291 : i32
        %jit3A_1314 = arith.constant 2 : i32
        %eq3A_1315 = arith.constant 0 : i32
        %eq3A_1316 = arith.cmpi eq, %jit3A_1314, %eq3A_1315 : i32
        %jit3A_1317 = arith.constant 1 : i32
        %select_n3A_1318 = arith.select %eq3A_1316, %jit3A_1317, %jit3A_1314 : i32
        %rem3A_1319 = arith.remsi %select_n3A_1313, %select_n3A_1318 : i32
        %ne3A_1320 = arith.constant 0 : i32
        %ne3A_1321 = arith.cmpi ne, %rem3A_1319, %ne3A_1320 : i32
        %lt3A_1322 = arith.constant 0 : i32
        %lt3A_1323 = arith.cmpi slt, %rem3A_1319, %lt3A_1322 : i32
        %lt3A_1324 = arith.constant 0 : i32
        %lt3A_1325 = arith.cmpi slt, %select_n3A_1318, %lt3A_1324 : i32
        %ne3A_1326 = arith.xori %lt3A_1323, %lt3A_1325 : i1
        %and3A_1327 = arith.andi %ne3A_1326, %ne3A_1321 : i1
        %add3A_1328 = arith.addi %rem3A_1319, %select_n3A_1318 : i32
        %select_n3A_1329 = arith.select %and3A_1327, %add3A_1328, %rem3A_1319 : i32
        %jit3A_1330 = arith.constant 6 : i32
        %eq3A_1331 = arith.constant 0 : i32
        %eq3A_1332 = arith.cmpi eq, %jit3A_1330, %eq3A_1331 : i32
        %jit3A_1333 = arith.constant 1 : i32
        %select_n3A_1334 = arith.select %eq3A_1332, %jit3A_1333, %jit3A_1330 : i32
        %rem3A_1335 = arith.remsi %add3A_1289, %select_n3A_1334 : i32
        %ne3A_1336 = arith.constant 0 : i32
        %ne3A_1337 = arith.cmpi ne, %rem3A_1335, %ne3A_1336 : i32
        %lt3A_1338 = arith.constant 0 : i32
        %lt3A_1339 = arith.cmpi slt, %rem3A_1335, %lt3A_1338 : i32
        %lt3A_1340 = arith.constant 0 : i32
        %lt3A_1341 = arith.cmpi slt, %select_n3A_1334, %lt3A_1340 : i32
        %ne3A_1342 = arith.xori %lt3A_1339, %lt3A_1341 : i1
        %and3A_1343 = arith.andi %ne3A_1342, %ne3A_1337 : i1
        %add3A_1344 = arith.addi %rem3A_1335, %select_n3A_1334 : i32
        %select_n3A_1345 = arith.select %and3A_1343, %add3A_1344, %rem3A_1335 : i32
        %mul3A_1346 = arith.constant 3 : i32
        %mul3A_1347 = arith.muli %select_n3A_1329, %mul3A_1346 : i32
        %mul3A_1348 = arith.constant 192 : i32
        %mul3A_1349 = arith.muli %mul3A_1347, %mul3A_1348 : i32
        %add3A_1350 = arith.constant 0 : i32
        %add3A_1351 = arith.addi %mul3A_1349, %add3A_1350 : i32
        %mul3A_1352 = arith.constant 32 : i32
        %mul3A_1353 = arith.muli %select_n3A_1345, %mul3A_1352 : i32
        %add3A_1354 = arith.addi %add3A_1351, %mul3A_1353 : i32
        %mul3A_1355 = arith.constant 3 : i32
        %mul3A_1356 = arith.muli %select_n3A_1329, %mul3A_1355 : i32
        %mul3A_1357 = arith.constant 192 : i32
        %mul3A_1358 = arith.muli %mul3A_1356, %mul3A_1357 : i32
        %add3A_1359 = arith.constant 192 : i32
        %add3A_1360 = arith.addi %mul3A_1358, %add3A_1359 : i32
        %mul3A_1361 = arith.constant 32 : i32
        %mul3A_1362 = arith.muli %select_n3A_1345, %mul3A_1361 : i32
        %add3A_1363 = arith.addi %add3A_1360, %mul3A_1362 : i32
        %dma_start3A_1364 = arith.constant 0 : i32
        %dma_start3A_1365 = arith.constant 0 : i32
        %dma_start3A_1366 = tpu.memref_slice %arg8[%select_n3A_1127, %dma_start3A_1364, %dma_start3A_1365] : memref<3x32x128xf32, #tpu.memory_space<vmem>> -> memref<1x32x128xf32, #tpu.memory_space<vmem>>
        %dma_start3A_1367 = tpu.memref_squeeze %dma_start3A_1366 : memref<1x32x128xf32, #tpu.memory_space<vmem>> -> memref<32x128xf32, #tpu.memory_space<vmem>>
        %dma_start3A_1368 = tpu.memref_slice %arg7[%add3A_1354] : memref<1152xi32, #tpu.memory_space<vmem>> -> memref<32xi32, #tpu.memory_space<vmem>>
        %dma_start3A_1369 = arith.constant 0 : i32
        %dma_start3A_1370 = arith.constant 0 : i32
        %dma_start3A_1371 = tpu.memref_slice %arg2[%dma_start3A_1369, %dma_start3A_1370] : memref<10000x128xf32, #tpu.memory_space<hbm>> -> memref<10000x128xf32, #tpu.memory_space<hbm>>
        %dma_start3A_1372 = tpu.memref_slice %arg14[%select_n3A_1127] : memref<3x!tpu.dma_semaphore, #tpu.memory_space<semaphore_mem>> -> memref<1x!tpu.dma_semaphore, #tpu.memory_space<semaphore_mem>>
        %dma_start3A_1373 = tpu.memref_squeeze %dma_start3A_1372 : memref<1x!tpu.dma_semaphore, #tpu.memory_space<semaphore_mem>> -> memref<!tpu.dma_semaphore, #tpu.memory_space<semaphore_mem>>
        tpu.enqueue_indirect_dma source(%dma_start3A_1371 : memref<10000x128xf32, #tpu.memory_space<hbm>>) target(%dma_start3A_1367 : memref<32x128xf32, #tpu.memory_space<vmem>>) offsets(%dma_start3A_1368 : memref<32xi32, #tpu.memory_space<vmem>>) semaphore(%dma_start3A_1373 : memref<!tpu.dma_semaphore, #tpu.memory_space<semaphore_mem>>)
        %dma_start3A_1374 = arith.constant 0 : i32
        %dma_start3A_1375 = arith.constant 0 : i32
        %dma_start3A_1376 = tpu.memref_slice %arg9[%select_n3A_1127, %dma_start3A_1374, %dma_start3A_1375] : memref<3x32x128xf32, #tpu.memory_space<vmem>> -> memref<1x32x128xf32, #tpu.memory_space<vmem>>
        %dma_start3A_1377 = tpu.memref_squeeze %dma_start3A_1376 : memref<1x32x128xf32, #tpu.memory_space<vmem>> -> memref<32x128xf32, #tpu.memory_space<vmem>>
        %dma_start3A_1378 = tpu.memref_slice %arg7[%add3A_1363] : memref<1152xi32, #tpu.memory_space<vmem>> -> memref<32xi32, #tpu.memory_space<vmem>>
        %dma_start3A_1379 = arith.constant 0 : i32
        %dma_start3A_1380 = arith.constant 0 : i32
        %dma_start3A_1381 = tpu.memref_slice %arg3[%dma_start3A_1379, %dma_start3A_1380] : memref<10000x128xf32, #tpu.memory_space<hbm>> -> memref<10000x128xf32, #tpu.memory_space<hbm>>
        %dma_start3A_1382 = tpu.memref_slice %arg14[%select_n3A_1127] : memref<3x!tpu.dma_semaphore, #tpu.memory_space<semaphore_mem>> -> memref<1x!tpu.dma_semaphore, #tpu.memory_space<semaphore_mem>>
        %dma_start3A_1383 = tpu.memref_squeeze %dma_start3A_1382 : memref<1x!tpu.dma_semaphore, #tpu.memory_space<semaphore_mem>> -> memref<!tpu.dma_semaphore, #tpu.memory_space<semaphore_mem>>
        tpu.enqueue_indirect_dma source(%dma_start3A_1381 : memref<10000x128xf32, #tpu.memory_space<hbm>>) target(%dma_start3A_1377 : memref<32x128xf32, #tpu.memory_space<vmem>>) offsets(%dma_start3A_1378 : memref<32xi32, #tpu.memory_space<vmem>>) semaphore(%dma_start3A_1383 : memref<!tpu.dma_semaphore, #tpu.memory_space<semaphore_mem>>)
      } else {
      }
    }
    %dma_wait3A_965 = arith.constant 0 : i32
    %dma_wait3A_966 = arith.constant 0 : i32
    %dma_wait3A_967 = arith.constant 0 : i32
    %dma_wait3A_968 = arith.constant 0 : i32
    %dma_wait3A_969 = tpu.memref_slice %arg8[%dma_wait3A_965, %dma_wait3A_967, %dma_wait3A_968] : memref<3x32x128xf32, #tpu.memory_space<vmem>> -> memref<1x32x128xf32, #tpu.memory_space<vmem>>
    %dma_wait3A_970 = tpu.memref_squeeze %dma_wait3A_969 : memref<1x32x128xf32, #tpu.memory_space<vmem>> -> memref<32x128xf32, #tpu.memory_space<vmem>>
    %dma_wait3A_971 = arith.constant 384 : i32
    %dma_wait3A_972 = tpu.memref_slice %arg7[%dma_wait3A_971] : memref<1152xi32, #tpu.memory_space<vmem>> -> memref<32xi32, #tpu.memory_space<vmem>>
    %dma_wait3A_973 = arith.constant 0 : i32
    %dma_wait3A_974 = arith.constant 0 : i32
    %dma_wait3A_975 = tpu.memref_slice %arg12[%dma_wait3A_973, %dma_wait3A_974] : memref<10240x128xf32, #tpu.memory_space<vmem_shared>> -> memref<10240x128xf32, #tpu.memory_space<vmem_shared>>
    %dma_wait3A_976 = tpu.memref_slice %arg15[%dma_wait3A_966] : memref<3x!tpu.dma_semaphore, #tpu.memory_space<semaphore_mem>> -> memref<1x!tpu.dma_semaphore, #tpu.memory_space<semaphore_mem>>
    %dma_wait3A_977 = tpu.memref_squeeze %dma_wait3A_976 : memref<1x!tpu.dma_semaphore, #tpu.memory_space<semaphore_mem>> -> memref<!tpu.dma_semaphore, #tpu.memory_space<semaphore_mem>>
    tpu.wait_indirect_dma semaphore(%dma_wait3A_977 : memref<!tpu.dma_semaphore, #tpu.memory_space<semaphore_mem>>) src(%dma_wait3A_970 : memref<32x128xf32, #tpu.memory_space<vmem>>) dst(%dma_wait3A_975 : memref<10240x128xf32, #tpu.memory_space<vmem_shared>>)
    %dma_wait3A_978 = arith.constant 0 : i32
    %dma_wait3A_979 = arith.constant 0 : i32
    %dma_wait3A_980 = arith.constant 0 : i32
    %dma_wait3A_981 = arith.constant 0 : i32
    %dma_wait3A_982 = tpu.memref_slice %arg9[%dma_wait3A_978, %dma_wait3A_980, %dma_wait3A_981] : memref<3x32x128xf32, #tpu.memory_space<vmem>> -> memref<1x32x128xf32, #tpu.memory_space<vmem>>
    %dma_wait3A_983 = tpu.memref_squeeze %dma_wait3A_982 : memref<1x32x128xf32, #tpu.memory_space<vmem>> -> memref<32x128xf32, #tpu.memory_space<vmem>>
    %dma_wait3A_984 = arith.constant 384 : i32
    %dma_wait3A_985 = tpu.memref_slice %arg7[%dma_wait3A_984] : memref<1152xi32, #tpu.memory_space<vmem>> -> memref<32xi32, #tpu.memory_space<vmem>>
    %dma_wait3A_986 = arith.constant 0 : i32
    %dma_wait3A_987 = arith.constant 0 : i32
    %dma_wait3A_988 = tpu.memref_slice %arg12[%dma_wait3A_986, %dma_wait3A_987] : memref<10240x128xf32, #tpu.memory_space<vmem_shared>> -> memref<10240x128xf32, #tpu.memory_space<vmem_shared>>
    %dma_wait3A_989 = tpu.memref_slice %arg15[%dma_wait3A_979] : memref<3x!tpu.dma_semaphore, #tpu.memory_space<semaphore_mem>> -> memref<1x!tpu.dma_semaphore, #tpu.memory_space<semaphore_mem>>
    %dma_wait3A_990 = tpu.memref_squeeze %dma_wait3A_989 : memref<1x!tpu.dma_semaphore, #tpu.memory_space<semaphore_mem>> -> memref<!tpu.dma_semaphore, #tpu.memory_space<semaphore_mem>>
    tpu.wait_indirect_dma semaphore(%dma_wait3A_990 : memref<!tpu.dma_semaphore, #tpu.memory_space<semaphore_mem>>) src(%dma_wait3A_983 : memref<32x128xf32, #tpu.memory_space<vmem>>) dst(%dma_wait3A_988 : memref<10240x128xf32, #tpu.memory_space<vmem_shared>>)
    %dma_wait3A_991 = arith.constant 0 : i32
    %dma_wait3A_992 = arith.constant 384 : i32
    %dma_wait3A_993 = tpu.memref_slice %arg7[%dma_wait3A_992] : memref<1152xi32, #tpu.memory_space<vmem>> -> memref<32xi32, #tpu.memory_space<vmem>>
    %dma_wait3A_994 = arith.constant 0 : i32
    %dma_wait3A_995 = tpu.memref_slice %arg13[%dma_wait3A_994] : memref<10240xf32, #tpu.memory_space<vmem_shared>> -> memref<10240xf32, #tpu.memory_space<vmem_shared>>
    %dma_wait3A_996 = tpu.memref_slice %arg15[%dma_wait3A_991] : memref<3x!tpu.dma_semaphore, #tpu.memory_space<semaphore_mem>> -> memref<1x!tpu.dma_semaphore, #tpu.memory_space<semaphore_mem>>
    %dma_wait3A_997 = tpu.memref_squeeze %dma_wait3A_996 : memref<1x!tpu.dma_semaphore, #tpu.memory_space<semaphore_mem>> -> memref<!tpu.dma_semaphore, #tpu.memory_space<semaphore_mem>>
    tpu.wait_indirect_dma semaphore(%dma_wait3A_997 : memref<!tpu.dma_semaphore, #tpu.memory_space<semaphore_mem>>) src(%arg10 : memref<32xf32, #tpu.memory_space<vmem>>) dst(%dma_wait3A_995 : memref<10240xf32, #tpu.memory_space<vmem_shared>>)
    %dma_wait3A_998 = arith.constant 1 : i32
    %dma_wait3A_999 = arith.constant 1 : i32
    %dma_wait3A_1000 = arith.constant 0 : i32
    %dma_wait3A_1001 = arith.constant 0 : i32
    %dma_wait3A_1002 = tpu.memref_slice %arg8[%dma_wait3A_998, %dma_wait3A_1000, %dma_wait3A_1001] : memref<3x32x128xf32, #tpu.memory_space<vmem>> -> memref<1x32x128xf32, #tpu.memory_space<vmem>>
    %dma_wait3A_1003 = tpu.memref_squeeze %dma_wait3A_1002 : memref<1x32x128xf32, #tpu.memory_space<vmem>> -> memref<32x128xf32, #tpu.memory_space<vmem>>
    %dma_wait3A_1004 = arith.constant 384 : i32
    %dma_wait3A_1005 = tpu.memref_slice %arg7[%dma_wait3A_1004] : memref<1152xi32, #tpu.memory_space<vmem>> -> memref<32xi32, #tpu.memory_space<vmem>>
    %dma_wait3A_1006 = arith.constant 0 : i32
    %dma_wait3A_1007 = arith.constant 0 : i32
    %dma_wait3A_1008 = tpu.memref_slice %arg12[%dma_wait3A_1006, %dma_wait3A_1007] : memref<10240x128xf32, #tpu.memory_space<vmem_shared>> -> memref<10240x128xf32, #tpu.memory_space<vmem_shared>>
    %dma_wait3A_1009 = tpu.memref_slice %arg15[%dma_wait3A_999] : memref<3x!tpu.dma_semaphore, #tpu.memory_space<semaphore_mem>> -> memref<1x!tpu.dma_semaphore, #tpu.memory_space<semaphore_mem>>
    %dma_wait3A_1010 = tpu.memref_squeeze %dma_wait3A_1009 : memref<1x!tpu.dma_semaphore, #tpu.memory_space<semaphore_mem>> -> memref<!tpu.dma_semaphore, #tpu.memory_space<semaphore_mem>>
    tpu.wait_indirect_dma semaphore(%dma_wait3A_1010 : memref<!tpu.dma_semaphore, #tpu.memory_space<semaphore_mem>>) src(%dma_wait3A_1003 : memref<32x128xf32, #tpu.memory_space<vmem>>) dst(%dma_wait3A_1008 : memref<10240x128xf32, #tpu.memory_space<vmem_shared>>)
    %dma_wait3A_1011 = arith.constant 1 : i32
    %dma_wait3A_1012 = arith.constant 1 : i32
    %dma_wait3A_1013 = arith.constant 0 : i32
    %dma_wait3A_1014 = arith.constant 0 : i32
    %dma_wait3A_1015 = tpu.memref_slice %arg9[%dma_wait3A_1011, %dma_wait3A_1013, %dma_wait3A_1014] : memref<3x32x128xf32, #tpu.memory_space<vmem>> -> memref<1x32x128xf32, #tpu.memory_space<vmem>>
    %dma_wait3A_1016 = tpu.memref_squeeze %dma_wait3A_1015 : memref<1x32x128xf32, #tpu.memory_space<vmem>> -> memref<32x128xf32, #tpu.memory_space<vmem>>
    %dma_wait3A_1017 = arith.constant 384 : i32
    %dma_wait3A_1018 = tpu.memref_slice %arg7[%dma_wait3A_1017] : memref<1152xi32, #tpu.memory_space<vmem>> -> memref<32xi32, #tpu.memory_space<vmem>>
    %dma_wait3A_1019 = arith.constant 0 : i32
    %dma_wait3A_1020 = arith.constant 0 : i32
    %dma_wait3A_1021 = tpu.memref_slice %arg12[%dma_wait3A_1019, %dma_wait3A_1020] : memref<10240x128xf32, #tpu.memory_space<vmem_shared>> -> memref<10240x128xf32, #tpu.memory_space<vmem_shared>>
    %dma_wait3A_1022 = tpu.memref_slice %arg15[%dma_wait3A_1012] : memref<3x!tpu.dma_semaphore, #tpu.memory_space<semaphore_mem>> -> memref<1x!tpu.dma_semaphore, #tpu.memory_space<semaphore_mem>>
    %dma_wait3A_1023 = tpu.memref_squeeze %dma_wait3A_1022 : memref<1x!tpu.dma_semaphore, #tpu.memory_space<semaphore_mem>> -> memref<!tpu.dma_semaphore, #tpu.memory_space<semaphore_mem>>
    tpu.wait_indirect_dma semaphore(%dma_wait3A_1023 : memref<!tpu.dma_semaphore, #tpu.memory_space<semaphore_mem>>) src(%dma_wait3A_1016 : memref<32x128xf32, #tpu.memory_space<vmem>>) dst(%dma_wait3A_1021 : memref<10240x128xf32, #tpu.memory_space<vmem_shared>>)
    %dma_wait3A_1024 = arith.constant 1 : i32
    %dma_wait3A_1025 = arith.constant 384 : i32
    %dma_wait3A_1026 = tpu.memref_slice %arg7[%dma_wait3A_1025] : memref<1152xi32, #tpu.memory_space<vmem>> -> memref<32xi32, #tpu.memory_space<vmem>>
    %dma_wait3A_1027 = arith.constant 0 : i32
    %dma_wait3A_1028 = tpu.memref_slice %arg13[%dma_wait3A_1027] : memref<10240xf32, #tpu.memory_space<vmem_shared>> -> memref<10240xf32, #tpu.memory_space<vmem_shared>>
    %dma_wait3A_1029 = tpu.memref_slice %arg15[%dma_wait3A_1024] : memref<3x!tpu.dma_semaphore, #tpu.memory_space<semaphore_mem>> -> memref<1x!tpu.dma_semaphore, #tpu.memory_space<semaphore_mem>>
    %dma_wait3A_1030 = tpu.memref_squeeze %dma_wait3A_1029 : memref<1x!tpu.dma_semaphore, #tpu.memory_space<semaphore_mem>> -> memref<!tpu.dma_semaphore, #tpu.memory_space<semaphore_mem>>
    tpu.wait_indirect_dma semaphore(%dma_wait3A_1030 : memref<!tpu.dma_semaphore, #tpu.memory_space<semaphore_mem>>) src(%arg10 : memref<32xf32, #tpu.memory_space<vmem>>) dst(%dma_wait3A_1028 : memref<10240xf32, #tpu.memory_space<vmem_shared>>)
    %dma_wait3A_1031 = arith.constant 2 : i32
    %dma_wait3A_1032 = arith.constant 2 : i32
    %dma_wait3A_1033 = arith.constant 0 : i32
    %dma_wait3A_1034 = arith.constant 0 : i32
    %dma_wait3A_1035 = tpu.memref_slice %arg8[%dma_wait3A_1031, %dma_wait3A_1033, %dma_wait3A_1034] : memref<3x32x128xf32, #tpu.memory_space<vmem>> -> memref<1x32x128xf32, #tpu.memory_space<vmem>>
    %dma_wait3A_1036 = tpu.memref_squeeze %dma_wait3A_1035 : memref<1x32x128xf32, #tpu.memory_space<vmem>> -> memref<32x128xf32, #tpu.memory_space<vmem>>
    %dma_wait3A_1037 = arith.constant 384 : i32
    %dma_wait3A_1038 = tpu.memref_slice %arg7[%dma_wait3A_1037] : memref<1152xi32, #tpu.memory_space<vmem>> -> memref<32xi32, #tpu.memory_space<vmem>>
    %dma_wait3A_1039 = arith.constant 0 : i32
    %dma_wait3A_1040 = arith.constant 0 : i32
    %dma_wait3A_1041 = tpu.memref_slice %arg12[%dma_wait3A_1039, %dma_wait3A_1040] : memref<10240x128xf32, #tpu.memory_space<vmem_shared>> -> memref<10240x128xf32, #tpu.memory_space<vmem_shared>>
    %dma_wait3A_1042 = tpu.memref_slice %arg15[%dma_wait3A_1032] : memref<3x!tpu.dma_semaphore, #tpu.memory_space<semaphore_mem>> -> memref<1x!tpu.dma_semaphore, #tpu.memory_space<semaphore_mem>>
    %dma_wait3A_1043 = tpu.memref_squeeze %dma_wait3A_1042 : memref<1x!tpu.dma_semaphore, #tpu.memory_space<semaphore_mem>> -> memref<!tpu.dma_semaphore, #tpu.memory_space<semaphore_mem>>
    tpu.wait_indirect_dma semaphore(%dma_wait3A_1043 : memref<!tpu.dma_semaphore, #tpu.memory_space<semaphore_mem>>) src(%dma_wait3A_1036 : memref<32x128xf32, #tpu.memory_space<vmem>>) dst(%dma_wait3A_1041 : memref<10240x128xf32, #tpu.memory_space<vmem_shared>>)
    %dma_wait3A_1044 = arith.constant 2 : i32
    %dma_wait3A_1045 = arith.constant 2 : i32
    %dma_wait3A_1046 = arith.constant 0 : i32
    %dma_wait3A_1047 = arith.constant 0 : i32
    %dma_wait3A_1048 = tpu.memref_slice %arg9[%dma_wait3A_1044, %dma_wait3A_1046, %dma_wait3A_1047] : memref<3x32x128xf32, #tpu.memory_space<vmem>> -> memref<1x32x128xf32, #tpu.memory_space<vmem>>
    %dma_wait3A_1049 = tpu.memref_squeeze %dma_wait3A_1048 : memref<1x32x128xf32, #tpu.memory_space<vmem>> -> memref<32x128xf32, #tpu.memory_space<vmem>>
    %dma_wait3A_1050 = arith.constant 384 : i32
    %dma_wait3A_1051 = tpu.memref_slice %arg7[%dma_wait3A_1050] : memref<1152xi32, #tpu.memory_space<vmem>> -> memref<32xi32, #tpu.memory_space<vmem>>
    %dma_wait3A_1052 = arith.constant 0 : i32
    %dma_wait3A_1053 = arith.constant 0 : i32
    %dma_wait3A_1054 = tpu.memref_slice %arg12[%dma_wait3A_1052, %dma_wait3A_1053] : memref<10240x128xf32, #tpu.memory_space<vmem_shared>> -> memref<10240x128xf32, #tpu.memory_space<vmem_shared>>
    %dma_wait3A_1055 = tpu.memref_slice %arg15[%dma_wait3A_1045] : memref<3x!tpu.dma_semaphore, #tpu.memory_space<semaphore_mem>> -> memref<1x!tpu.dma_semaphore, #tpu.memory_space<semaphore_mem>>
    %dma_wait3A_1056 = tpu.memref_squeeze %dma_wait3A_1055 : memref<1x!tpu.dma_semaphore, #tpu.memory_space<semaphore_mem>> -> memref<!tpu.dma_semaphore, #tpu.memory_space<semaphore_mem>>
    tpu.wait_indirect_dma semaphore(%dma_wait3A_1056 : memref<!tpu.dma_semaphore, #tpu.memory_space<semaphore_mem>>) src(%dma_wait3A_1049 : memref<32x128xf32, #tpu.memory_space<vmem>>) dst(%dma_wait3A_1054 : memref<10240x128xf32, #tpu.memory_space<vmem_shared>>)
    %dma_wait3A_1057 = arith.constant 2 : i32
    %dma_wait3A_1058 = arith.constant 384 : i32
    %dma_wait3A_1059 = tpu.memref_slice %arg7[%dma_wait3A_1058] : memref<1152xi32, #tpu.memory_space<vmem>> -> memref<32xi32, #tpu.memory_space<vmem>>
    %dma_wait3A_1060 = arith.constant 0 : i32
    %dma_wait3A_1061 = tpu.memref_slice %arg13[%dma_wait3A_1060] : memref<10240xf32, #tpu.memory_space<vmem_shared>> -> memref<10240xf32, #tpu.memory_space<vmem_shared>>
    %dma_wait3A_1062 = tpu.memref_slice %arg15[%dma_wait3A_1057] : memref<3x!tpu.dma_semaphore, #tpu.memory_space<semaphore_mem>> -> memref<1x!tpu.dma_semaphore, #tpu.memory_space<semaphore_mem>>
    %dma_wait3A_1063 = tpu.memref_squeeze %dma_wait3A_1062 : memref<1x!tpu.dma_semaphore, #tpu.memory_space<semaphore_mem>> -> memref<!tpu.dma_semaphore, #tpu.memory_space<semaphore_mem>>
    tpu.wait_indirect_dma semaphore(%dma_wait3A_1063 : memref<!tpu.dma_semaphore, #tpu.memory_space<semaphore_mem>>) src(%arg10 : memref<32xf32, #tpu.memory_space<vmem>>) dst(%dma_wait3A_1061 : memref<10240xf32, #tpu.memory_space<vmem_shared>>)
    %barrier3A_1064 = arith.constant 0 : index
    tpu.barrier barrier_id(%barrier3A_1064)
    %dma_start3A_1065 = arith.constant 0 : i32
    %dma_start3A_1066 = tpu.memref_slice %arg14[%dma_start3A_1065] : memref<3x!tpu.dma_semaphore, #tpu.memory_space<semaphore_mem>> -> memref<1x!tpu.dma_semaphore, #tpu.memory_space<semaphore_mem>>
    %dma_start3A_1067 = tpu.memref_squeeze %dma_start3A_1066 : memref<1x!tpu.dma_semaphore, #tpu.memory_space<semaphore_mem>> -> memref<!tpu.dma_semaphore, #tpu.memory_space<semaphore_mem>>
    %dma_start3A_1068 = arith.constant 0 : i32
    %dma_start3A_1069 = tpu.memref_slice %arg5[%arg0, %mul3A_57, %dma_start3A_1068] : memref<2x10240x128xf32, #tpu.memory_space<hbm>> -> memref<1x640x128xf32, #tpu.memory_space<hbm>>
    %dma_start3A_1070 = tpu.memref_squeeze %dma_start3A_1069 : memref<1x640x128xf32, #tpu.memory_space<hbm>> -> memref<640x128xf32, #tpu.memory_space<hbm>>
    %dma_start3A_1071 = arith.constant 0 : i32
    %dma_start3A_1072 = tpu.memref_slice %arg12[%mul3A_57, %dma_start3A_1071] : memref<10240x128xf32, #tpu.memory_space<vmem_shared>> -> memref<640x128xf32, #tpu.memory_space<vmem_shared>>
    tpu.enqueue_dma source(%dma_start3A_1072 : memref<640x128xf32, #tpu.memory_space<vmem_shared>>) target(%dma_start3A_1070 : memref<640x128xf32, #tpu.memory_space<hbm>>) target_semaphore(%dma_start3A_1067 : memref<!tpu.dma_semaphore, #tpu.memory_space<semaphore_mem>>)
    %mul3A_1073 = arith.constant 10240 : i32
    %mul3A_1074 = arith.muli %arg0, %mul3A_1073 : i32
    %add3A_1075 = arith.addi %mul3A_1074, %mul3A_57 : i32
    %dma_start3A_1076 = arith.constant 1 : i32
    %dma_start3A_1077 = tpu.memref_slice %arg14[%dma_start3A_1076] : memref<3x!tpu.dma_semaphore, #tpu.memory_space<semaphore_mem>> -> memref<1x!tpu.dma_semaphore, #tpu.memory_space<semaphore_mem>>
    %dma_start3A_1078 = tpu.memref_squeeze %dma_start3A_1077 : memref<1x!tpu.dma_semaphore, #tpu.memory_space<semaphore_mem>> -> memref<!tpu.dma_semaphore, #tpu.memory_space<semaphore_mem>>
    %dma_start3A_1079 = tpu.memref_slice %arg6[%add3A_1075] : memref<20480xf32, #tpu.memory_space<hbm>> -> memref<640xf32, #tpu.memory_space<hbm>>
    %dma_start3A_1080 = tpu.memref_slice %arg13[%mul3A_57] : memref<10240xf32, #tpu.memory_space<vmem_shared>> -> memref<640xf32, #tpu.memory_space<vmem_shared>>
    tpu.enqueue_dma source(%dma_start3A_1080 : memref<640xf32, #tpu.memory_space<vmem_shared>>) target(%dma_start3A_1079 : memref<640xf32, #tpu.memory_space<hbm>>) target_semaphore(%dma_start3A_1078 : memref<!tpu.dma_semaphore, #tpu.memory_space<semaphore_mem>>)
    %dma_wait3A_1081 = arith.constant 0 : i32
    %dma_wait3A_1082 = tpu.memref_slice %arg14[%dma_wait3A_1081] : memref<3x!tpu.dma_semaphore, #tpu.memory_space<semaphore_mem>> -> memref<1x!tpu.dma_semaphore, #tpu.memory_space<semaphore_mem>>
    %dma_wait3A_1083 = tpu.memref_squeeze %dma_wait3A_1082 : memref<1x!tpu.dma_semaphore, #tpu.memory_space<semaphore_mem>> -> memref<!tpu.dma_semaphore, #tpu.memory_space<semaphore_mem>>
    %dma_wait3A_1084 = arith.constant 0 : i32
    %dma_wait3A_1085 = tpu.memref_slice %arg5[%arg0, %mul3A_57, %dma_wait3A_1084] : memref<2x10240x128xf32, #tpu.memory_space<hbm>> -> memref<1x640x128xf32, #tpu.memory_space<hbm>>
    %dma_wait3A_1086 = tpu.memref_squeeze %dma_wait3A_1085 : memref<1x640x128xf32, #tpu.memory_space<hbm>> -> memref<640x128xf32, #tpu.memory_space<hbm>>
    %dma_wait3A_1087 = arith.constant 0 : i32
    %dma_wait3A_1088 = tpu.memref_slice %arg12[%mul3A_57, %dma_wait3A_1087] : memref<10240x128xf32, #tpu.memory_space<vmem_shared>> -> memref<640x128xf32, #tpu.memory_space<vmem_shared>>
    tpu.wait_dma2 semaphore(%dma_wait3A_1083 : memref<!tpu.dma_semaphore, #tpu.memory_space<semaphore_mem>>) src(%dma_wait3A_1088 : memref<640x128xf32, #tpu.memory_space<vmem_shared>>) dst(%dma_wait3A_1086 : memref<640x128xf32, #tpu.memory_space<hbm>>)
    %mul3A_1089 = arith.constant 10240 : i32
    %mul3A_1090 = arith.muli %arg0, %mul3A_1089 : i32
    %add3A_1091 = arith.addi %mul3A_1090, %mul3A_57 : i32
    %dma_wait3A_1092 = arith.constant 1 : i32
    %dma_wait3A_1093 = tpu.memref_slice %arg14[%dma_wait3A_1092] : memref<3x!tpu.dma_semaphore, #tpu.memory_space<semaphore_mem>> -> memref<1x!tpu.dma_semaphore, #tpu.memory_space<semaphore_mem>>
    %dma_wait3A_1094 = tpu.memref_squeeze %dma_wait3A_1093 : memref<1x!tpu.dma_semaphore, #tpu.memory_space<semaphore_mem>> -> memref<!tpu.dma_semaphore, #tpu.memory_space<semaphore_mem>>
    %dma_wait3A_1095 = tpu.memref_slice %arg6[%add3A_1091] : memref<20480xf32, #tpu.memory_space<hbm>> -> memref<640xf32, #tpu.memory_space<hbm>>
    %dma_wait3A_1096 = tpu.memref_slice %arg13[%mul3A_57] : memref<10240xf32, #tpu.memory_space<vmem_shared>> -> memref<640xf32, #tpu.memory_space<vmem_shared>>
    tpu.wait_dma2 semaphore(%dma_wait3A_1094 : memref<!tpu.dma_semaphore, #tpu.memory_space<semaphore_mem>>) src(%dma_wait3A_1096 : memref<640xf32, #tpu.memory_space<vmem_shared>>) dst(%dma_wait3A_1095 : memref<640xf32, #tpu.memory_space<hbm>>)
    return
  }
}

module attributes {stable_mosaic.version = 14 : i64} {
  func.func @_combine_body(%arg0: i32, %arg1: memref<400x128xf32, #tpu.memory_space<vmem>>, %arg2: memref<2x400x128xf32, #tpu.memory_space<vmem>>, %arg3: memref<2x400x1xf32, #tpu.memory_space<vmem>>, %arg4: memref<128x128xf32, #tpu.memory_space<vmem>>, %arg5: memref<128x128xf32, #tpu.memory_space<vmem>>, %arg6: memref<128x128xf32, #tpu.memory_space<vmem>>, %arg7: memref<400x128xf32, #tpu.memory_space<vmem>>) attributes {dimension_semantics = [#tpu.dimension_semantics<arbitrary>], iteration_bounds = array<i64: 25>, scalar_prefetch = 0 : i64, scratch_operands = 0 : i64, tpu.core_type = #tpu.core_type<tc>, window_params = [{transform_indices = @transform_0, window_bounds = array<i64: 400, 128>}, {transform_indices = @transform_1, window_bounds = array<i64: 2, 400, 128>}, {transform_indices = @transform_2, window_bounds = array<i64: 2, 400, 1>}, {pipeline_mode = #tpu.pipeline_mode<synchronous>, transform_indices = @transform_3, window_bounds = array<i64: 128, 128>}, {pipeline_mode = #tpu.pipeline_mode<synchronous>, transform_indices = @transform_4, window_bounds = array<i64: 128, 128>}, {pipeline_mode = #tpu.pipeline_mode<synchronous>, transform_indices = @transform_5, window_bounds = array<i64: 128, 128>}, {transform_indices = @transform_6, window_bounds = array<i64: 400, 128>}]} {
    %get3A = arith.constant 0 : index
    %get3A_0 = arith.constant 0 : index
    %get3A_1 = vector.load %arg1[%get3A, %get3A_0] : memref<400x128xf32, #tpu.memory_space<vmem>>, vector<400x128xf32>
    %get3A_2 = arith.constant 0 : index
    %get3A_3 = arith.constant 0 : index
    %get3A_4 = arith.constant 0 : index
    %get3A_5 = vector.load %arg2[%get3A_2, %get3A_3, %get3A_4] : memref<2x400x128xf32, #tpu.memory_space<vmem>>, vector<1x400x128xf32>
    %get3A_6 = vector.shape_cast %get3A_5 : vector<1x400x128xf32> to vector<400x128xf32>
    %get3A_7 = arith.constant 1 : index
    %get3A_8 = arith.constant 0 : index
    %get3A_9 = arith.constant 0 : index
    %get3A_10 = vector.load %arg2[%get3A_7, %get3A_8, %get3A_9] : memref<2x400x128xf32, #tpu.memory_space<vmem>>, vector<1x400x128xf32>
    %get3A_11 = vector.shape_cast %get3A_10 : vector<1x400x128xf32> to vector<400x128xf32>
    %add3A = arith.addf %get3A_6, %get3A_11 : vector<400x128xf32>
    %get3A_12 = arith.constant 0 : index
    %get3A_13 = arith.constant 0 : index
    %get3A_14 = arith.constant 0 : index
    %get3A_15 = vector.load %arg3[%get3A_12, %get3A_13, %get3A_14] : memref<2x400x1xf32, #tpu.memory_space<vmem>>, vector<1x400x1xf32>
    %get3A_16 = vector.shape_cast %get3A_15 : vector<1x400x1xf32> to vector<400x1xf32>
    %get3A_17 = arith.constant 1 : index
    %get3A_18 = arith.constant 0 : index
    %get3A_19 = arith.constant 0 : index
    %get3A_20 = vector.load %arg3[%get3A_17, %get3A_18, %get3A_19] : memref<2x400x1xf32, #tpu.memory_space<vmem>>, vector<1x400x1xf32>
    %get3A_21 = vector.shape_cast %get3A_20 : vector<1x400x1xf32> to vector<400x1xf32>
    %add3A_22 = arith.addf %get3A_16, %get3A_21 : vector<400x1xf32>
    %gt3A = arith.constant 0.000000e+00 : f32
    %gt3A_23 = vector.broadcast %gt3A : f32 to vector<400x1xf32>
    %gt3A_24 = arith.cmpf ogt, %add3A_22, %gt3A_23 : vector<400x1xf32>
    %get3A_25 = arith.constant 0 : index
    %get3A_26 = arith.constant 0 : index
    %get3A_27 = vector.load %arg4[%get3A_25, %get3A_26] : memref<128x128xf32, #tpu.memory_space<vmem>>, vector<128x128xf32>
    %dot_general3A = arith.constant dense<0.000000e+00> : vector<400x128xf32>
    %dot_general3A_28 = tpu.matmul %add3A, %get3A_27, %dot_general3A {dimension_numbers = #tpu.dot_dimension_numbers<[1], [0], [0], [1], [0, 0, 1, 1], [], []>, transpose_lhs_hint = false} : vector<400x128xf32>, vector<128x128xf32>, vector<400x128xf32> -> vector<400x128xf32>
    %get3A_29 = arith.constant 0 : index
    %get3A_30 = arith.constant 0 : index
    %get3A_31 = vector.load %arg5[%get3A_29, %get3A_30] : memref<128x128xf32, #tpu.memory_space<vmem>>, vector<128x128xf32>
    %dot_general3A_32 = arith.constant dense<0.000000e+00> : vector<400x128xf32>
    %dot_general3A_33 = tpu.matmul %get3A_1, %get3A_31, %dot_general3A_32 {dimension_numbers = #tpu.dot_dimension_numbers<[1], [0], [0], [1], [0, 0, 1, 1], [], []>, transpose_lhs_hint = false} : vector<400x128xf32>, vector<128x128xf32>, vector<400x128xf32> -> vector<400x128xf32>
    %get3A_34 = arith.constant 0 : index
    %get3A_35 = arith.constant 0 : index
    %get3A_36 = vector.load %arg6[%get3A_34, %get3A_35] : memref<128x128xf32, #tpu.memory_space<vmem>>, vector<128x128xf32>
    %dot_general3A_37 = arith.constant dense<0.000000e+00> : vector<400x128xf32>
    %dot_general3A_38 = tpu.matmul %get3A_1, %get3A_36, %dot_general3A_37 {dimension_numbers = #tpu.dot_dimension_numbers<[1], [0], [0], [1], [0, 0, 1, 1], [], []>, transpose_lhs_hint = false} : vector<400x128xf32>, vector<128x128xf32>, vector<400x128xf32> -> vector<400x128xf32>
    %add3A_39 = arith.addf %get3A_1, %dot_general3A_28 : vector<400x128xf32>
    %broadcast_in_dim3A = vector.shape_cast %gt3A_24 : vector<400x1xi1> to vector<400x1xi1>
    %broadcast_in_dim3A_40 = vector.broadcast %broadcast_in_dim3A : vector<400x1xi1> to vector<400x128xi1>
    %select_n3A = arith.select %broadcast_in_dim3A_40, %dot_general3A_33, %dot_general3A_38 : vector<400x128xi1>, vector<400x128xf32>
    %add3A_41 = arith.addf %add3A_39, %select_n3A : vector<400x128xf32>
    %swap3A = arith.constant 0 : index
    %swap3A_42 = arith.constant 0 : index
    %swap3A_43 = vector.load %arg7[%swap3A, %swap3A_42] : memref<400x128xf32, #tpu.memory_space<vmem>>, vector<400x128xf32>
    tpu.vector_store %arg7[%swap3A, %swap3A_42], %add3A_41 {strides = array<i32>} : memref<400x128xf32, #tpu.memory_space<vmem>>, vector<400x128xf32>,
    return
  }
  func.func @transform_0(%arg0: i32) -> (i32, i32) {
    %c0_i32 = arith.constant 0 : i32
    %c0_i32_0 = arith.constant 0 : i32
    return %arg0, %c0_i32 : i32, i32
  }
  func.func @transform_1(%arg0: i32) -> (i32, i32, i32) {
    %c0_i32 = arith.constant 0 : i32
    %c0_i32_0 = arith.constant 0 : i32
    %c0_i32_1 = arith.constant 0 : i32
    return %c0_i32, %arg0, %c0_i32_0 : i32, i32, i32
  }
  func.func @transform_2(%arg0: i32) -> (i32, i32, i32) {
    %c0_i32 = arith.constant 0 : i32
    %c0_i32_0 = arith.constant 0 : i32
    %c0_i32_1 = arith.constant 0 : i32
    return %c0_i32, %arg0, %c0_i32_0 : i32, i32, i32
  }
  func.func @transform_3(%arg0: i32) -> (i32, i32) {
    %c0_i32 = arith.constant 0 : i32
    %c0_i32_0 = arith.constant 0 : i32
    %c0_i32_1 = arith.constant 0 : i32
    return %c0_i32, %c0_i32_0 : i32, i32
  }
  func.func @transform_4(%arg0: i32) -> (i32, i32) {
    %c0_i32 = arith.constant 0 : i32
    %c0_i32_0 = arith.constant 0 : i32
    %c0_i32_1 = arith.constant 0 : i32
    return %c0_i32, %c0_i32_0 : i32, i32
  }
  func.func @transform_5(%arg0: i32) -> (i32, i32) {
    %c0_i32 = arith.constant 0 : i32
    %c0_i32_0 = arith.constant 0 : i32
    %c0_i32_1 = arith.constant 0 : i32
    return %c0_i32, %c0_i32_0 : i32, i32
  }
  func.func @transform_6(%arg0: i32) -> (i32, i32) {
    %c0_i32 = arith.constant 0 : i32
    %c0_i32_0 = arith.constant 0 : i32
    return %arg0, %c0_i32 : i32, i32
  }
}

</mosaic_0001>

<sc_bundles>
// kernel: kernel.4.cloned.1.call-start
scs
__scs_entry_jumppad:
0x0: {  	(pc) =	sbr.rel $0x88, $3  }
0x1: {  	(tag) =	ssettag $0x0;
	lr =	simm.s32 $0x1  }
0x2: {  	[smem:$0x3F9B] =	sst lr;
	_ =	strace $0xD0000000  }
0x3: {  	_ = 	snop  }
0x4: {  	_ = 	snop  }
0x5: {  	_ = 	snop  }
0x6: {  	_ = 	snop  }
0x7: {  	_ = 	snop  }
__scs_overlays_trampoline_lowered:
0x8: {  	[smem:$0x3FAA] =	sst s0  }
0x9: {  	[smem:$0x3FAB] =	sst s1  }
0xa: {  	[smem:$0x3FAC] =	sst s2  }
0xb: {  	[smem:$0x3FAD] =	sst s3  }
0xc: {  	[smem:$0x3FAE] =	sst s4  }
0xd: {  	[smem:$0x3FAF] =	sst s5  }
0xe: {  	[smem:$0x3FB0] =	sst s6  }
0xf: {  	[smem:$0x3FB1] =	sst s7  }
0x10: {  	[smem:$0x3FB2] =	sst s8  }
0x11: {  	[smem:$0x3FB3] =	sst s9;
	s0 =	simm.s32 @!p0 $0x0  }
0x12: {  	s1 =	sld [smem:$0x3F99];
	s0 =	simm.s32 @p0 $0x1  }
0x13: {  	[smem:$0x3FB4] =	sst s0;
	s0 =	simm.s32 @!p1 $0x0  }
0x14: {  	s2 =	sld [smem:$0x3F98];
	s0 =	simm.s32 @p1 $0x1  }
0x15: {  	[smem:$0x3FB5] =	sst s0;
	s0 =	simm.s32 @!p2 $0x0  }
0x16: {  	s3 =	sld [smem:$0x3FDB];
	s0 =	simm.s32 @p2 $0x1  }
0x17: {  	s4 =	simm.s32 $0x1BF5;
	[smem:$0x3FB7] =	sst s0  }
0x18: {  	s0 =	sld [smem:$0x3F9A];
	_ =	swait.ge [sflag:s4], $0x0  }
0x19: {  	s7 =	sld [smem:$0x3F9B]  }
0x1a: {  	s8 =	sadd.s32 $0xFFFFE003, lr  }
0x1b: {  	s9 =	sadd.s32 $0xFFFFFEF7, lr;
	s5 =	simm.s32 $0xFFFFFFFF;
	p2 =	slt.u32 s8, $0xFFFFF086  }
0x1c: {  	p1 =	slt.u32 s9, $0xF7A;
	s5 =	simm.s32 @!p2 $0x0  }
0x1d: {  	s5 =	simm.s32 @p1 $0x1;
	p0 =	seq.s32 s7, s2  }
0x1e: {  	s7 =	smul.u32 @!p0 $0xF7A, s2;
	p2 =	seq.s32 @!p0 s5, $0x0  }
0x1f: {  	s9 =	smul.u32 $0xF7A, s1;
	s8 =	simm.s32 @!p0 $0x1BF5;
	p2 =	por !p2, p0  }
0x20: {  	[sflag:s8] =	ssyncset.s32 @!p0 $0xFFFFF086;
	s6 =	sadd.s32 @!p0 s3, s7;
	s7 =	simm.s32 @!p0 $0x108  }
0x21: {  	s3 =	sadd.s32 s3, s9;
	s6 =	sadd.s32 @!p0 $0x88, s6;
	s7 =	simm.s32 @p2 $0x1082  }
0x22: {  	[simem:s7], [sflag:s8] =	dma.local @!p0 [hbm:s6], $0xF7A  }
0x23: {  	s9 =	sor.u32 $0xD0000000, s2;
	s6 =	simm.s32 $0x108;
	_ =	swait.ge @!p0 [sflag:s8], $0x0  }
0x24: {  	s3 =	sadd.s32 $0x88, s3;
	s6 =	simm.s32 @!p1 $0x1082;
	[sflag:s4] =	ssyncset.s32 $0xFFFFF086  }
0x25: {  	[simem:s6], [sflag:s4] =	dma.local [hbm:s3], $0xF7A  }
0x26: {  	[smem:$0x3F9B] =	sst s1;
	(tag) =	ssettag s2;
	_ =	strace s9  }
0x27: {  	s1 =	sld [smem:$0x3FAB]  }
0x28: {  	s2 =	sld [smem:$0x3FAC]  }
0x29: {  	s4 =	sld [smem:$0x3FAE]  }
0x2a: {  	p0 =	seq.s32 s5, $0x0;
	s5 =	sld [smem:$0x3FAF]  }
0x2b: {  	s6 =	sld [smem:$0x3FB0]  }
0x2c: {  	s7 =	sld [smem:$0x3FB1]  }
0x2d: {  	s3 =	simm.s32 $0x108;
	s8 =	sld [smem:$0x3FB2]  }
0x2e: {  	s3 =	simm.s32 @!p0 $0x1082;
	s9 =	sld [smem:$0x3FB3]  }
0x2f: {  	lr =	sadd.s32 s0, s3;
	s0 =	sld [smem:$0x3FAA]  }
0x30: {  	s3 =	sld [smem:$0x3FAD]  }
0x31: {  	[smem:$0x3FB6] =	sst s10  }
0x32: {  	s10 =	sld [smem:$0x3FB4];
	_ =	sdelay $0x3  }
0x33: {  	p0 =	seq.s32 s10, $0x1;
	s10 =	sld [smem:$0x3FB6];
	_ =	sdelay $0x3  }
0x34: {  	[smem:$0x3FB6] =	sst s10  }
0x35: {  	s10 =	sld [smem:$0x3FB5];
	_ =	sdelay $0x3  }
0x36: {  	p1 =	seq.s32 s10, $0x1;
	s10 =	sld [smem:$0x3FB6];
	_ =	sdelay $0x3  }
0x37: {  	[smem:$0x3FB6] =	sst s10  }
0x38: {  	s10 =	sld [smem:$0x3FB7]  }
0x39: {  	_ = 	snop;
	(pc) =	sbr.ind lr, $3  }
0x3a: {  	_ = 	snop  }
0x3b: {  	_ = 	snop  }
0x3c: {  	p2 =	seq.s32 s10, $0x1;
	s10 =	sld [smem:$0x3FB6]  }
0x3d: {  	_ =	shalt  }
0x3e: {  	_ =	shalt  }
0x3f: {  	_ =	shalt  }
0x40: {  	_ =	shalt  }
0x41: {  	_ =	shalt  }
0x42: {  	_ =	shalt  }
0x43: {  	_ =	shalt  }
0x44: {  	_ =	shalt  }
0x45: {  	_ =	shalt  }
0x46: {  	_ =	shalt  }
0x47: {  	_ =	shalt  }
0x48: {  	_ =	shalt  }
0x49: {  	_ =	shalt  }
0x4a: {  	_ =	shalt  }
0x4b: {  	_ =	shalt  }
0x4c: {  	_ =	shalt  }
0x4d: {  	_ =	shalt  }
0x4e: {  	_ =	shalt  }
0x4f: {  	_ =	shalt  }
0x50: {  	_ =	shalt  }
0x51: {  	_ =	shalt  }
0x52: {  	_ =	shalt  }
0x53: {  	_ =	shalt  }
0x54: {  	_ =	shalt  }
0x55: {  	_ =	shalt  }
0x56: {  	_ =	shalt  }
0x57: {  	_ =	shalt  }
0x58: {  	_ =	shalt  }
0x59: {  	_ =	shalt  }
0x5a: {  	_ =	shalt  }
0x5b: {  	_ =	shalt  }
0x5c: {  	_ =	shalt  }
0x5d: {  	_ =	shalt  }
0x5e: {  	_ =	shalt  }
0x5f: {  	_ =	shalt  }
0x60: {  	_ =	shalt  }
0x61: {  	_ =	shalt  }
0x62: {  	_ =	shalt  }
0x63: {  	_ =	shalt  }
0x64: {  	_ =	shalt  }
0x65: {  	_ =	shalt  }
0x66: {  	_ =	shalt  }
0x67: {  	_ =	shalt  }
0x68: {  	_ =	shalt  }
0x69: {  	_ =	shalt  }
0x6a: {  	_ =	shalt  }
0x6b: {  	_ =	shalt  }
0x6c: {  	_ =	shalt  }
0x6d: {  	_ =	shalt  }
0x6e: {  	_ =	shalt  }
0x6f: {  	_ =	shalt  }
0x70: {  	_ =	shalt  }
0x71: {  	_ =	shalt  }
0x72: {  	_ =	shalt  }
0x73: {  	_ =	shalt  }
0x74: {  	_ =	shalt  }
0x75: {  	_ =	shalt  }
0x76: {  	_ =	shalt  }
0x77: {  	_ =	shalt  }
0x78: {  	_ =	shalt  }
0x79: {  	_ =	shalt  }
0x7a: {  	_ =	shalt  }
0x7b: {  	_ =	shalt  }
0x7c: {  	_ =	shalt  }
0x7d: {  	_ =	shalt  }
0x7e: {  	_ =	shalt  }
0x7f: {  	_ =	shalt  }
0x80: {  	_ =	shalt  }
0x81: {  	_ =	shalt  }
0x82: {  	_ =	shalt  }
0x83: {  	_ =	shalt  }
0x84: {  	_ =	shalt  }
0x85: {  	_ =	shalt  }
0x86: {  	_ =	shalt  }
0x87: {  	_ =	shalt  }
.Lfunc_end0:
.L_simem_size_0:
called_computation_lowered:
.L_overlay_start_0:
0x88: {  	s2 =	sld [smem:$0x3FD9]  }
0x89: {  	s3 =	sld [smem:$0x3FFE];
	_ =	sdelay $0x1  }
0x8a: {  	s1 =	srdreg.scid  }
0x8b: {  	s0 =	sand.u32 $0x1, s1  }
0x8c: {  	s17 =	sshll.u32 s0, $0xA;
	s2 =	sadd.s32 s3, s2  }
0x8d: {  	s2 =	sadd.s32 s2, s17  }
0x8e: {  	[smem:$0x3FC2] =	sst s2  }
0x8f: {  	_ = 	snop  }
0x90: {  	s2 =	sld [smem:$0x3FC9]  }
0x91: {  	s18 =	sld [smem:$0x3FC8]  }
0x92: {  	s4 =	sld [smem:$0x3FD0];
	(tm) =	ssettm $0x1  }
0x93: {  	s5 =	sld [smem:$0x3FFB];
	_ =	sdelay $0x3  }
0x94: {  	_ =	strace s5  }
0x95: {  	s5 =	sld [smem:$0x3FFC];
	_ =	sdelay $0x3  }
0x96: {  	_ =	strace s5  }
0x97: {  	s5 =	sld [smem:$0x3FFD];
	_ =	sdelay $0x3  }
0x98: {  	_ =	strace s5  }
0x99: {  	_ =	strace $0x8FFFFFFF  }
0x9a: {  	s19 =	sld [smem:$0x3FDB];
	_ =	sdelay $0x1  }
0x9b: {  	s6 =	simm.s32 $_scs_section_size  }
0x9c: {  	s7 =	simm.s32 $_size__tile_overlayer_lowered;
	s8 =	simm.s32 $_tile_overlayer_lowered  }
0x9d: {  	s22 =	simm.s32 $0x1BFF;
	s21 =	sshll.u32 s8, $0x1;
	s5 =	sadd.s32 s6, s19  }
0x9e: {  	s9 =	simm.s32 $0x0;
	s20 =	sshll.u32 s7, $0x1;
	s7 =	sadd.s32 s21, s5  }
0x9f: {  	[timem:s9], [sflag:s22] =	dma.local [hbm:s7], s20  }
0xa0: {  	_ =	swait.ge [sflag:s22], s20  }
0xa1: {  	s6 =	ssub.s32 $0x0, s20;
	[sflag:s22] =	ssyncset.done $0x0  }
0xa2: {  	[sflag:s22] =	ssyncadd.s32 s6;
	_ =	sdelay $0x1  }
0xa3: {  	s23 =	simm.s32 $0x1B8B  }
0xa4: {  	_ =	swait.ge [sflag:s23], $0x1  }
0xa5: {  	[sflag:s23] =	ssyncset.done $0x0  }
0xa6: {  	s25 =	simm.s32 $0x1B8E;
	s24 =	sld [smem:$0x3FFE];
	[sflag:s23] =	ssyncadd.s32 $0xFFFFFFFF  }
0xa7: {  	s26 =	simm.s32 $execute0_lowered;
	[smem:$0x3FD2] =	sst s25  }
0xa8: {  	s7 =	sshll.u32 s26, $0x1;
	_ =	strace $0x80000046;
	[dreg:$0x1] =	wrdreg $0xFFFFFFFF  }
0xa9: {  	s28 =	simm.s32 $_size_execute0_lowered;
	s5 =	sadd.s32 s5, s7;
	[dreg:$0x0] =	wrdreg $0x0  }
0xaa: {  	s7 =	sshll.u32 s28, $0x1;
	[dreg:$0x2] =	wrdreg s5  }
0xab: {  	[dreg:$0x3] =	wrdreg s7  }
0xac: {  	[dreg:$0x4] =	wrdreg $0xC0  }
0xad: {  	_ =	task [dreg:s9], $0x5FFFF  }
0xae: {  	[dreg:$0x1] =	wrdreg $0xFFFFFFFF  }
0xaf: {  	[dreg:$0x0] =	wrdreg $0x60  }
0xb0: {  	[dreg:$0x2] =	wrdreg s2  }
0xb1: {  	[dreg:$0x3] =	wrdreg s18  }
0xb2: {  	[dreg:$0x4] =	wrdreg s4  }
0xb3: {  	[dreg:$0x5] =	wrdreg s24  }
0xb4: {  	[dreg:$0x6] =	wrdreg $0x65800  }
0xb5: {  	[dreg:$0x7] =	wrdreg $0x1A5800  }
0xb6: {  	[dreg:$0x8] =	wrdreg $0x9  }
0xb7: {  	_ =	task.clear_ibuf [dreg:s9], $0x9FFFF;
	_ =	strace $0x90000046  }
0xb8: {  	s29 =	simm.s32 $0x9;
	_ =	strace $0x80000048  }
0xb9: {  	_ =	swait.ge [sflag:s29], $0x1  }
0xba: {  	[sflag:s29] =	ssyncadd.s32 $0xFFFFFFFF  }
0xbb: {  	_ =	strace $0x90000048  }
0xbc: {  	_ =	sfence  }
0xbd: {  	s30 =	sld [smem:$0x0];
	_ =	sdelay $0x2  }
0xbe: {  	s31 =	sshll.u32 s1, $0xD;
	s1 =	sshrl.u32 s1, $0x2  }
0xbf: {  	s3 =	sand.u32 $0x4000, s31;
	s1 =	sadd.s32 s1, s30  }
0xc0: {  	s0 =	sor.u32 s3, s0;
	s1 =	sshll.u32 s1, $0x11  }
0xc1: {  	s0 =	sor.u32 s1, s0  }
0xc2: {  	s0 =	sadd.s32 $0x8F2B, s0  }
0xc3: {  	[sflag:s0] =	ssyncadd.remote.s32 $0x1  }
0xc4: {  	_ =	sfence.sel $0xFFFF  }
0xc5: {  	[dreg:$0x0] =	wrdreg $0xFFFFFFFF;
	(pc) =	sbr.abs _section_cstart, $3  }
0xc6: {  	[dreg:$0x1] =	wrdreg $0xFFFFFFFF  }
0xc7: {  	_ =	task.clear_ibuf [dreg:s9], $0x2FFFF;
	_ =	strace $0x9FFFFFFF  }
0xc8: {  	(tm) =	ssettm $0x7FFFFFFF  }
0xc9: {  	_ =	shalt  }
tec
execute0_lowered:
.L_overlay_start_1:
0x0: {  	(tag) =	ssettag $0x1  }
0x1: {  	s0 =	rddreg [dreg:$0x0];
	s16 =	stileid.u32  }
0x2: {  	s1 =	rddreg [dreg:$0x1];
	s9 =	smul.u32 $0x14000, s16  }
0x3: {  	s2 =	rddreg [dreg:$0x2];
	s10 =	smul.u32 $0x280, s16  }
0x4: {  	s3 =	rddreg [dreg:$0x3];
	s11 =	smul.u32 $0x36, s16  }
0x5: {  	s4 =	srdreg.scid;
	s15 =	smul.u32 $0x246, s16  }
0x6: {  	s5 =	rddreg [dreg:$0x4];
	s4 =	sand.u32 $0x1, s4;
	s23 =	smul.u32 $0x50000, s16  }
0x7: {  	s6 =	rddreg [dreg:$0x5];
	s7 =	simm.s32 $0x0;
	s8 =	smul.u32 $0x140000, s4  }
0x8: {  	[smem:$0x7FF] =	sst s7;
	s20 =	smul.u32 $0x2800, s4;
	s22 =	ssub.s32 $0x2, s4  }
0x9: {  	_ =	strace $0x80000047;
	p0 =	seq.s32 s4, $0x0;
	s14 =	sshrl.u32 s22, $0x1  }
0xa: {  	s4 =	sshrl.u32 s23, $0x2;
	s24 =	sadd.s32 $0x80, s10;
	s30 =	sadd.s32 $0x180, s10  }
0xb: {  	s28 =	sadd.s32 $0x100, s10;
	s31 =	sadd.s32 $0x200, s10;
	s23 =	sadd.s32 s30, s6  }
0xc: {  	s21 =	sadd.s32 s10, s20;
	s20 =	sadd.s32 s4, s5;
	[dreg:$0x10] =	wrdreg s23  }
0xd: {  	s25 =	sshll.u32 s24, $0x7;
	s26 =	sadd.s32 $0x1000, s20;
	[dreg:$0x7] =	wrdreg s20  }
0xe: {  	s17 =	sshll.u32 s28, $0x7;
	s4 =	sadd.s32 s25, s5;
	[dreg:$0x8] =	wrdreg s26  }
0xf: {  	s18 =	sshll.u32 s30, $0x7;
	s17 =	sadd.s32 s17, s5;
	[dreg:$0x9] =	wrdreg s4  }
0x10: {  	s19 =	sshll.u32 s31, $0x7;
	s18 =	sadd.s32 s18, s5;
	[dreg:$0xa] =	wrdreg s17  }
0x11: {  	s13 =	sshrl.u32 s21, $0x3;
	s21 =	sadd.s32 s19, s5;
	[dreg:$0xb] =	wrdreg s18  }
0x12: {  	s8 =	sadd.s32 s9, s8;
	s30 =	sadd.s32 $0x2000, s20;
	[dreg:$0xc] =	wrdreg s21  }
0x13: {  	s8 =	sshrl.u32 s8, $0x3;
	s16 =	sadd.s32 $0xB000, s20;
	[dreg:$0x16] =	wrdreg s30  }
0x14: {  	s19 =	sadd.s32 $0xE000, s20;
	s23 =	sadd.s32 $0x12000, s20;
	[dreg:$0x1d] =	wrdreg s16  }
0x15: {  	s12 =	sadd.s32 s8, s3;
	s3 =	sadd.s32 s13, s3;
	[dreg:$0x1f] =	wrdreg s19  }
0x16: {  	s13 =	ssub.s32 s22, s14;
	s22 =	sadd.s32 s24, s6;
	[smem:$0x7F7] =	sst s23  }
0x17: {  	s4 =	sadd.s32 s28, s6;
	[dreg:$0xe] =	wrdreg s22  }
0x18: {  	s24 =	sadd.s32 s31, s6;
	[dreg:$0xf] =	wrdreg s4  }
0x19: {  	s31 =	sadd.s32 $0x3000, s20;
	[dreg:$0x11] =	wrdreg s24  }
0x1a: {  	s17 =	sadd.s32 s10, s6;
	s10 =	sadd.s32 $0x5000, s20;
	[dreg:$0x17] =	wrdreg s31  }
0x1b: {  	s14 =	sadd.s32 $0x9000, s20;
	[dreg:$0x18] =	wrdreg s10  }
0x1c: {  	s18 =	sadd.s32 $0xD000, s20;
	[dreg:$0x1b] =	wrdreg s14  }
0x1d: {  	s21 =	sadd.s32 $0xF000, s20;
	[dreg:$0x1e] =	wrdreg s18  }
0x1e: {  	[smem:$0x7F5] =	sst s21  }
0x1f: {  	s26 =	sadd.s32 $0x1600, s12;
	[dreg:$0xd] =	wrdreg s17  }
0x20: {  	s29 =	simm.s32 $0x1;
	s3 =	sadd.s32 $0xC00, s3;
	[dreg:$0x13] =	wrdreg s26  }
0x21: {  	s9 =	simm.s32 $0x61;
	s28 =	smax.u32 s13, $0x1;
	[dreg:$0x14] =	wrdreg s3  }
0x22: {  	s9 =	simm.s32 @!p0 $0x9;
	s12 =	sadd.s32 $0x6000, s20;
	[dreg:$0x15] =	wrdreg s28  }
0x23: {  	s8 =	sadd.s32 $0x2460, s11;
	s13 =	sadd.s32 $0x7000, s20;
	[dreg:$0x19] =	wrdreg s12  }
0x24: {  	s8 =	smov.u32 @p0 s15;
	s15 =	sadd.s32 $0xA000, s20;
	[dreg:$0x1a] =	wrdreg s13  }
0x25: {  	s11 =	smul.u32 $0x6, s9;
	s22 =	sadd.s32 $0x11000, s20;
	[dreg:$0x1c] =	wrdreg s15  }
0x26: {  	s24 =	sadd.s32 $0x13000, s20;
	s25 =	sshll.u32 s8, $0x2;
	[smem:$0x7F6] =	sst s22  }
0x27: {  	s16 =	simm.s32 $0x0;
	[smem:$0x7F8] =	sst s24;
	s4 =	sadd.s32 s2, s25  }
0x28: {  	s14 =	simm.s32 $0x6;
	s25 =	sadd.s32 $0x9F00, s4;
	[dreg:$0x12] =	wrdreg s4  }
.Ltmp0:
0x29: {  	s26 =	sadd.s32 $0x13E00, s4;
	[smem:$0x7F9] =	sst s25;
	(pc) =	sbr.rel .LBB2_1-.Ltmp0, $4  }
0x2a: {  	s3 =	simm.s32 $0x6480;
	s28 =	sadd.s32 $0x18, s4;
	[smem:$0x7FA] =	sst s26  }
0x2b: {  	s12 =	simm.s32 $0x4;
	s30 =	sadd.s32 $0x9F18, s4;
	[smem:$0x7FB] =	sst s28  }
0x2c: {  	s13 =	simm.s32 $0x5;
	s31 =	sadd.s32 $0x13E18, s4;
	[smem:$0x7FC] =	sst s30  }
0x2d: {  	v0 =	vimm.f32 $1.000000000e+00;
	v1 =	vimm.f32 $0.0e+00;
	s4 =	simm.s32 $0x20;
	[smem:$0x7FD] =	sst s31;
	s26 =	simm.s32 $0x480  }
.LBB2_8:
0x2e: {  	_ =	swait.ge [sflag:s12], $0x1000  }
0x2f: {  	[sflag:s12] =	ssyncset.done $0x0  }
0x30: {  	[sflag:s12] =	ssyncadd.s32 $0xFFFFF000  }
0x31: {  	_ =	swait.ge [sflag:s12], $0x1000  }
0x32: {  	[sflag:s12] =	ssyncset.done $0x0  }
0x33: {  	[sflag:s12] =	ssyncadd.s32 $0xFFFFF000  }
0x34: {  	_ =	swait.ge [sflag:s12], $0x20  }
0x35: {  	[sflag:s12] =	ssyncset.done $0x0  }
0x36: {  	[sflag:s12] =	ssyncadd.s32 $0xFFFFFFE0  }
0x37: {  	_ =	swait.ge [sflag:s13], $0x1000  }
0x38: {  	[sflag:s13] =	ssyncset.done $0x0  }
0x39: {  	[sflag:s13] =	ssyncadd.s32 $0xFFFFF000  }
0x3a: {  	_ =	swait.ge [sflag:s13], $0x1000  }
0x3b: {  	[sflag:s13] =	ssyncset.done $0x0  }
0x3c: {  	[sflag:s13] =	ssyncadd.s32 $0xFFFFF000  }
0x3d: {  	_ =	swait.ge [sflag:s13], $0x20  }
0x3e: {  	[sflag:s13] =	ssyncset.done $0x0  }
0x3f: {  	[sflag:s13] =	ssyncadd.s32 $0xFFFFFFE0  }
0x40: {  	_ =	swait.ge [sflag:s14], $0x1000  }
0x41: {  	[sflag:s14] =	ssyncset.done $0x0  }
0x42: {  	[sflag:s14] =	ssyncadd.s32 $0xFFFFF000  }
0x43: {  	_ =	swait.ge [sflag:s14], $0x1000  }
0x44: {  	[sflag:s14] =	ssyncset.done $0x0  }
0x45: {  	[sflag:s14] =	ssyncadd.s32 $0xFFFFF000  }
0x46: {  	_ =	swait.ge [sflag:s14], $0x20  }
0x47: {  	[sflag:s14] =	ssyncset.done $0x0  }
0x48: {  	[sflag:s14] =	ssyncadd.s32 $0xFFFFFFE0  }
0x49: {  	s10 =	stileid.u32;
	[bflag:$0x0] =	sbarrier.arrive $0xFFFF  }
0x4a: {  	s10 =	sshll.u32 s10, $0x6;
	s20 =	rddreg [dreg:$0x7]  }
0x4b: {  	s15 =	sor.u32 $0x1C01, s10;
	s18 =	rddreg [dreg:$0x13];
	s17 =	sshrl.u32 s20, $0x3  }
0x4c: {  	[hbm:s18], [sflag:s15] =	dma.local [spmem:s17], $0x2800  }
0x4d: {  	s17 =	rddreg [dreg:$0xd]  }
0x4e: {  	s10 =	sor.u32 $0x1C02, s10;
	s18 =	rddreg [dreg:$0x14];
	s28 =	sshrl.u32 s17, $0x3  }
0x4f: {  	[hbm:s18], [sflag:s10] =	dma.local [spmem:s28], $0x50  }
0x50: {  	_ =	swait.ge [sflag:s29], $0x2800  }
0x51: {  	[sflag:s29] =	ssyncset.done $0x0  }
0x52: {  	s30 =	simm.s32 $0x2;
	[sflag:s29] =	ssyncadd.s32 $0xFFFFD800  }
0x53: {  	_ =	swait.ge [sflag:s30], $0x50  }
0x54: {  	s16 =	sadd.s32 $0x1, s16;
	s31 =	rddreg [dreg:$0x15]  }
0x55: {  	p0 =	sne.s32 s16, s31  }
.Ltmp1:
0x56: {  	_ = 	snop;
	(pc) =	sbr.rel @!p0 .LBB2_9-.Ltmp1, $3  }
0x57: {  	_ =	sdelay $0x1  }
0x58: {  	[sflag:s30] =	ssyncset.done $0x0  }
0x59: {  	[sflag:s30] =	ssyncadd.s32 $0xFFFFFFB0  }
.LBB2_1:
0x5a: {  	[tilespmem:$0x6480] =	vst v0  }
0x5b: {  	[tilespmem:$0x6490] =	vst v0  }
0x5c: {  	[tilespmem:$0x6500] =	vst v1  }
0x5d: {  	[tilespmem:$0x6510] =	vst v1  }
0x5e: {  	[tilespmem:$0x6520] =	vst v1  }
0x5f: {  	[tilespmem:$0x6530] =	vst v1  }
0x60: {  	[tilespmem:$0x6540] =	vst v1  }
0x61: {  	[tilespmem:$0x6550] =	vst v1  }
0x62: {  	[tilespmem:$0x6560] =	vst v1  }
0x63: {  	[tilespmem:$0x6570] =	vst v1;
	s15 =	simm.s32 $0x0;
	s18 =	simm.s32 $0x200  }
.LBB2_2:
0x64: {  	p0 =	sne.s32 s18, $0x3E00;
	[tilespmem:s15+$0x4F0] =	vst v1  }
0x65: {  	[tilespmem:s15+$0x480] =	vst v1  }
0x66: {  	[tilespmem:s15+$0x490] =	vst v1  }
.Ltmp2:
0x67: {  	[tilespmem:s15+$0x4A0] =	vst v1;
	(pc) =	sbr.rel @p0 .LBB2_2-.Ltmp2, $4  }
0x68: {  	[tilespmem:s15+$0x4B0] =	vst v1  }
0x69: {  	[tilespmem:s15+$0x4C0] =	vst v1  }
0x6a: {  	[tilespmem:s15+$0x4D0] =	vst v1  }
0x6b: {  	[tilespmem:s15+$0x4E0] =	vst v1;
	s15 =	sshra.s32 s18, $0x2;
	s18 =	sadd.s32 $0x200, s18  }
0x6c: {  	[tilespmem:s15+$0x4F0] =	vst v1  }
0x6d: {  	[tilespmem:s15+$0x480] =	vst v1  }
0x6e: {  	[tilespmem:s15+$0x490] =	vst v1  }
0x6f: {  	[tilespmem:s15+$0x4A0] =	vst v1  }
0x70: {  	[tilespmem:s15+$0x4B0] =	vst v1  }
0x71: {  	[tilespmem:s15+$0x4C0] =	vst v1  }
0x72: {  	[tilespmem:s15+$0x4D0] =	vst v1  }
0x73: {  	[tilespmem:s15+$0x4E0] =	vst v1;
	s10 =	rddreg [dreg:$0x8]  }
0x74: {  	[spmem:s20] =	stream.linear.scatter [tilespmem:s26], [sflag:$0x1], $0x1000, $0x38;
	[tilespmem:$0x1A800] =	vst v63  }
0x75: {  	s21 =	rddreg [dreg:$0x17]  }
0x76: {  	[spmem:s10] =	stream.linear.scatter [tilespmem:s26], [sflag:$0x1], $0x1000, $0x38;
	[tilespmem:$0x1A800] =	vst v63  }
0x77: {  	s20 =	rddreg [dreg:$0x16]  }
0x78: {  	[spmem:s20] =	stream.linear.scatter [tilespmem:s26], [sflag:$0x1], $0x1000, $0x38;
	[tilespmem:$0x1A800] =	vst v63  }
0x79: {  	s22 =	rddreg [dreg:$0x9]  }
0x7a: {  	[spmem:s21] =	stream.linear.scatter [tilespmem:s26], [sflag:$0x1], $0x1000, $0x38;
	[tilespmem:$0x1A800] =	vst v63  }
0x7b: {  	s23 =	rddreg [dreg:$0x18]  }
0x7c: {  	[spmem:s22] =	stream.linear.scatter [tilespmem:s26], [sflag:$0x1], $0x1000, $0x38;
	[tilespmem:$0x1A800] =	vst v63  }
0x7d: {  	s24 =	rddreg [dreg:$0x19]  }
0x7e: {  	[spmem:s23] =	stream.linear.scatter [tilespmem:s26], [sflag:$0x1], $0x1000, $0x38;
	[tilespmem:$0x1A800] =	vst v63  }
0x7f: {  	s25 =	rddreg [dreg:$0x1a]  }
0x80: {  	[spmem:s24] =	stream.linear.scatter [tilespmem:s26], [sflag:$0x1], $0x1000, $0x38;
	[tilespmem:$0x1A800] =	vst v63  }
0x81: {  	s28 =	rddreg [dreg:$0xa]  }
0x82: {  	[spmem:s25] =	stream.linear.scatter [tilespmem:s26], [sflag:$0x1], $0x1000, $0x38;
	[tilespmem:$0x1A800] =	vst v63  }
0x83: {  	s31 =	rddreg [dreg:$0x1b]  }
0x84: {  	[spmem:s28] =	stream.linear.scatter [tilespmem:s26], [sflag:$0x1], $0x1000, $0x38;
	[tilespmem:$0x1A800] =	vst v63  }
0x85: {  	s15 =	rddreg [dreg:$0x1c]  }
0x86: {  	[spmem:s31] =	stream.linear.scatter [tilespmem:s26], [sflag:$0x1], $0x1000, $0x38;
	[tilespmem:$0x1A800] =	vst v63  }
0x87: {  	s18 =	rddreg [dreg:$0x1d]  }
0x88: {  	[spmem:s15] =	stream.linear.scatter [tilespmem:s26], [sflag:$0x1], $0x1000, $0x38;
	[tilespmem:$0x1A800] =	vst v63  }
0x89: {  	s19 =	rddreg [dreg:$0xb]  }
0x8a: {  	[spmem:s18] =	stream.linear.scatter [tilespmem:s26], [sflag:$0x1], $0x1000, $0x38;
	[tilespmem:$0x1A800] =	vst v63  }
0x8b: {  	s20 =	rddreg [dreg:$0x1e]  }
0x8c: {  	[spmem:s19] =	stream.linear.scatter [tilespmem:s26], [sflag:$0x1], $0x1000, $0x38;
	[tilespmem:$0x1A800] =	vst v63  }
0x8d: {  	s21 =	rddreg [dreg:$0x1f]  }
0x8e: {  	[spmem:s20] =	stream.linear.scatter [tilespmem:s26], [sflag:$0x1], $0x1000, $0x38;
	[tilespmem:$0x1A800] =	vst v63  }
0x8f: {  	s22 =	sld [smem:$0x7F5]  }
0x90: {  	[spmem:s21] =	stream.linear.scatter [tilespmem:s26], [sflag:$0x1], $0x1000, $0x38;
	[tilespmem:$0x1A800] =	vst v63  }
0x91: {  	s23 =	rddreg [dreg:$0xc]  }
0x92: {  	[spmem:s22] =	stream.linear.scatter [tilespmem:s26], [sflag:$0x1], $0x1000, $0x38;
	[tilespmem:$0x1A800] =	vst v63  }
0x93: {  	s24 =	sld [smem:$0x7F6]  }
0x94: {  	[spmem:s23] =	stream.linear.scatter [tilespmem:s26], [sflag:$0x1], $0x1000, $0x38;
	[tilespmem:$0x1A800] =	vst v63  }
0x95: {  	s25 =	sld [smem:$0x7F7]  }
0x96: {  	[spmem:s24] =	stream.linear.scatter [tilespmem:s26], [sflag:$0x1], $0x1000, $0x38;
	[tilespmem:$0x1A800] =	vst v63  }
0x97: {  	s28 =	sld [smem:$0x7F8]  }
0x98: {  	[spmem:s25] =	stream.linear.scatter [tilespmem:s26], [sflag:$0x1], $0x1000, $0x38;
	[tilespmem:$0x1A800] =	vst v63  }
0x99: {  	_ = 	snop  }
0x9a: {  	[spmem:s28] =	stream.linear.scatter [tilespmem:s26], [sflag:$0x1], $0x1000, $0x38;
	[tilespmem:$0x1A800] =	vst v63  }
0x9b: {  	s31 =	simm.s32 $0x6500  }
0x9c: {  	[spmem:s17] =	stream.linear.scatter [tilespmem:s31], [sflag:$0x2], $0x80, $0x38;
	[tilespmem:$0x1A800] =	vst v63  }
0x9d: {  	s18 =	rddreg [dreg:$0xe]  }
0x9e: {  	[spmem:s18] =	stream.linear.scatter [tilespmem:s31], [sflag:$0x2], $0x80, $0x38;
	[tilespmem:$0x1A800] =	vst v63  }
0x9f: {  	s19 =	rddreg [dreg:$0xf]  }
0xa0: {  	[spmem:s19] =	stream.linear.scatter [tilespmem:s31], [sflag:$0x2], $0x80, $0x38;
	[tilespmem:$0x1A800] =	vst v63  }
0xa1: {  	s20 =	rddreg [dreg:$0x10]  }
0xa2: {  	[spmem:s20] =	stream.linear.scatter [tilespmem:s31], [sflag:$0x2], $0x80, $0x38;
	[tilespmem:$0x1A800] =	vst v63  }
0xa3: {  	s21 =	rddreg [dreg:$0x11]  }
0xa4: {  	[spmem:s21] =	stream.linear.scatter [tilespmem:s31], [sflag:$0x2], $0x80, $0x38;
	[tilespmem:$0x1A800] =	vst v63  }
0xa5: {  	_ =	swait.ge [sflag:s29], $0x1000  }
0xa6: {  	[sflag:s29] =	ssyncset.done $0x0  }
0xa7: {  	[sflag:s29] =	ssyncadd.s32 $0xFFFFF000  }
0xa8: {  	_ =	swait.ge [sflag:s29], $0x1000  }
0xa9: {  	[sflag:s29] =	ssyncset.done $0x0  }
0xaa: {  	[sflag:s29] =	ssyncadd.s32 $0xFFFFF000  }
0xab: {  	_ =	swait.ge [sflag:s29], $0x1000  }
0xac: {  	[sflag:s29] =	ssyncset.done $0x0  }
0xad: {  	[sflag:s29] =	ssyncadd.s32 $0xFFFFF000  }
0xae: {  	_ =	swait.ge [sflag:s29], $0x1000  }
0xaf: {  	[sflag:s29] =	ssyncset.done $0x0  }
0xb0: {  	[sflag:s29] =	ssyncadd.s32 $0xFFFFF000  }
0xb1: {  	_ =	swait.ge [sflag:s29], $0x1000  }
0xb2: {  	[sflag:s29] =	ssyncset.done $0x0  }
0xb3: {  	[sflag:s29] =	ssyncadd.s32 $0xFFFFF000  }
0xb4: {  	_ =	swait.ge [sflag:s29], $0x1000  }
0xb5: {  	[sflag:s29] =	ssyncset.done $0x0  }
0xb6: {  	[sflag:s29] =	ssyncadd.s32 $0xFFFFF000  }
0xb7: {  	_ =	swait.ge [sflag:s29], $0x1000  }
0xb8: {  	[sflag:s29] =	ssyncset.done $0x0  }
0xb9: {  	[sflag:s29] =	ssyncadd.s32 $0xFFFFF000  }
0xba: {  	_ =	swait.ge [sflag:s29], $0x1000  }
0xbb: {  	[sflag:s29] =	ssyncset.done $0x0  }
0xbc: {  	[sflag:s29] =	ssyncadd.s32 $0xFFFFF000  }
0xbd: {  	_ =	swait.ge [sflag:s29], $0x1000  }
0xbe: {  	[sflag:s29] =	ssyncset.done $0x0  }
0xbf: {  	[sflag:s29] =	ssyncadd.s32 $0xFFFFF000  }
0xc0: {  	_ =	swait.ge [sflag:s29], $0x1000  }
0xc1: {  	[sflag:s29] =	ssyncset.done $0x0  }
0xc2: {  	[sflag:s29] =	ssyncadd.s32 $0xFFFFF000  }
0xc3: {  	_ =	swait.ge [sflag:s29], $0x1000  }
0xc4: {  	[sflag:s29] =	ssyncset.done $0x0  }
0xc5: {  	[sflag:s29] =	ssyncadd.s32 $0xFFFFF000  }
0xc6: {  	_ =	swait.ge [sflag:s29], $0x1000  }
0xc7: {  	[sflag:s29] =	ssyncset.done $0x0  }
0xc8: {  	[sflag:s29] =	ssyncadd.s32 $0xFFFFF000  }
0xc9: {  	_ =	swait.ge [sflag:s29], $0x1000  }
0xca: {  	[sflag:s29] =	ssyncset.done $0x0  }
0xcb: {  	[sflag:s29] =	ssyncadd.s32 $0xFFFFF000  }
0xcc: {  	_ =	swait.ge [sflag:s29], $0x1000  }
0xcd: {  	[sflag:s29] =	ssyncset.done $0x0  }
0xce: {  	[sflag:s29] =	ssyncadd.s32 $0xFFFFF000  }
0xcf: {  	_ =	swait.ge [sflag:s29], $0x1000  }
0xd0: {  	[sflag:s29] =	ssyncset.done $0x0  }
0xd1: {  	[sflag:s29] =	ssyncadd.s32 $0xFFFFF000  }
0xd2: {  	_ =	swait.ge [sflag:s29], $0x1000  }
0xd3: {  	[sflag:s29] =	ssyncset.done $0x0  }
0xd4: {  	[sflag:s29] =	ssyncadd.s32 $0xFFFFF000  }
0xd5: {  	_ =	swait.ge [sflag:s29], $0x1000  }
0xd6: {  	[sflag:s29] =	ssyncset.done $0x0  }
0xd7: {  	[sflag:s29] =	ssyncadd.s32 $0xFFFFF000  }
0xd8: {  	_ =	swait.ge [sflag:s29], $0x1000  }
0xd9: {  	[sflag:s29] =	ssyncset.done $0x0  }
0xda: {  	[sflag:s29] =	ssyncadd.s32 $0xFFFFF000  }
0xdb: {  	_ =	swait.ge [sflag:s29], $0x1000  }
0xdc: {  	[sflag:s29] =	ssyncset.done $0x0  }
0xdd: {  	[sflag:s29] =	ssyncadd.s32 $0xFFFFF000  }
0xde: {  	_ =	swait.ge [sflag:s29], $0x1000  }
0xdf: {  	[sflag:s29] =	ssyncset.done $0x0  }
0xe0: {  	s18 =	simm.s32 $0x2;
	[sflag:s29] =	ssyncadd.s32 $0xFFFFF000  }
0xe1: {  	_ =	swait.ge [sflag:s18], $0x80  }
0xe2: {  	[sflag:s18] =	ssyncset.done $0x0  }
0xe3: {  	[sflag:s18] =	ssyncadd.s32 $0xFFFFFF80  }
0xe4: {  	_ =	swait.ge [sflag:s18], $0x80  }
0xe5: {  	[sflag:s18] =	ssyncset.done $0x0  }
0xe6: {  	[sflag:s18] =	ssyncadd.s32 $0xFFFFFF80  }
0xe7: {  	_ =	swait.ge [sflag:s18], $0x80  }
0xe8: {  	[sflag:s18] =	ssyncset.done $0x0  }
0xe9: {  	[sflag:s18] =	ssyncadd.s32 $0xFFFFFF80  }
0xea: {  	_ =	swait.ge [sflag:s18], $0x80  }
0xeb: {  	[sflag:s18] =	ssyncset.done $0x0  }
0xec: {  	[sflag:s18] =	ssyncadd.s32 $0xFFFFFF80  }
0xed: {  	_ =	swait.ge [sflag:s18], $0x80  }
0xee: {  	[sflag:s18] =	ssyncset.done $0x0  }
0xef: {  	[sflag:s18] =	ssyncadd.s32 $0xFFFFFF80  }
0xf0: {  	[bflag:$0x0] =	sbarrier.arrive $0xFFFF  }
0xf1: {  	s22 =	rddreg [dreg:$0x12]  }
0xf2: {  	s19 =	simm.s32 $0x0;
	s23 =	sld [smem:$0x7F9]  }
0xf3: {  	[tilespmem:s19], [sflag:$0x7] =	stream.linear.gather [hbm4b:s22+s19], $0xC0, $0x38;
	[tilespmem:$0x1A800] =	vst v63  }
0xf4: {  	s15 =	simm.s32 $0xC0;
	s24 =	sld [smem:$0x7FA]  }
0xf5: {  	[tilespmem:s15], [sflag:$0x7] =	stream.linear.gather [hbm4b:s23+s19], $0xC0, $0x38;
	[tilespmem:$0x1A800] =	vst v63  }
0xf6: {  	s25 =	simm.s32 $0x7;
	s20 =	simm.s32 $0x180  }
0xf7: {  	[tilespmem:s20], [sflag:$0x7] =	stream.linear.gather [hbm4b:s24+s19], $0xC0, $0x38;
	[tilespmem:$0x1A800] =	vst v63  }
0xf8: {  	_ =	swait.ge [sflag:s25], $0xC0  }
0xf9: {  	[sflag:s25] =	ssyncset.done $0x0  }
0xfa: {  	[sflag:s25] =	ssyncadd.s32 $0xFFFFFF40  }
0xfb: {  	_ =	swait.ge [sflag:s25], $0xC0  }
0xfc: {  	[sflag:s25] =	ssyncset.done $0x0  }
0xfd: {  	[sflag:s25] =	ssyncadd.s32 $0xFFFFFF40  }
0xfe: {  	_ =	swait.ge [sflag:s25], $0xC0  }
0xff: {  	s28 =	sld [smem:$0x7FB]  }
0x100: {  	[sflag:s25] =	ssyncset.done $0x0  }
0x101: {  	s31 =	simm.s32 $0x240;
	s17 =	sld [smem:$0x7FC];
	[sflag:s25] =	ssyncadd.s32 $0xFFFFFF40  }
0x102: {  	[tilespmem:s31], [sflag:$0x7] =	stream.linear.gather [hbm4b:s28+s19], $0xC0, $0x38;
	[tilespmem:$0x1A800] =	vst v63  }
0x103: {  	s21 =	simm.s32 $0x300;
	s22 =	sld [smem:$0x7FD]  }
0x104: {  	[tilespmem:s21], [sflag:$0x7] =	stream.linear.gather [hbm4b:s17+s19], $0xC0, $0x38;
	[tilespmem:$0x1A800] =	vst v63  }
0x105: {  	s23 =	simm.s32 $0x3C0  }
0x106: {  	[tilespmem:s23], [sflag:$0x7] =	stream.linear.gather [hbm4b:s22+s19], $0xC0, $0x38;
	[tilespmem:$0x1A800] =	vst v63  }
0x107: {  	_ = 	snop  }
0x108: {  	[tilespmem:s26], [sflag:$0x1] =	stream.indirect.gather [hbm4b:s0+s4], $0x80, s19, s4, $0xb8;
	[tilespmem:$0x1A800] =	vst v63  }
0x109: {  	s24 =	simm.s32 $0x3480  }
0x10a: {  	[tilespmem:s24], [sflag:$0x1] =	stream.indirect.gather [hbm4b:s1+s4], $0x80, s15, s4, $0xb8;
	[tilespmem:$0x1A800] =	vst v63  }
.Ltmp3:
0x10b: {  	_ = 	snop;
	(pc) =	sbr.rel .LBB2_4-.Ltmp3, $4  }
0x10c: {  	s30 =	simm.s32 $0x0;
	s25 =	simm.s32 $0x1480;
	s28 =	simm.s32 $0xE0  }
0x10d: {  	[tilespmem:s25], [sflag:$0x2] =	stream.indirect.gather [hbm4b:s0+s4], $0x80, s4, s4, $0xb8;
	[tilespmem:$0x1A800] =	vst v63  }
0x10e: {  	s31 =	simm.s32 $0x4480;
	s21 =	simm.s32 $0x0;
	s23 =	simm.s32 $0x0  }
0x10f: {  	[tilespmem:s31], [sflag:$0x2] =	stream.indirect.gather [hbm4b:s1+s4], $0x80, s28, s4, $0xb8;
	[tilespmem:$0x1A800] =	vst v63  }
.LBB2_6:
0x110: {  	s17 =	sadd.s32 $0x10, s17  }
0x111: {  	p0 =	sne.s32 s17, s21  }
0x112: {  	p1 =	sge.u32 @!p0 s10, s9  }
0x113: {  	p0 =	por p1, p0  }
0x114: {  	s10 =	simm.s32 @!p0 $0x7  }
0x115: {  	_ =	swait.ge @!p0 [sflag:s10], $0xC0  }
0x116: {  	[sflag:s10] =	ssyncset.done @!p0 $0x0  }
0x117: {  	[sflag:s10] =	ssyncadd.s32 @!p0 $0xFFFFFF40  }
0x118: {  	_ =	swait.ge @!p0 [sflag:s10], $0xC0  }
0x119: {  	[sflag:s10] =	ssyncset.done @!p0 $0x0  }
0x11a: {  	[sflag:s10] =	ssyncadd.s32 @!p0 $0xFFFFFF40  }
0x11b: {  	_ =	swait.ge @!p0 [sflag:s10], $0xC0  }
0x11c: {  	[sflag:s10] =	ssyncset.done @!p0 $0x0  }
0x11d: {  	[sflag:s10] =	ssyncadd.s32 @!p0 $0xFFFFFF40  }
.LBB2_7:
0x11e: {  	p0 =	sge.u32 s15, s11  }
0x11f: {  	s15 =	smulhi.u32 @!p0 $0xAAAAAAAB, s18  }
0x120: {  	s10 =	sshrl.u32 s25, $0x2;
	s17 =	smul.u32 $0xFFFF4000, s24  }
0x121: {  	s10 =	smul.u32 $0xFFFFFD00, s10;
	s15 =	sshrl.u32 @!p0 s15, $0x2  }
0x122: {  	s22 =	sadd.s32 $0x3, s22;
	s24 =	simm.s32 @!p0 $0x240;
	s15 =	sand.u32 @!p0 $0x1, s15  }
0x123: {  	s25 =	sshra.s32 @!p0 s19, $0x2;
	s10 =	sshra.s32 s10, $0x2;
	p1 =	seq.s32 @!p0 s15, $0x1  }
0x124: {  	s17 =	sshra.s32 s17, $0x2;
	s10 =	sadd.s32 s10, s30;
	p1 =	por !p1, p0  }
0x125: {  	s15 =	sadd.s32 $0x2480, s17;
	s17 =	sadd.s32 $0x5480, s17;
	s24 =	simm.s32 @p1 $0x0  }
0x126: {  	s15 =	sadd.s32 @!p0 s25, s15;
	s10 =	sadd.s32 @!p0 s24, s10;
	s24 =	sshra.s32 @!p0 s21, $0x2  }
0x127: {  	s28 =	sadd.s32 @!p0 $0x40, s10;
	s22 =	sadd.s32 @!p0 s24, s22;
	s24 =	simm.s32 @!p0 $0x20  }
0x128: {  	[tilespmem:s15], [sflag:s22] =	stream.indirect.gather @!p0 [hbm4b:s0+s24], $0x80, s28, s24, $0xb8;
	[tilespmem:$0x1A800] =	vst v63  }
0x129: {  	s23 =	sadd.s32 $0x1, s23;
	s10 =	sadd.s32 @!p0 $0x100, s10;
	s15 =	sadd.s32 @!p0 s25, s17  }
0x12a: {  	[tilespmem:s15], [sflag:s22] =	stream.indirect.gather @!p0 [hbm4b:s1+s24], $0x80, s10, s24, $0xb8;
	[tilespmem:$0x1A800] =	vst v63  }
0x12b: {  	p0 =	sne.s32 s23, s11  }
.Ltmp4:
0x12c: {  	_ = 	snop;
	(pc) =	sbr.rel @!p0 .LBB2_8-.Ltmp4, $3  }
0x12d: {  	_ =	sdelay $0x1  }
0x12e: {  	s20 =	sadd.s32 $0x20, s20;
	s18 =	sadd.s32 $0x1, s18  }
0x12f: {  	s19 =	sadd.s32 $0x4000, s19;
	s30 =	sadd.s32 $0x20, s30;
	s21 =	sadd.s32 $0x4, s21  }
.LBB2_4:
0x130: {  	s10 =	smulhi.u32 $0xAAAAAAAB, s23;
	_ =	sdelay $0x1  }
0x131: {  	s15 =	sshrl.u32 s10, $0x1  }
0x132: {  	s17 =	smul.u32 $0xFFFFFFF4, s15;
	_ =	sdelay $0x1  }
0x133: {  	s22 =	sshra.s32 s21, $0x2;
	s17 =	sshra.s32 s17, $0x2  }
0x134: {  	s10 =	sshrl.u32 s10, $0x2;
	s17 =	sadd.s32 s22, s17  }
0x135: {  	s15 =	smul.u32 $0xFFFF4000, s15;
	s25 =	sand.u32 $0x1, s10;
	s24 =	sadd.s32 $0x1, s17  }
0x136: {  	s22 =	smul.u32 $0x900, s25;
	_ =	swait.ge [sflag:s24], $0x1000  }
0x137: {  	s25 =	smul.u32 $0x300, s10;
	[sflag:s24] =	ssyncset.done $0x0  }
0x138: {  	s31 =	sshra.s32 s19, $0x2;
	s15 =	sshra.s32 s15, $0x2;
	[sflag:s24] =	ssyncadd.s32 $0xFFFFF000  }
0x139: {  	s15 =	sadd.s32 s31, s15;
	s22 =	ssub.s32 s22, s25;
	_ =	swait.ge [sflag:s24], $0x1000  }
0x13a: {  	s17 =	sadd.s32 $0x4, s17;
	s22 =	sshra.s32 s22, $0x2;
	[sflag:s24] =	ssyncset.done $0x0  }
0x13b: {  	s25 =	sadd.s32 $0x480, s15;
	s22 =	sadd.s32 s22, s20;
	[sflag:s24] =	ssyncadd.s32 $0xFFFFF000  }
0x13c: {  	[spmem:s5] =	stream.indirect.scatter.add.f32 [tilespmem:s25], [sflag:s17], $0x80, s22, s4, $0xb8;
	[tilespmem:$0x1A800] =	vst v63  }
0x13d: {  	s15 =	sadd.s32 $0x3480, s15;
	s25 =	smulhi.u32 $0xAAAAAAAB, s18  }
0x13e: {  	[spmem:s5] =	stream.indirect.scatter.add.f32 [tilespmem:s15], [sflag:s17], $0x80, s22, s4, $0xb8;
	[tilespmem:$0x1A800] =	vst v63  }
0x13f: {  	p1 =	seq.s32 s21, $0x0;
	s24 =	sshrl.u32 s25, $0x1;
	s15 =	sadd.s32 $0x2, s23  }
0x140: {  	s31 =	smul.u32 $0xFFFFFFF4, s24;
	p0 =	sge.u32 @!p1 s15, s11  }
0x141: {  	[spmem:s6] =	stream.indirect.scatter.add.f32 [tilespmem:s3], [sflag:s17], $0x1, s22, s4, $0xb8;
	[tilespmem:$0x1A800] =	vst v63  }
0x142: {  	p0 =	por p0, p1;
	s22 =	sshra.s32 s31, $0x2  }
0x143: {  	s28 =	sshra.s32 @!p0 s21, $0x2;
	s17 =	sadd.s32 $0x6, s22  }
0x144: {  	s31 =	sadd.s32 @!p0 s28, s17;
	s28 =	sadd.s32 $0xFFFFFFFE, s18;
	s17 =	smul.u32 $0x18, s10  }
0x145: {  	s10 =	smulhi.u32 $0xAAAAAAAB, s28;
	_ =	sdelay $0x1  }
0x146: {  	_ =	swait.ge @!p0 [sflag:s31], $0x1000;
	p2 =	sne.s32 @!p1 s17, s21;
	s28 =	sshrl.u32 s10, $0x2  }
0x147: {  	[sflag:s31] =	ssyncset.done @!p0 $0x0;
	p1 =	por p1, p2;
	s10 =	sadd.s32 $0x1, s28  }
0x148: {  	[sflag:s31] =	ssyncadd.s32 @!p0 $0xFFFFF000;
	p2 =	sge.u32 @!p1 s10, s9  }
0x149: {  	_ =	swait.ge @!p0 [sflag:s31], $0x1000;
	p1 =	por p1, p2  }
.Ltmp5:
0x14a: {  	[sflag:s31] =	ssyncset.done @!p0 $0x0;
	(pc) =	sbr.rel @p1 .LBB2_6-.Ltmp5, $4  }
0x14b: {  	[sflag:s31] =	ssyncadd.s32 @!p0 $0xFFFFF000  }
0x14c: {  	_ =	swait.ge @!p0 [sflag:s31], $0x20  }
0x14d: {  	[sflag:s31] =	ssyncset.done @!p0 $0x0  }
0x14e: {  	[sflag:s31] =	ssyncadd.s32 @!p0 $0xFFFFFFE0  }
0x14f: {  	s17 =	sand.u32 $0x1, s28;
	s10 =	smul.u32 $0x6, s10  }
0x150: {  	s17 =	sxor.u32 $0x1, s17  }
0x151: {  	s10 =	sadd.s32 s8, s10;
	s17 =	smul.u32 $0x900, s17  }
0x152: {  	s10 =	sshll.u32 s10, $0x2  }
0x153: {  	s17 =	sshrl.u32 s17, $0x2;
	s31 =	sadd.s32 s2, s10;
	s10 =	sand.u32 $0x1FFFFFFC, s10  }
0x154: {  	[tilespmem:s17], [sflag:$0x7] =	stream.linear.gather [hbm4b:s31+s7], $0xC0, $0x38;
	[tilespmem:$0x1A800] =	vst v63  }
.Ltmp6:
0x155: {  	s10 =	sadd.s32 s2, s10;
	(pc) =	sbr.rel .LBB2_7-.Ltmp6, $4  }
0x156: {  	s28 =	sadd.s32 $0xC0, s17;
	s31 =	sadd.s32 $0x9F00, s10  }
0x157: {  	[tilespmem:s28], [sflag:$0x7] =	stream.linear.gather [hbm4b:s31+s7], $0xC0, $0x38;
	[tilespmem:$0x1A800] =	vst v63  }
0x158: {  	s17 =	sadd.s32 $0x180, s17;
	s10 =	sadd.s32 $0x13E00, s10  }
0x159: {  	[tilespmem:s17], [sflag:$0x7] =	stream.linear.gather [hbm4b:s10+s7], $0xC0, $0x38;
	[tilespmem:$0x1A800] =	vst v63  }
.LBB2_9:
0x15a: {  	_ =	sfence.sel $0x180000  }
0x15b: {  	[bflag:$0x0] =	sbarrier.arrive $0xFFFF  }
0x15c: {  	_ =	strace $0x90000047  }
0x15d: {  	s0 =	stileid.u32;
	[bflag:$0x2] =	sbarrier.arrive $0xFFFF  }
0x15e: {  	p0 =	sne.s32 s0, $0x0;
	s0 =	rddreg [dreg:$0x6]  }
0x15f: {  	s0 =	sadd.s32 @!p0 $0x100000, s0  }
0x160: {  	[sflag:s0] =	ssyncadd.tile.s32 @!p0 $0x1;
	_ =	shalt  }
.Lfunc_end2:
_tile_overlayer_lowered:
.L_overlay_start_2:
0x161: {  	(tag) =	ssettag $0x2  }
0x162: {  	s0 =	rddreg [dreg:$0x0];
	s2 =	stileid.u32  }
0x163: {  	s1 =	rddreg [dreg:$0x1];
	p0 =	sne.s32 s2, $0x0  }
0x164: {  	s3 =	rddreg [dreg:$0x2];
	[bflag:$0x3] =	sbarrier.arrive $0xFFFF;
	s2 =	simm.s32 @!p0 $0x1C08  }
0x165: {  	[timem:s3], [sflag:s2] =	dma.local @!p0 [hbm:s0], s1  }
0x166: {  	s0 =	simm.s32 @!p0 $0x8  }
0x167: {  	_ =	swait.ge @!p0 [sflag:s0], s1  }
0x168: {  	s1 =	ssub.s32 @!p0 $0x0, s1;
	[sflag:s0] =	ssyncset.done @!p0 $0x0  }
0x169: {  	[sflag:s0] =	ssyncadd.s32 @!p0 s1  }
0x16a: {  	[bflag:$0x3] =	sbarrier.arrive $0xFFFF  }
0x16b: {  	_ =	shalt  }

</sc_bundles>
